<compile_context>
chip_gen: v7x
topology: tpu7x:2x2x1
jax: 0.10.2.dev20260603
libtpu: 0.0.44.dev20260713+nightly
codegen_flags: <defaults>
</compile_context>

<pallas_src>
import functools
import jax
import jax.numpy as jnp
from jax import lax
from jax.experimental import pallas as pl
from jax.experimental.pallas import tpu as pltpu
from jax.experimental.pallas import tpu_sc as plsc

_B, _C, _R = 128, 24, 20
_NP = 16
_M = _NP * (_NP - 1) // 2
_D = 256
_BAYL = _C * (_R + 1)
_L = _BAYL + _M + (_NP - 2) + 1
_NSP = 616

_NC, _NS = 2, 16
_NW = _NC * _NS
_BPW = _B // _NW
_CPG = 8
_CHROWS = _CPG * (_R + 1)
_NGB = _C // _CPG
_TL = _M + (_NP - 2) + 1

_ROW_WC, _ROW_WT, _ROW_BC, _ROW_BT, _ROW_TOK = 0, 1, 2, 3, 4


def _sc_body(scal_hbm, ctab_hbm, out_hbm, scal_v, ctab_v, buf):
    wid = lax.axis_index("s") * _NC + lax.axis_index("c")
    pltpu.sync_copy(ctab_hbm, ctab_v)

    wc = [ctab_v[_ROW_WC, pl.ds(16 * j, 16)] for j in range(16)]
    wt = [ctab_v[_ROW_WT, pl.ds(16 * j, 16)] for j in range(16)]
    bc = [ctab_v[_ROW_BC, pl.ds(16 * j, 16)] for j in range(16)]
    bt = [ctab_v[_ROW_BT, pl.ds(16 * j, 16)] for j in range(16)]

    def token_row(row, tok):
        for j in range(16):
            buf[row, pl.ds(16 * j, 16)] = ctab_v[_ROW_TOK + tok, pl.ds(16 * j, 16)]

    def per_batch(i, carry):
        b = wid * _BPW + i
        pltpu.sync_copy(scal_hbm.at[b], scal_v)

        for g in range(_NGB):
            def col_body(cc, _, g=g):
                base = cc * (_R + 1)

                def r_body(r, _):
                    sidx = (g * _CPG + cc) * _R + r
                    sv = scal_v[pl.ds(sidx, 16)]
                    svec = jnp.full((16,), sv[0], jnp.float32)
                    for j in range(16):
                        buf[base + r, pl.ds(16 * j, 16)] = svec * wc[j] + bc[j]
                    return 0

                lax.fori_loop(0, _R, r_body, 0)
                token_row(base + _R, 0)
                return 0

            lax.fori_loop(0, _CPG, col_body, 0)
            if g == _NGB - 1:
                token_row(_CHROWS - 1, 1)
            pltpu.sync_copy(buf, out_hbm.at[b, pl.ds(g * _CHROWS, _CHROWS)])

        def t_row(k, _):
            qk = 16 * k - (k * (k - 1)) // 2
            tk = _C * _R + 15 * k - (k * (k - 1)) // 2

            def r_body(r, _):
                sv = scal_v[pl.ds(tk + r, 16)]
                svec = jnp.full((16,), sv[0], jnp.float32)
                for j in range(16):
                    buf[qk + r, pl.ds(16 * j, 16)] = svec * wt[j] + bt[j]
                return 0

            lax.fori_loop(0, 15 - k, r_body, 0)
            return 0

        lax.fori_loop(0, _NP - 1, t_row, 0)

        def t_tok(k, _):
            row = 16 * (k + 1) - ((k + 1) * k) // 2 - 1
            token_row(row, 2)
            return 0

        lax.fori_loop(0, _NP - 2, t_tok, 0)
        token_row(_TL - 1, 3)
        token_row(_TL, 3)
        pltpu.sync_copy(buf.at[pl.ds(0, _TL + 1)],
                        out_hbm.at[b, pl.ds(_BAYL, _TL + 1)])
        return 0

    lax.fori_loop(0, _BPW, per_batch, 0)


@functools.partial(
    pl.kernel,
    out_type=jax.ShapeDtypeStruct((_B, _L + 1, _D), jnp.float32),
    compiler_params=pltpu.CompilerParams(use_tc_tiling_on_sc=True),
    mesh=plsc.VectorSubcoreMesh(
        core_axis_name="c", subcore_axis_name="s",
        num_cores=_NC, num_subcores=_NS),
    scratch_types=[
        pltpu.VMEM((_NSP,), jnp.float32),
        pltpu.VMEM((8, _D), jnp.float32),
        pltpu.VMEM((_CHROWS, _D), jnp.float32),
    ],
)
def _sc_kernel(scal_hbm, ctab_hbm, out_hbm, scal_v, ctab_v, buf):
    _sc_body(scal_hbm, ctab_hbm, out_hbm, scal_v, ctab_v, buf)


def kernel(bay, T, W_c, b_c, W_t, b_t, token_table):
    scal = jnp.concatenate(
        [bay.reshape(_B, _C * _R), T.reshape(_B, _M),
         jnp.zeros((_B, _NSP - _C * _R - _M), jnp.float32)], axis=1)
    ctab = jnp.concatenate(
        [W_c.reshape(1, _D), W_t.reshape(1, _D),
         b_c[None, :], b_t[None, :], token_table], axis=0)
    return _sc_kernel(scal, ctab)[:, :_L, :]

# --- scband reference (transcript-rebuilt; emitter-appended) ---
"""Pipeline reference for scband-sequence-embedder-5643587026959 (READ-ONLY COPY).

The authoritative reference and input builder live on the scoring server;
editing this copy changes nothing except your own understanding.
"""

import jax, jax.numpy as jnp
import numpy as np

B, C, R = 128, 24, 20
N_PORTS = 16
M = N_PORTS * (N_PORTS - 1) // 2  # 120, triangular number required by forward
D = 256


def setup_inputs(seed: int = 0) -> dict:
    key = jax.random.key(seed)
    k1, k2, k3, k4, k5 = jax.random.split(key, 5)
    bay = jax.random.normal(k1, (B, 1, C, R), dtype=jnp.float32)
    T = jax.random.uniform(k2, (B, 1, M), dtype=jnp.float32)
    # nn.Linear(1, D) params: weight [D,1], bias [D]
    W_c = jax.random.normal(k3, (D, 1), dtype=jnp.float32) * 0.02
    b_c = jnp.zeros((D,), dtype=jnp.float32)
    W_t = jax.random.normal(k4, (D, 1), dtype=jnp.float32) * 0.02
    b_t = jnp.zeros((D,), dtype=jnp.float32)
    # nn.Embedding(4, D)
    token_table = jax.random.normal(k5, (4, D), dtype=jnp.float32) * 0.02
    return {"bay": bay, "T": T, "W_c": W_c, "b_c": b_c, "W_t": W_t, "b_t": b_t, "token_table": token_table}


def reference(bay, T, W_c, b_c, W_t, b_t, token_table):
    COL_STOP, BAY_STOP, NEXT_PORT, T_STOP = 0, 1, 2, 3
    bay = jnp.squeeze(bay, axis=1)   # [B, C, R]
    T = jnp.squeeze(T, axis=1)       # [B, M]
    batch_size, Cc, Rr = bay.shape
    bay_flat = bay.reshape(batch_size, -1, 1)   # [B, C*R, 1]
    T_flat = T.reshape(batch_size, -1, 1)       # [B, M, 1]
    bay_emb = jnp.dot(bay_flat, W_c.T) + b_c    # [B, C*R, D]
    T_emb = jnp.dot(T_flat, W_t.T) + b_t        # [B, M, D]
    d = bay_emb.shape[-1]
    # --- bay part: insert COL_STOP after every R elements (except after the last group), then BAY_STOP ---
    bay_g = bay_emb.reshape(batch_size, Cc, Rr, d)
    col_tok = jnp.broadcast_to(token_table[COL_STOP], (batch_size, Cc, 1, d))
    bay_w = jnp.concatenate([bay_g, col_tok], axis=2).reshape(batch_size, Cc * (Rr + 1), d)
    bay_w = bay_w[:, :-1]  # drop the COL_STOP that would follow the final column
    bay_stop = jnp.broadcast_to(token_table[BAY_STOP], (batch_size, 1, d))
    bay_w = jnp.concatenate([bay_w, bay_stop], axis=1)  # [B, C*(R+1), D]
    # --- T part: rows of lengths N-1, N-2, ..., 1 with NEXT_PORT between rows, then T_STOP ---
    Mtot = T_emb.shape[1]
    Nn = int((1 + (1 + 8 * Mtot) ** 0.5) / 2)
    segs = []
    idx = 0
    for row_len in range(Nn - 1, 0, -1):
        segs.append(T_emb[:, idx:idx + row_len])
        idx += row_len
        if idx != Mtot:
            segs.append(jnp.broadcast_to(token_table[NEXT_PORT], (batch_size, 1, d)))
    segs.append(jnp.broadcast_to(token_table[T_STOP], (batch_size, 1, d)))
    T_w = jnp.concatenate(segs, axis=1)  # [B, M + (N-2) + 1, D]
    # all per-sample sequences have identical length, so pad_sequence == stack/concat
    final_sequence = jnp.concatenate([bay_w, T_w], axis=1)
    return final_sequence

if __name__ == "__main__":
    import jax
    _d = setup_inputs()
    print(jax.jit(kernel)(*tuple(_d.values())))

</pallas_src>

<mosaic_0001>
#map = affine_map<(d0, d1) -> (0, 0)>
#map1 = affine_map<(d0, d1) -> (0, 0, 0)>
module attributes {stable_mosaic.version = 14 : i64} {
  func.func @_sc_kernel(%arg0: i32, %arg1: i32, %arg2: memref<128x616xf32, #tpu.memory_space<hbm>>, %arg3: memref<8x256xf32, #tpu.memory_space<hbm>>, %arg4: memref<128x640x256xf32, #tpu.memory_space<hbm>>, %arg5: memref<616xf32, #tpu.memory_space<vmem>>, %arg6: memref<8x256xf32, #tpu.memory_space<vmem>>, %arg7: memref<168x256xf32, #tpu.memory_space<vmem>>) attributes {dimension_semantics = [#tpu.dimension_semantics<core_parallel>, #tpu.dimension_semantics<subcore_parallel>], iteration_bounds = array<i64: 2, 16>, scalar_prefetch = 0 : i64, scratch_operands = 3 : i64, tpu.core_type = #tpu.core_type<sc_vector_subcore>, window_params = [{transform_indices = #map}, {transform_indices = #map}, {transform_indices = #map1}]} {
    %mul3A = arith.constant 2 : i32
    %mul3A_0 = arith.muli %arg1, %mul3A : i32
    %add3A = arith.addi %mul3A_0, %arg0 : i32
    "tpu.region"() ({
      %run_scoped3A = tpu.sem_alloc : memref<!tpu.dma_semaphore, #tpu.memory_space<semaphore_mem>>
      tpu.enqueue_dma source(%arg3 : memref<8x256xf32, #tpu.memory_space<hbm>>) target(%arg6 : memref<8x256xf32, #tpu.memory_space<vmem>>) target_semaphore(%run_scoped3A : memref<!tpu.dma_semaphore, #tpu.memory_space<semaphore_mem>>)
      tpu.wait_dma2 semaphore(%run_scoped3A : memref<!tpu.dma_semaphore, #tpu.memory_space<semaphore_mem>>) src(%arg3 : memref<8x256xf32, #tpu.memory_space<hbm>>) dst(%arg6 : memref<8x256xf32, #tpu.memory_space<vmem>>)
      tpu.yield
    }) : () -> ()
    %get3A = arith.constant 0 : i32
    %get3A_1 = arith.index_cast %get3A : i32 to index
    %get3A_2 = arith.constant 0 : index
    %get3A_3 = tpu.vector_load %arg6[%get3A_1, %get3A_2] {strides = array<i32>} : memref<8x256xf32, #tpu.memory_space<vmem>>, vector<1x16xf32>,
    %get3A_4 = vector.shape_cast %get3A_3 : vector<1x16xf32> to vector<16xf32>
    %get3A_5 = arith.constant 0 : i32
    %get3A_6 = arith.index_cast %get3A_5 : i32 to index
    %get3A_7 = arith.constant 16 : index
    %get3A_8 = tpu.vector_load %arg6[%get3A_6, %get3A_7] {strides = array<i32>} : memref<8x256xf32, #tpu.memory_space<vmem>>, vector<1x16xf32>,
    %get3A_9 = vector.shape_cast %get3A_8 : vector<1x16xf32> to vector<16xf32>
    %get3A_10 = arith.constant 0 : i32
    %get3A_11 = arith.index_cast %get3A_10 : i32 to index
    %get3A_12 = arith.constant 32 : index
    %get3A_13 = tpu.vector_load %arg6[%get3A_11, %get3A_12] {strides = array<i32>} : memref<8x256xf32, #tpu.memory_space<vmem>>, vector<1x16xf32>,
    %get3A_14 = vector.shape_cast %get3A_13 : vector<1x16xf32> to vector<16xf32>
    %get3A_15 = arith.constant 0 : i32
    %get3A_16 = arith.index_cast %get3A_15 : i32 to index
    %get3A_17 = arith.constant 48 : index
    %get3A_18 = tpu.vector_load %arg6[%get3A_16, %get3A_17] {strides = array<i32>} : memref<8x256xf32, #tpu.memory_space<vmem>>, vector<1x16xf32>,
    %get3A_19 = vector.shape_cast %get3A_18 : vector<1x16xf32> to vector<16xf32>
    %get3A_20 = arith.constant 0 : i32
    %get3A_21 = arith.index_cast %get3A_20 : i32 to index
    %get3A_22 = arith.constant 64 : index
    %get3A_23 = tpu.vector_load %arg6[%get3A_21, %get3A_22] {strides = array<i32>} : memref<8x256xf32, #tpu.memory_space<vmem>>, vector<1x16xf32>,
    %get3A_24 = vector.shape_cast %get3A_23 : vector<1x16xf32> to vector<16xf32>
    %get3A_25 = arith.constant 0 : i32
    %get3A_26 = arith.index_cast %get3A_25 : i32 to index
    %get3A_27 = arith.constant 80 : index
    %get3A_28 = tpu.vector_load %arg6[%get3A_26, %get3A_27] {strides = array<i32>} : memref<8x256xf32, #tpu.memory_space<vmem>>, vector<1x16xf32>,
    %get3A_29 = vector.shape_cast %get3A_28 : vector<1x16xf32> to vector<16xf32>
    %get3A_30 = arith.constant 0 : i32
    %get3A_31 = arith.index_cast %get3A_30 : i32 to index
    %get3A_32 = arith.constant 96 : index
    %get3A_33 = tpu.vector_load %arg6[%get3A_31, %get3A_32] {strides = array<i32>} : memref<8x256xf32, #tpu.memory_space<vmem>>, vector<1x16xf32>,
    %get3A_34 = vector.shape_cast %get3A_33 : vector<1x16xf32> to vector<16xf32>
    %get3A_35 = arith.constant 0 : i32
    %get3A_36 = arith.index_cast %get3A_35 : i32 to index
    %get3A_37 = arith.constant 112 : index
    %get3A_38 = tpu.vector_load %arg6[%get3A_36, %get3A_37] {strides = array<i32>} : memref<8x256xf32, #tpu.memory_space<vmem>>, vector<1x16xf32>,
    %get3A_39 = vector.shape_cast %get3A_38 : vector<1x16xf32> to vector<16xf32>
    %get3A_40 = arith.constant 0 : i32
    %get3A_41 = arith.index_cast %get3A_40 : i32 to index
    %get3A_42 = arith.constant 128 : index
    %get3A_43 = tpu.vector_load %arg6[%get3A_41, %get3A_42] {strides = array<i32>} : memref<8x256xf32, #tpu.memory_space<vmem>>, vector<1x16xf32>,
    %get3A_44 = vector.shape_cast %get3A_43 : vector<1x16xf32> to vector<16xf32>
    %get3A_45 = arith.constant 0 : i32
    %get3A_46 = arith.index_cast %get3A_45 : i32 to index
    %get3A_47 = arith.constant 144 : index
    %get3A_48 = tpu.vector_load %arg6[%get3A_46, %get3A_47] {strides = array<i32>} : memref<8x256xf32, #tpu.memory_space<vmem>>, vector<1x16xf32>,
    %get3A_49 = vector.shape_cast %get3A_48 : vector<1x16xf32> to vector<16xf32>
    %get3A_50 = arith.constant 0 : i32
    %get3A_51 = arith.index_cast %get3A_50 : i32 to index
    %get3A_52 = arith.constant 160 : index
    %get3A_53 = tpu.vector_load %arg6[%get3A_51, %get3A_52] {strides = array<i32>} : memref<8x256xf32, #tpu.memory_space<vmem>>, vector<1x16xf32>,
    %get3A_54 = vector.shape_cast %get3A_53 : vector<1x16xf32> to vector<16xf32>
    %get3A_55 = arith.constant 0 : i32
    %get3A_56 = arith.index_cast %get3A_55 : i32 to index
    %get3A_57 = arith.constant 176 : index
    %get3A_58 = tpu.vector_load %arg6[%get3A_56, %get3A_57] {strides = array<i32>} : memref<8x256xf32, #tpu.memory_space<vmem>>, vector<1x16xf32>,
    %get3A_59 = vector.shape_cast %get3A_58 : vector<1x16xf32> to vector<16xf32>
    %get3A_60 = arith.constant 0 : i32
    %get3A_61 = arith.index_cast %get3A_60 : i32 to index
    %get3A_62 = arith.constant 192 : index
    %get3A_63 = tpu.vector_load %arg6[%get3A_61, %get3A_62] {strides = array<i32>} : memref<8x256xf32, #tpu.memory_space<vmem>>, vector<1x16xf32>,
    %get3A_64 = vector.shape_cast %get3A_63 : vector<1x16xf32> to vector<16xf32>
    %get3A_65 = arith.constant 0 : i32
    %get3A_66 = arith.index_cast %get3A_65 : i32 to index
    %get3A_67 = arith.constant 208 : index
    %get3A_68 = tpu.vector_load %arg6[%get3A_66, %get3A_67] {strides = array<i32>} : memref<8x256xf32, #tpu.memory_space<vmem>>, vector<1x16xf32>,
    %get3A_69 = vector.shape_cast %get3A_68 : vector<1x16xf32> to vector<16xf32>
    %get3A_70 = arith.constant 0 : i32
    %get3A_71 = arith.index_cast %get3A_70 : i32 to index
    %get3A_72 = arith.constant 224 : index
    %get3A_73 = tpu.vector_load %arg6[%get3A_71, %get3A_72] {strides = array<i32>} : memref<8x256xf32, #tpu.memory_space<vmem>>, vector<1x16xf32>,
    %get3A_74 = vector.shape_cast %get3A_73 : vector<1x16xf32> to vector<16xf32>
    %get3A_75 = arith.constant 0 : i32
    %get3A_76 = arith.index_cast %get3A_75 : i32 to index
    %get3A_77 = arith.constant 240 : index
    %get3A_78 = tpu.vector_load %arg6[%get3A_76, %get3A_77] {strides = array<i32>} : memref<8x256xf32, #tpu.memory_space<vmem>>, vector<1x16xf32>,
    %get3A_79 = vector.shape_cast %get3A_78 : vector<1x16xf32> to vector<16xf32>
    %get3A_80 = arith.constant 1 : i32
    %get3A_81 = arith.index_cast %get3A_80 : i32 to index
    %get3A_82 = arith.constant 0 : index
    %get3A_83 = tpu.vector_load %arg6[%get3A_81, %get3A_82] {strides = array<i32>} : memref<8x256xf32, #tpu.memory_space<vmem>>, vector<1x16xf32>,
    %get3A_84 = vector.shape_cast %get3A_83 : vector<1x16xf32> to vector<16xf32>
    %get3A_85 = arith.constant 1 : i32
    %get3A_86 = arith.index_cast %get3A_85 : i32 to index
    %get3A_87 = arith.constant 16 : index
    %get3A_88 = tpu.vector_load %arg6[%get3A_86, %get3A_87] {strides = array<i32>} : memref<8x256xf32, #tpu.memory_space<vmem>>, vector<1x16xf32>,
    %get3A_89 = vector.shape_cast %get3A_88 : vector<1x16xf32> to vector<16xf32>
    %get3A_90 = arith.constant 1 : i32
    %get3A_91 = arith.index_cast %get3A_90 : i32 to index
    %get3A_92 = arith.constant 32 : index
    %get3A_93 = tpu.vector_load %arg6[%get3A_91, %get3A_92] {strides = array<i32>} : memref<8x256xf32, #tpu.memory_space<vmem>>, vector<1x16xf32>,
    %get3A_94 = vector.shape_cast %get3A_93 : vector<1x16xf32> to vector<16xf32>
    %get3A_95 = arith.constant 1 : i32
    %get3A_96 = arith.index_cast %get3A_95 : i32 to index
    %get3A_97 = arith.constant 48 : index
    %get3A_98 = tpu.vector_load %arg6[%get3A_96, %get3A_97] {strides = array<i32>} : memref<8x256xf32, #tpu.memory_space<vmem>>, vector<1x16xf32>,
    %get3A_99 = vector.shape_cast %get3A_98 : vector<1x16xf32> to vector<16xf32>
    %get3A_100 = arith.constant 1 : i32
    %get3A_101 = arith.index_cast %get3A_100 : i32 to index
    %get3A_102 = arith.constant 64 : index
    %get3A_103 = tpu.vector_load %arg6[%get3A_101, %get3A_102] {strides = array<i32>} : memref<8x256xf32, #tpu.memory_space<vmem>>, vector<1x16xf32>,
    %get3A_104 = vector.shape_cast %get3A_103 : vector<1x16xf32> to vector<16xf32>
    %get3A_105 = arith.constant 1 : i32
    %get3A_106 = arith.index_cast %get3A_105 : i32 to index
    %get3A_107 = arith.constant 80 : index
    %get3A_108 = tpu.vector_load %arg6[%get3A_106, %get3A_107] {strides = array<i32>} : memref<8x256xf32, #tpu.memory_space<vmem>>, vector<1x16xf32>,
    %get3A_109 = vector.shape_cast %get3A_108 : vector<1x16xf32> to vector<16xf32>
    %get3A_110 = arith.constant 1 : i32
    %get3A_111 = arith.index_cast %get3A_110 : i32 to index
    %get3A_112 = arith.constant 96 : index
    %get3A_113 = tpu.vector_load %arg6[%get3A_111, %get3A_112] {strides = array<i32>} : memref<8x256xf32, #tpu.memory_space<vmem>>, vector<1x16xf32>,
    %get3A_114 = vector.shape_cast %get3A_113 : vector<1x16xf32> to vector<16xf32>
    %get3A_115 = arith.constant 1 : i32
    %get3A_116 = arith.index_cast %get3A_115 : i32 to index
    %get3A_117 = arith.constant 112 : index
    %get3A_118 = tpu.vector_load %arg6[%get3A_116, %get3A_117] {strides = array<i32>} : memref<8x256xf32, #tpu.memory_space<vmem>>, vector<1x16xf32>,
    %get3A_119 = vector.shape_cast %get3A_118 : vector<1x16xf32> to vector<16xf32>
    %get3A_120 = arith.constant 1 : i32
    %get3A_121 = arith.index_cast %get3A_120 : i32 to index
    %get3A_122 = arith.constant 128 : index
    %get3A_123 = tpu.vector_load %arg6[%get3A_121, %get3A_122] {strides = array<i32>} : memref<8x256xf32, #tpu.memory_space<vmem>>, vector<1x16xf32>,
    %get3A_124 = vector.shape_cast %get3A_123 : vector<1x16xf32> to vector<16xf32>
    %get3A_125 = arith.constant 1 : i32
    %get3A_126 = arith.index_cast %get3A_125 : i32 to index
    %get3A_127 = arith.constant 144 : index
    %get3A_128 = tpu.vector_load %arg6[%get3A_126, %get3A_127] {strides = array<i32>} : memref<8x256xf32, #tpu.memory_space<vmem>>, vector<1x16xf32>,
    %get3A_129 = vector.shape_cast %get3A_128 : vector<1x16xf32> to vector<16xf32>
    %get3A_130 = arith.constant 1 : i32
    %get3A_131 = arith.index_cast %get3A_130 : i32 to index
    %get3A_132 = arith.constant 160 : index
    %get3A_133 = tpu.vector_load %arg6[%get3A_131, %get3A_132] {strides = array<i32>} : memref<8x256xf32, #tpu.memory_space<vmem>>, vector<1x16xf32>,
    %get3A_134 = vector.shape_cast %get3A_133 : vector<1x16xf32> to vector<16xf32>
    %get3A_135 = arith.constant 1 : i32
    %get3A_136 = arith.index_cast %get3A_135 : i32 to index
    %get3A_137 = arith.constant 176 : index
    %get3A_138 = tpu.vector_load %arg6[%get3A_136, %get3A_137] {strides = array<i32>} : memref<8x256xf32, #tpu.memory_space<vmem>>, vector<1x16xf32>,
    %get3A_139 = vector.shape_cast %get3A_138 : vector<1x16xf32> to vector<16xf32>
    %get3A_140 = arith.constant 1 : i32
    %get3A_141 = arith.index_cast %get3A_140 : i32 to index
    %get3A_142 = arith.constant 192 : index
    %get3A_143 = tpu.vector_load %arg6[%get3A_141, %get3A_142] {strides = array<i32>} : memref<8x256xf32, #tpu.memory_space<vmem>>, vector<1x16xf32>,
    %get3A_144 = vector.shape_cast %get3A_143 : vector<1x16xf32> to vector<16xf32>
    %get3A_145 = arith.constant 1 : i32
    %get3A_146 = arith.index_cast %get3A_145 : i32 to index
    %get3A_147 = arith.constant 208 : index
    %get3A_148 = tpu.vector_load %arg6[%get3A_146, %get3A_147] {strides = array<i32>} : memref<8x256xf32, #tpu.memory_space<vmem>>, vector<1x16xf32>,
    %get3A_149 = vector.shape_cast %get3A_148 : vector<1x16xf32> to vector<16xf32>
    %get3A_150 = arith.constant 1 : i32
    %get3A_151 = arith.index_cast %get3A_150 : i32 to index
    %get3A_152 = arith.constant 224 : index
    %get3A_153 = tpu.vector_load %arg6[%get3A_151, %get3A_152] {strides = array<i32>} : memref<8x256xf32, #tpu.memory_space<vmem>>, vector<1x16xf32>,
    %get3A_154 = vector.shape_cast %get3A_153 : vector<1x16xf32> to vector<16xf32>
    %get3A_155 = arith.constant 1 : i32
    %get3A_156 = arith.index_cast %get3A_155 : i32 to index
    %get3A_157 = arith.constant 240 : index
    %get3A_158 = tpu.vector_load %arg6[%get3A_156, %get3A_157] {strides = array<i32>} : memref<8x256xf32, #tpu.memory_space<vmem>>, vector<1x16xf32>,
    %get3A_159 = vector.shape_cast %get3A_158 : vector<1x16xf32> to vector<16xf32>
    %get3A_160 = arith.constant 2 : i32
    %get3A_161 = arith.index_cast %get3A_160 : i32 to index
    %get3A_162 = arith.constant 0 : index
    %get3A_163 = tpu.vector_load %arg6[%get3A_161, %get3A_162] {strides = array<i32>} : memref<8x256xf32, #tpu.memory_space<vmem>>, vector<1x16xf32>,
    %get3A_164 = vector.shape_cast %get3A_163 : vector<1x16xf32> to vector<16xf32>
    %get3A_165 = arith.constant 2 : i32
    %get3A_166 = arith.index_cast %get3A_165 : i32 to index
    %get3A_167 = arith.constant 16 : index
    %get3A_168 = tpu.vector_load %arg6[%get3A_166, %get3A_167] {strides = array<i32>} : memref<8x256xf32, #tpu.memory_space<vmem>>, vector<1x16xf32>,
    %get3A_169 = vector.shape_cast %get3A_168 : vector<1x16xf32> to vector<16xf32>
    %get3A_170 = arith.constant 2 : i32
    %get3A_171 = arith.index_cast %get3A_170 : i32 to index
    %get3A_172 = arith.constant 32 : index
    %get3A_173 = tpu.vector_load %arg6[%get3A_171, %get3A_172] {strides = array<i32>} : memref<8x256xf32, #tpu.memory_space<vmem>>, vector<1x16xf32>,
    %get3A_174 = vector.shape_cast %get3A_173 : vector<1x16xf32> to vector<16xf32>
    %get3A_175 = arith.constant 2 : i32
    %get3A_176 = arith.index_cast %get3A_175 : i32 to index
    %get3A_177 = arith.constant 48 : index
    %get3A_178 = tpu.vector_load %arg6[%get3A_176, %get3A_177] {strides = array<i32>} : memref<8x256xf32, #tpu.memory_space<vmem>>, vector<1x16xf32>,
    %get3A_179 = vector.shape_cast %get3A_178 : vector<1x16xf32> to vector<16xf32>
    %get3A_180 = arith.constant 2 : i32
    %get3A_181 = arith.index_cast %get3A_180 : i32 to index
    %get3A_182 = arith.constant 64 : index
    %get3A_183 = tpu.vector_load %arg6[%get3A_181, %get3A_182] {strides = array<i32>} : memref<8x256xf32, #tpu.memory_space<vmem>>, vector<1x16xf32>,
    %get3A_184 = vector.shape_cast %get3A_183 : vector<1x16xf32> to vector<16xf32>
    %get3A_185 = arith.constant 2 : i32
    %get3A_186 = arith.index_cast %get3A_185 : i32 to index
    %get3A_187 = arith.constant 80 : index
    %get3A_188 = tpu.vector_load %arg6[%get3A_186, %get3A_187] {strides = array<i32>} : memref<8x256xf32, #tpu.memory_space<vmem>>, vector<1x16xf32>,
    %get3A_189 = vector.shape_cast %get3A_188 : vector<1x16xf32> to vector<16xf32>
    %get3A_190 = arith.constant 2 : i32
    %get3A_191 = arith.index_cast %get3A_190 : i32 to index
    %get3A_192 = arith.constant 96 : index
    %get3A_193 = tpu.vector_load %arg6[%get3A_191, %get3A_192] {strides = array<i32>} : memref<8x256xf32, #tpu.memory_space<vmem>>, vector<1x16xf32>,
    %get3A_194 = vector.shape_cast %get3A_193 : vector<1x16xf32> to vector<16xf32>
    %get3A_195 = arith.constant 2 : i32
    %get3A_196 = arith.index_cast %get3A_195 : i32 to index
    %get3A_197 = arith.constant 112 : index
    %get3A_198 = tpu.vector_load %arg6[%get3A_196, %get3A_197] {strides = array<i32>} : memref<8x256xf32, #tpu.memory_space<vmem>>, vector<1x16xf32>,
    %get3A_199 = vector.shape_cast %get3A_198 : vector<1x16xf32> to vector<16xf32>
    %get3A_200 = arith.constant 2 : i32
    %get3A_201 = arith.index_cast %get3A_200 : i32 to index
    %get3A_202 = arith.constant 128 : index
    %get3A_203 = tpu.vector_load %arg6[%get3A_201, %get3A_202] {strides = array<i32>} : memref<8x256xf32, #tpu.memory_space<vmem>>, vector<1x16xf32>,
    %get3A_204 = vector.shape_cast %get3A_203 : vector<1x16xf32> to vector<16xf32>
    %get3A_205 = arith.constant 2 : i32
    %get3A_206 = arith.index_cast %get3A_205 : i32 to index
    %get3A_207 = arith.constant 144 : index
    %get3A_208 = tpu.vector_load %arg6[%get3A_206, %get3A_207] {strides = array<i32>} : memref<8x256xf32, #tpu.memory_space<vmem>>, vector<1x16xf32>,
    %get3A_209 = vector.shape_cast %get3A_208 : vector<1x16xf32> to vector<16xf32>
    %get3A_210 = arith.constant 2 : i32
    %get3A_211 = arith.index_cast %get3A_210 : i32 to index
    %get3A_212 = arith.constant 160 : index
    %get3A_213 = tpu.vector_load %arg6[%get3A_211, %get3A_212] {strides = array<i32>} : memref<8x256xf32, #tpu.memory_space<vmem>>, vector<1x16xf32>,
    %get3A_214 = vector.shape_cast %get3A_213 : vector<1x16xf32> to vector<16xf32>
    %get3A_215 = arith.constant 2 : i32
    %get3A_216 = arith.index_cast %get3A_215 : i32 to index
    %get3A_217 = arith.constant 176 : index
    %get3A_218 = tpu.vector_load %arg6[%get3A_216, %get3A_217] {strides = array<i32>} : memref<8x256xf32, #tpu.memory_space<vmem>>, vector<1x16xf32>,
    %get3A_219 = vector.shape_cast %get3A_218 : vector<1x16xf32> to vector<16xf32>
    %get3A_220 = arith.constant 2 : i32
    %get3A_221 = arith.index_cast %get3A_220 : i32 to index
    %get3A_222 = arith.constant 192 : index
    %get3A_223 = tpu.vector_load %arg6[%get3A_221, %get3A_222] {strides = array<i32>} : memref<8x256xf32, #tpu.memory_space<vmem>>, vector<1x16xf32>,
    %get3A_224 = vector.shape_cast %get3A_223 : vector<1x16xf32> to vector<16xf32>
    %get3A_225 = arith.constant 2 : i32
    %get3A_226 = arith.index_cast %get3A_225 : i32 to index
    %get3A_227 = arith.constant 208 : index
    %get3A_228 = tpu.vector_load %arg6[%get3A_226, %get3A_227] {strides = array<i32>} : memref<8x256xf32, #tpu.memory_space<vmem>>, vector<1x16xf32>,
    %get3A_229 = vector.shape_cast %get3A_228 : vector<1x16xf32> to vector<16xf32>
    %get3A_230 = arith.constant 2 : i32
    %get3A_231 = arith.index_cast %get3A_230 : i32 to index
    %get3A_232 = arith.constant 224 : index
    %get3A_233 = tpu.vector_load %arg6[%get3A_231, %get3A_232] {strides = array<i32>} : memref<8x256xf32, #tpu.memory_space<vmem>>, vector<1x16xf32>,
    %get3A_234 = vector.shape_cast %get3A_233 : vector<1x16xf32> to vector<16xf32>
    %get3A_235 = arith.constant 2 : i32
    %get3A_236 = arith.index_cast %get3A_235 : i32 to index
    %get3A_237 = arith.constant 240 : index
    %get3A_238 = tpu.vector_load %arg6[%get3A_236, %get3A_237] {strides = array<i32>} : memref<8x256xf32, #tpu.memory_space<vmem>>, vector<1x16xf32>,
    %get3A_239 = vector.shape_cast %get3A_238 : vector<1x16xf32> to vector<16xf32>
    %get3A_240 = arith.constant 3 : i32
    %get3A_241 = arith.index_cast %get3A_240 : i32 to index
    %get3A_242 = arith.constant 0 : index
    %get3A_243 = tpu.vector_load %arg6[%get3A_241, %get3A_242] {strides = array<i32>} : memref<8x256xf32, #tpu.memory_space<vmem>>, vector<1x16xf32>,
    %get3A_244 = vector.shape_cast %get3A_243 : vector<1x16xf32> to vector<16xf32>
    %get3A_245 = arith.constant 3 : i32
    %get3A_246 = arith.index_cast %get3A_245 : i32 to index
    %get3A_247 = arith.constant 16 : index
    %get3A_248 = tpu.vector_load %arg6[%get3A_246, %get3A_247] {strides = array<i32>} : memref<8x256xf32, #tpu.memory_space<vmem>>, vector<1x16xf32>,
    %get3A_249 = vector.shape_cast %get3A_248 : vector<1x16xf32> to vector<16xf32>
    %get3A_250 = arith.constant 3 : i32
    %get3A_251 = arith.index_cast %get3A_250 : i32 to index
    %get3A_252 = arith.constant 32 : index
    %get3A_253 = tpu.vector_load %arg6[%get3A_251, %get3A_252] {strides = array<i32>} : memref<8x256xf32, #tpu.memory_space<vmem>>, vector<1x16xf32>,
    %get3A_254 = vector.shape_cast %get3A_253 : vector<1x16xf32> to vector<16xf32>
    %get3A_255 = arith.constant 3 : i32
    %get3A_256 = arith.index_cast %get3A_255 : i32 to index
    %get3A_257 = arith.constant 48 : index
    %get3A_258 = tpu.vector_load %arg6[%get3A_256, %get3A_257] {strides = array<i32>} : memref<8x256xf32, #tpu.memory_space<vmem>>, vector<1x16xf32>,
    %get3A_259 = vector.shape_cast %get3A_258 : vector<1x16xf32> to vector<16xf32>
    %get3A_260 = arith.constant 3 : i32
    %get3A_261 = arith.index_cast %get3A_260 : i32 to index
    %get3A_262 = arith.constant 64 : index
    %get3A_263 = tpu.vector_load %arg6[%get3A_261, %get3A_262] {strides = array<i32>} : memref<8x256xf32, #tpu.memory_space<vmem>>, vector<1x16xf32>,
    %get3A_264 = vector.shape_cast %get3A_263 : vector<1x16xf32> to vector<16xf32>
    %get3A_265 = arith.constant 3 : i32
    %get3A_266 = arith.index_cast %get3A_265 : i32 to index
    %get3A_267 = arith.constant 80 : index
    %get3A_268 = tpu.vector_load %arg6[%get3A_266, %get3A_267] {strides = array<i32>} : memref<8x256xf32, #tpu.memory_space<vmem>>, vector<1x16xf32>,
    %get3A_269 = vector.shape_cast %get3A_268 : vector<1x16xf32> to vector<16xf32>
    %get3A_270 = arith.constant 3 : i32
    %get3A_271 = arith.index_cast %get3A_270 : i32 to index
    %get3A_272 = arith.constant 96 : index
    %get3A_273 = tpu.vector_load %arg6[%get3A_271, %get3A_272] {strides = array<i32>} : memref<8x256xf32, #tpu.memory_space<vmem>>, vector<1x16xf32>,
    %get3A_274 = vector.shape_cast %get3A_273 : vector<1x16xf32> to vector<16xf32>
    %get3A_275 = arith.constant 3 : i32
    %get3A_276 = arith.index_cast %get3A_275 : i32 to index
    %get3A_277 = arith.constant 112 : index
    %get3A_278 = tpu.vector_load %arg6[%get3A_276, %get3A_277] {strides = array<i32>} : memref<8x256xf32, #tpu.memory_space<vmem>>, vector<1x16xf32>,
    %get3A_279 = vector.shape_cast %get3A_278 : vector<1x16xf32> to vector<16xf32>
    %get3A_280 = arith.constant 3 : i32
    %get3A_281 = arith.index_cast %get3A_280 : i32 to index
    %get3A_282 = arith.constant 128 : index
    %get3A_283 = tpu.vector_load %arg6[%get3A_281, %get3A_282] {strides = array<i32>} : memref<8x256xf32, #tpu.memory_space<vmem>>, vector<1x16xf32>,
    %get3A_284 = vector.shape_cast %get3A_283 : vector<1x16xf32> to vector<16xf32>
    %get3A_285 = arith.constant 3 : i32
    %get3A_286 = arith.index_cast %get3A_285 : i32 to index
    %get3A_287 = arith.constant 144 : index
    %get3A_288 = tpu.vector_load %arg6[%get3A_286, %get3A_287] {strides = array<i32>} : memref<8x256xf32, #tpu.memory_space<vmem>>, vector<1x16xf32>,
    %get3A_289 = vector.shape_cast %get3A_288 : vector<1x16xf32> to vector<16xf32>
    %get3A_290 = arith.constant 3 : i32
    %get3A_291 = arith.index_cast %get3A_290 : i32 to index
    %get3A_292 = arith.constant 160 : index
    %get3A_293 = tpu.vector_load %arg6[%get3A_291, %get3A_292] {strides = array<i32>} : memref<8x256xf32, #tpu.memory_space<vmem>>, vector<1x16xf32>,
    %get3A_294 = vector.shape_cast %get3A_293 : vector<1x16xf32> to vector<16xf32>
    %get3A_295 = arith.constant 3 : i32
    %get3A_296 = arith.index_cast %get3A_295 : i32 to index
    %get3A_297 = arith.constant 176 : index
    %get3A_298 = tpu.vector_load %arg6[%get3A_296, %get3A_297] {strides = array<i32>} : memref<8x256xf32, #tpu.memory_space<vmem>>, vector<1x16xf32>,
    %get3A_299 = vector.shape_cast %get3A_298 : vector<1x16xf32> to vector<16xf32>
    %get3A_300 = arith.constant 3 : i32
    %get3A_301 = arith.index_cast %get3A_300 : i32 to index
    %get3A_302 = arith.constant 192 : index
    %get3A_303 = tpu.vector_load %arg6[%get3A_301, %get3A_302] {strides = array<i32>} : memref<8x256xf32, #tpu.memory_space<vmem>>, vector<1x16xf32>,
    %get3A_304 = vector.shape_cast %get3A_303 : vector<1x16xf32> to vector<16xf32>
    %get3A_305 = arith.constant 3 : i32
    %get3A_306 = arith.index_cast %get3A_305 : i32 to index
    %get3A_307 = arith.constant 208 : index
    %get3A_308 = tpu.vector_load %arg6[%get3A_306, %get3A_307] {strides = array<i32>} : memref<8x256xf32, #tpu.memory_space<vmem>>, vector<1x16xf32>,
    %get3A_309 = vector.shape_cast %get3A_308 : vector<1x16xf32> to vector<16xf32>
    %get3A_310 = arith.constant 3 : i32
    %get3A_311 = arith.index_cast %get3A_310 : i32 to index
    %get3A_312 = arith.constant 224 : index
    %get3A_313 = tpu.vector_load %arg6[%get3A_311, %get3A_312] {strides = array<i32>} : memref<8x256xf32, #tpu.memory_space<vmem>>, vector<1x16xf32>,
    %get3A_314 = vector.shape_cast %get3A_313 : vector<1x16xf32> to vector<16xf32>
    %get3A_315 = arith.constant 3 : i32
    %get3A_316 = arith.index_cast %get3A_315 : i32 to index
    %get3A_317 = arith.constant 240 : index
    %get3A_318 = tpu.vector_load %arg6[%get3A_316, %get3A_317] {strides = array<i32>} : memref<8x256xf32, #tpu.memory_space<vmem>>, vector<1x16xf32>,
    %get3A_319 = vector.shape_cast %get3A_318 : vector<1x16xf32> to vector<16xf32>
    %scan3A = arith.constant 0 : i32
    %scan3A_320 = arith.constant 0 : i32
    %scan3A_321 = arith.constant 4 : i32
    %scan3A_322 = arith.addi %scan3A_320, %scan3A_321 : i32
    %scan3A_323 = arith.constant 1 : i32
    %scan3A_324 = scf.for %scan3A_326 = %scan3A_320 to %scan3A_322 step %scan3A_323 iter_args(%scan3A_327 = %scan3A) -> (i32)  : i32 {
      %mul3A_328 = arith.constant 4 : i32
      %mul3A_329 = arith.muli %add3A, %mul3A_328 : i32
      %add3A_330 = arith.addi %mul3A_329, %scan3A_326 : i32
      "tpu.region"() ({
        %run_scoped3A = tpu.sem_alloc : memref<!tpu.dma_semaphore, #tpu.memory_space<semaphore_mem>>
        %dma_start3A = arith.constant 0 : i32
        %dma_start3A_894 = tpu.memref_slice %arg2[%add3A_330, %dma_start3A] : memref<128x616xf32, #tpu.memory_space<hbm>> -> memref<1x616xf32, #tpu.memory_space<hbm>>
        %dma_start3A_895 = tpu.memref_squeeze %dma_start3A_894 : memref<1x616xf32, #tpu.memory_space<hbm>> -> memref<616xf32, #tpu.memory_space<hbm>>
        %dma_start3A_896 = arith.constant 0 : i32
        %dma_start3A_897 = tpu.memref_slice %arg2[%add3A_330, %dma_start3A_896] : memref<128x616xf32, #tpu.memory_space<hbm>> -> memref<1x616xf32, #tpu.memory_space<hbm>>
        %dma_start3A_898 = tpu.memref_squeeze %dma_start3A_897 : memref<1x616xf32, #tpu.memory_space<hbm>> -> memref<616xf32, #tpu.memory_space<hbm>>
        tpu.enqueue_dma source(%dma_start3A_898 : memref<616xf32, #tpu.memory_space<hbm>>) target(%arg5 : memref<616xf32, #tpu.memory_space<vmem>>) target_semaphore(%run_scoped3A : memref<!tpu.dma_semaphore, #tpu.memory_space<semaphore_mem>>)
        %dma_wait3A = arith.constant 0 : i32
        %dma_wait3A_899 = tpu.memref_slice %arg2[%add3A_330, %dma_wait3A] : memref<128x616xf32, #tpu.memory_space<hbm>> -> memref<1x616xf32, #tpu.memory_space<hbm>>
        %dma_wait3A_900 = tpu.memref_squeeze %dma_wait3A_899 : memref<1x616xf32, #tpu.memory_space<hbm>> -> memref<616xf32, #tpu.memory_space<hbm>>
        %dma_wait3A_901 = arith.constant 0 : i32
        %dma_wait3A_902 = tpu.memref_slice %arg2[%add3A_330, %dma_wait3A_901] : memref<128x616xf32, #tpu.memory_space<hbm>> -> memref<1x616xf32, #tpu.memory_space<hbm>>
        %dma_wait3A_903 = tpu.memref_squeeze %dma_wait3A_902 : memref<1x616xf32, #tpu.memory_space<hbm>> -> memref<616xf32, #tpu.memory_space<hbm>>
        tpu.wait_dma2 semaphore(%run_scoped3A : memref<!tpu.dma_semaphore, #tpu.memory_space<semaphore_mem>>) src(%dma_wait3A_903 : memref<616xf32, #tpu.memory_space<hbm>>) dst(%arg5 : memref<616xf32, #tpu.memory_space<vmem>>)
        tpu.yield
      }) : () -> ()
      %scan3A_331 = arith.constant 0 : i32
      %scan3A_332 = arith.constant 0 : i32
      %scan3A_333 = arith.constant 8 : i32
      %scan3A_334 = arith.addi %scan3A_332, %scan3A_333 : i32
      %scan3A_335 = arith.constant 1 : i32
      %scan3A_336 = scf.for %scan3A_894 = %scan3A_332 to %scan3A_334 step %scan3A_335 iter_args(%scan3A_895 = %scan3A_331) -> (i32)  : i32 {
        %mul3A_896 = arith.constant 21 : i32
        %mul3A_897 = arith.muli %scan3A_894, %mul3A_896 : i32
        %scan3A_898 = arith.constant 0 : i32
        %scan3A_899 = arith.constant 0 : i32
        %scan3A_900 = arith.constant 20 : i32
        %scan3A_901 = arith.addi %scan3A_899, %scan3A_900 : i32
        %scan3A_902 = arith.constant 1 : i32
        %scan3A_903 = scf.for %scan3A_1068 = %scan3A_899 to %scan3A_901 step %scan3A_902 iter_args(%scan3A_1069 = %scan3A_898) -> (i32)  : i32 {
          %add3A_1070 = arith.constant 0 : i32
          %add3A_1071 = arith.addi %add3A_1070, %scan3A_894 : i32
          %mul3A_1072 = arith.constant 20 : i32
          %mul3A_1073 = arith.muli %add3A_1071, %mul3A_1072 : i32
          %add3A_1074 = arith.addi %mul3A_1073, %scan3A_1068 : i32
          %get3A_1075 = arith.index_cast %add3A_1074 : i32 to index
          %get3A_1076 = tpu.vector_load %arg5[%get3A_1075] {strides = array<i32>} : memref<616xf32, #tpu.memory_space<vmem>>, vector<16xf32>,
          %get3A_1077 = vector.shape_cast %get3A_1076 : vector<16xf32> to vector<16xf32>
          %slice3A = vector.extract_strided_slice %get3A_1077 {offsets = [0], sizes = [1], strides = [1]} : vector<16xf32> to vector<1xf32>
          %squeeze3A = vector.extract %slice3A[0] : f32 from vector<1xf32>
          %broadcast_in_dim3A = vector.broadcast %squeeze3A : f32 to vector<16xf32>
          %mul3A_1078 = arith.mulf %broadcast_in_dim3A, %get3A_4 : vector<16xf32>
          %add3A_1079 = arith.addf %mul3A_1078, %get3A_164 : vector<16xf32>
          %add3A_1080 = arith.addi %mul3A_897, %scan3A_1068 : i32
          %swap3A_1081 = arith.index_cast %add3A_1080 : i32 to index
          %swap3A_1082 = arith.constant 0 : index
          %swap3A_1083 = tpu.vector_load %arg7[%swap3A_1081, %swap3A_1082] {strides = array<i32>} : memref<168x256xf32, #tpu.memory_space<vmem>>, vector<1x16xf32>,
          %swap3A_1084 = vector.shape_cast %swap3A_1083 : vector<1x16xf32> to vector<16xf32>
          %swap3A_1085 = vector.shape_cast %add3A_1079 : vector<16xf32> to vector<1x16xf32>
          tpu.vector_store %arg7[%swap3A_1081, %swap3A_1082], %swap3A_1085 {strides = array<i32>} : memref<168x256xf32, #tpu.memory_space<vmem>>, vector<1x16xf32>,
          %mul3A_1086 = arith.mulf %broadcast_in_dim3A, %get3A_9 : vector<16xf32>
          %add3A_1087 = arith.addf %mul3A_1086, %get3A_169 : vector<16xf32>
          %add3A_1088 = arith.addi %mul3A_897, %scan3A_1068 : i32
          %swap3A_1089 = arith.index_cast %add3A_1088 : i32 to index
          %swap3A_1090 = arith.constant 16 : index
          %swap3A_1091 = tpu.vector_load %arg7[%swap3A_1089, %swap3A_1090] {strides = array<i32>} : memref<168x256xf32, #tpu.memory_space<vmem>>, vector<1x16xf32>,
          %swap3A_1092 = vector.shape_cast %swap3A_1091 : vector<1x16xf32> to vector<16xf32>
          %swap3A_1093 = vector.shape_cast %add3A_1087 : vector<16xf32> to vector<1x16xf32>
          tpu.vector_store %arg7[%swap3A_1089, %swap3A_1090], %swap3A_1093 {strides = array<i32>} : memref<168x256xf32, #tpu.memory_space<vmem>>, vector<1x16xf32>,
          %mul3A_1094 = arith.mulf %broadcast_in_dim3A, %get3A_14 : vector<16xf32>
          %add3A_1095 = arith.addf %mul3A_1094, %get3A_174 : vector<16xf32>
          %add3A_1096 = arith.addi %mul3A_897, %scan3A_1068 : i32
          %swap3A_1097 = arith.index_cast %add3A_1096 : i32 to index
          %swap3A_1098 = arith.constant 32 : index
          %swap3A_1099 = tpu.vector_load %arg7[%swap3A_1097, %swap3A_1098] {strides = array<i32>} : memref<168x256xf32, #tpu.memory_space<vmem>>, vector<1x16xf32>,
          %swap3A_1100 = vector.shape_cast %swap3A_1099 : vector<1x16xf32> to vector<16xf32>
          %swap3A_1101 = vector.shape_cast %add3A_1095 : vector<16xf32> to vector<1x16xf32>
          tpu.vector_store %arg7[%swap3A_1097, %swap3A_1098], %swap3A_1101 {strides = array<i32>} : memref<168x256xf32, #tpu.memory_space<vmem>>, vector<1x16xf32>,
          %mul3A_1102 = arith.mulf %broadcast_in_dim3A, %get3A_19 : vector<16xf32>
          %add3A_1103 = arith.addf %mul3A_1102, %get3A_179 : vector<16xf32>
          %add3A_1104 = arith.addi %mul3A_897, %scan3A_1068 : i32
          %swap3A_1105 = arith.index_cast %add3A_1104 : i32 to index
          %swap3A_1106 = arith.constant 48 : index
          %swap3A_1107 = tpu.vector_load %arg7[%swap3A_1105, %swap3A_1106] {strides = array<i32>} : memref<168x256xf32, #tpu.memory_space<vmem>>, vector<1x16xf32>,
          %swap3A_1108 = vector.shape_cast %swap3A_1107 : vector<1x16xf32> to vector<16xf32>
          %swap3A_1109 = vector.shape_cast %add3A_1103 : vector<16xf32> to vector<1x16xf32>
          tpu.vector_store %arg7[%swap3A_1105, %swap3A_1106], %swap3A_1109 {strides = array<i32>} : memref<168x256xf32, #tpu.memory_space<vmem>>, vector<1x16xf32>,
          %mul3A_1110 = arith.mulf %broadcast_in_dim3A, %get3A_24 : vector<16xf32>
          %add3A_1111 = arith.addf %mul3A_1110, %get3A_184 : vector<16xf32>
          %add3A_1112 = arith.addi %mul3A_897, %scan3A_1068 : i32
          %swap3A_1113 = arith.index_cast %add3A_1112 : i32 to index
          %swap3A_1114 = arith.constant 64 : index
          %swap3A_1115 = tpu.vector_load %arg7[%swap3A_1113, %swap3A_1114] {strides = array<i32>} : memref<168x256xf32, #tpu.memory_space<vmem>>, vector<1x16xf32>,
          %swap3A_1116 = vector.shape_cast %swap3A_1115 : vector<1x16xf32> to vector<16xf32>
          %swap3A_1117 = vector.shape_cast %add3A_1111 : vector<16xf32> to vector<1x16xf32>
          tpu.vector_store %arg7[%swap3A_1113, %swap3A_1114], %swap3A_1117 {strides = array<i32>} : memref<168x256xf32, #tpu.memory_space<vmem>>, vector<1x16xf32>,
          %mul3A_1118 = arith.mulf %broadcast_in_dim3A, %get3A_29 : vector<16xf32>
          %add3A_1119 = arith.addf %mul3A_1118, %get3A_189 : vector<16xf32>
          %add3A_1120 = arith.addi %mul3A_897, %scan3A_1068 : i32
          %swap3A_1121 = arith.index_cast %add3A_1120 : i32 to index
          %swap3A_1122 = arith.constant 80 : index
          %swap3A_1123 = tpu.vector_load %arg7[%swap3A_1121, %swap3A_1122] {strides = array<i32>} : memref<168x256xf32, #tpu.memory_space<vmem>>, vector<1x16xf32>,
          %swap3A_1124 = vector.shape_cast %swap3A_1123 : vector<1x16xf32> to vector<16xf32>
          %swap3A_1125 = vector.shape_cast %add3A_1119 : vector<16xf32> to vector<1x16xf32>
          tpu.vector_store %arg7[%swap3A_1121, %swap3A_1122], %swap3A_1125 {strides = array<i32>} : memref<168x256xf32, #tpu.memory_space<vmem>>, vector<1x16xf32>,
          %mul3A_1126 = arith.mulf %broadcast_in_dim3A, %get3A_34 : vector<16xf32>
          %add3A_1127 = arith.addf %mul3A_1126, %get3A_194 : vector<16xf32>
          %add3A_1128 = arith.addi %mul3A_897, %scan3A_1068 : i32
          %swap3A_1129 = arith.index_cast %add3A_1128 : i32 to index
          %swap3A_1130 = arith.constant 96 : index
          %swap3A_1131 = tpu.vector_load %arg7[%swap3A_1129, %swap3A_1130] {strides = array<i32>} : memref<168x256xf32, #tpu.memory_space<vmem>>, vector<1x16xf32>,
          %swap3A_1132 = vector.shape_cast %swap3A_1131 : vector<1x16xf32> to vector<16xf32>
          %swap3A_1133 = vector.shape_cast %add3A_1127 : vector<16xf32> to vector<1x16xf32>
          tpu.vector_store %arg7[%swap3A_1129, %swap3A_1130], %swap3A_1133 {strides = array<i32>} : memref<168x256xf32, #tpu.memory_space<vmem>>, vector<1x16xf32>,
          %mul3A_1134 = arith.mulf %broadcast_in_dim3A, %get3A_39 : vector<16xf32>
          %add3A_1135 = arith.addf %mul3A_1134, %get3A_199 : vector<16xf32>
          %add3A_1136 = arith.addi %mul3A_897, %scan3A_1068 : i32
          %swap3A_1137 = arith.index_cast %add3A_1136 : i32 to index
          %swap3A_1138 = arith.constant 112 : index
          %swap3A_1139 = tpu.vector_load %arg7[%swap3A_1137, %swap3A_1138] {strides = array<i32>} : memref<168x256xf32, #tpu.memory_space<vmem>>, vector<1x16xf32>,
          %swap3A_1140 = vector.shape_cast %swap3A_1139 : vector<1x16xf32> to vector<16xf32>
          %swap3A_1141 = vector.shape_cast %add3A_1135 : vector<16xf32> to vector<1x16xf32>
          tpu.vector_store %arg7[%swap3A_1137, %swap3A_1138], %swap3A_1141 {strides = array<i32>} : memref<168x256xf32, #tpu.memory_space<vmem>>, vector<1x16xf32>,
          %mul3A_1142 = arith.mulf %broadcast_in_dim3A, %get3A_44 : vector<16xf32>
          %add3A_1143 = arith.addf %mul3A_1142, %get3A_204 : vector<16xf32>
          %add3A_1144 = arith.addi %mul3A_897, %scan3A_1068 : i32
          %swap3A_1145 = arith.index_cast %add3A_1144 : i32 to index
          %swap3A_1146 = arith.constant 128 : index
          %swap3A_1147 = tpu.vector_load %arg7[%swap3A_1145, %swap3A_1146] {strides = array<i32>} : memref<168x256xf32, #tpu.memory_space<vmem>>, vector<1x16xf32>,
          %swap3A_1148 = vector.shape_cast %swap3A_1147 : vector<1x16xf32> to vector<16xf32>
          %swap3A_1149 = vector.shape_cast %add3A_1143 : vector<16xf32> to vector<1x16xf32>
          tpu.vector_store %arg7[%swap3A_1145, %swap3A_1146], %swap3A_1149 {strides = array<i32>} : memref<168x256xf32, #tpu.memory_space<vmem>>, vector<1x16xf32>,
          %mul3A_1150 = arith.mulf %broadcast_in_dim3A, %get3A_49 : vector<16xf32>
          %add3A_1151 = arith.addf %mul3A_1150, %get3A_209 : vector<16xf32>
          %add3A_1152 = arith.addi %mul3A_897, %scan3A_1068 : i32
          %swap3A_1153 = arith.index_cast %add3A_1152 : i32 to index
          %swap3A_1154 = arith.constant 144 : index
          %swap3A_1155 = tpu.vector_load %arg7[%swap3A_1153, %swap3A_1154] {strides = array<i32>} : memref<168x256xf32, #tpu.memory_space<vmem>>, vector<1x16xf32>,
          %swap3A_1156 = vector.shape_cast %swap3A_1155 : vector<1x16xf32> to vector<16xf32>
          %swap3A_1157 = vector.shape_cast %add3A_1151 : vector<16xf32> to vector<1x16xf32>
          tpu.vector_store %arg7[%swap3A_1153, %swap3A_1154], %swap3A_1157 {strides = array<i32>} : memref<168x256xf32, #tpu.memory_space<vmem>>, vector<1x16xf32>,
          %mul3A_1158 = arith.mulf %broadcast_in_dim3A, %get3A_54 : vector<16xf32>
          %add3A_1159 = arith.addf %mul3A_1158, %get3A_214 : vector<16xf32>
          %add3A_1160 = arith.addi %mul3A_897, %scan3A_1068 : i32
          %swap3A_1161 = arith.index_cast %add3A_1160 : i32 to index
          %swap3A_1162 = arith.constant 160 : index
          %swap3A_1163 = tpu.vector_load %arg7[%swap3A_1161, %swap3A_1162] {strides = array<i32>} : memref<168x256xf32, #tpu.memory_space<vmem>>, vector<1x16xf32>,
          %swap3A_1164 = vector.shape_cast %swap3A_1163 : vector<1x16xf32> to vector<16xf32>
          %swap3A_1165 = vector.shape_cast %add3A_1159 : vector<16xf32> to vector<1x16xf32>
          tpu.vector_store %arg7[%swap3A_1161, %swap3A_1162], %swap3A_1165 {strides = array<i32>} : memref<168x256xf32, #tpu.memory_space<vmem>>, vector<1x16xf32>,
          %mul3A_1166 = arith.mulf %broadcast_in_dim3A, %get3A_59 : vector<16xf32>
          %add3A_1167 = arith.addf %mul3A_1166, %get3A_219 : vector<16xf32>
          %add3A_1168 = arith.addi %mul3A_897, %scan3A_1068 : i32
          %swap3A_1169 = arith.index_cast %add3A_1168 : i32 to index
          %swap3A_1170 = arith.constant 176 : index
          %swap3A_1171 = tpu.vector_load %arg7[%swap3A_1169, %swap3A_1170] {strides = array<i32>} : memref<168x256xf32, #tpu.memory_space<vmem>>, vector<1x16xf32>,
          %swap3A_1172 = vector.shape_cast %swap3A_1171 : vector<1x16xf32> to vector<16xf32>
          %swap3A_1173 = vector.shape_cast %add3A_1167 : vector<16xf32> to vector<1x16xf32>
          tpu.vector_store %arg7[%swap3A_1169, %swap3A_1170], %swap3A_1173 {strides = array<i32>} : memref<168x256xf32, #tpu.memory_space<vmem>>, vector<1x16xf32>,
          %mul3A_1174 = arith.mulf %broadcast_in_dim3A, %get3A_64 : vector<16xf32>
          %add3A_1175 = arith.addf %mul3A_1174, %get3A_224 : vector<16xf32>
          %add3A_1176 = arith.addi %mul3A_897, %scan3A_1068 : i32
          %swap3A_1177 = arith.index_cast %add3A_1176 : i32 to index
          %swap3A_1178 = arith.constant 192 : index
          %swap3A_1179 = tpu.vector_load %arg7[%swap3A_1177, %swap3A_1178] {strides = array<i32>} : memref<168x256xf32, #tpu.memory_space<vmem>>, vector<1x16xf32>,
          %swap3A_1180 = vector.shape_cast %swap3A_1179 : vector<1x16xf32> to vector<16xf32>
          %swap3A_1181 = vector.shape_cast %add3A_1175 : vector<16xf32> to vector<1x16xf32>
          tpu.vector_store %arg7[%swap3A_1177, %swap3A_1178], %swap3A_1181 {strides = array<i32>} : memref<168x256xf32, #tpu.memory_space<vmem>>, vector<1x16xf32>,
          %mul3A_1182 = arith.mulf %broadcast_in_dim3A, %get3A_69 : vector<16xf32>
          %add3A_1183 = arith.addf %mul3A_1182, %get3A_229 : vector<16xf32>
          %add3A_1184 = arith.addi %mul3A_897, %scan3A_1068 : i32
          %swap3A_1185 = arith.index_cast %add3A_1184 : i32 to index
          %swap3A_1186 = arith.constant 208 : index
          %swap3A_1187 = tpu.vector_load %arg7[%swap3A_1185, %swap3A_1186] {strides = array<i32>} : memref<168x256xf32, #tpu.memory_space<vmem>>, vector<1x16xf32>,
          %swap3A_1188 = vector.shape_cast %swap3A_1187 : vector<1x16xf32> to vector<16xf32>
          %swap3A_1189 = vector.shape_cast %add3A_1183 : vector<16xf32> to vector<1x16xf32>
          tpu.vector_store %arg7[%swap3A_1185, %swap3A_1186], %swap3A_1189 {strides = array<i32>} : memref<168x256xf32, #tpu.memory_space<vmem>>, vector<1x16xf32>,
          %mul3A_1190 = arith.mulf %broadcast_in_dim3A, %get3A_74 : vector<16xf32>
          %add3A_1191 = arith.addf %mul3A_1190, %get3A_234 : vector<16xf32>
          %add3A_1192 = arith.addi %mul3A_897, %scan3A_1068 : i32
          %swap3A_1193 = arith.index_cast %add3A_1192 : i32 to index
          %swap3A_1194 = arith.constant 224 : index
          %swap3A_1195 = tpu.vector_load %arg7[%swap3A_1193, %swap3A_1194] {strides = array<i32>} : memref<168x256xf32, #tpu.memory_space<vmem>>, vector<1x16xf32>,
          %swap3A_1196 = vector.shape_cast %swap3A_1195 : vector<1x16xf32> to vector<16xf32>
          %swap3A_1197 = vector.shape_cast %add3A_1191 : vector<16xf32> to vector<1x16xf32>
          tpu.vector_store %arg7[%swap3A_1193, %swap3A_1194], %swap3A_1197 {strides = array<i32>} : memref<168x256xf32, #tpu.memory_space<vmem>>, vector<1x16xf32>,
          %mul3A_1198 = arith.mulf %broadcast_in_dim3A, %get3A_79 : vector<16xf32>
          %add3A_1199 = arith.addf %mul3A_1198, %get3A_239 : vector<16xf32>
          %add3A_1200 = arith.addi %mul3A_897, %scan3A_1068 : i32
          %swap3A_1201 = arith.index_cast %add3A_1200 : i32 to index
          %swap3A_1202 = arith.constant 240 : index
          %swap3A_1203 = tpu.vector_load %arg7[%swap3A_1201, %swap3A_1202] {strides = array<i32>} : memref<168x256xf32, #tpu.memory_space<vmem>>, vector<1x16xf32>,
          %swap3A_1204 = vector.shape_cast %swap3A_1203 : vector<1x16xf32> to vector<16xf32>
          %swap3A_1205 = vector.shape_cast %add3A_1199 : vector<16xf32> to vector<1x16xf32>
          tpu.vector_store %arg7[%swap3A_1201, %swap3A_1202], %swap3A_1205 {strides = array<i32>} : memref<168x256xf32, #tpu.memory_space<vmem>>, vector<1x16xf32>,
          %scan3A_1206 = arith.constant 0 : i32
          scf.yield %scan3A_1206 : i32
        }
        %scan3A_904 = arith.constant 20 : i32
        %add3A_905 = arith.constant 20 : i32
        %add3A_906 = arith.addi %mul3A_897, %add3A_905 : i32
        %get3A_907 = arith.constant 4 : i32
        %get3A_908 = arith.index_cast %get3A_907 : i32 to index
        %get3A_909 = arith.constant 0 : index
        %get3A_910 = tpu.vector_load %arg6[%get3A_908, %get3A_909] {strides = array<i32>} : memref<8x256xf32, #tpu.memory_space<vmem>>, vector<1x16xf32>,
        %get3A_911 = vector.shape_cast %get3A_910 : vector<1x16xf32> to vector<16xf32>
        %swap3A_912 = arith.index_cast %add3A_906 : i32 to index
        %swap3A_913 = arith.constant 0 : index
        %swap3A_914 = tpu.vector_load %arg7[%swap3A_912, %swap3A_913] {strides = array<i32>} : memref<168x256xf32, #tpu.memory_space<vmem>>, vector<1x16xf32>,
        %swap3A_915 = vector.shape_cast %swap3A_914 : vector<1x16xf32> to vector<16xf32>
        %swap3A_916 = vector.shape_cast %get3A_911 : vector<16xf32> to vector<1x16xf32>
        tpu.vector_store %arg7[%swap3A_912, %swap3A_913], %swap3A_916 {strides = array<i32>} : memref<168x256xf32, #tpu.memory_space<vmem>>, vector<1x16xf32>,
        %get3A_917 = arith.constant 4 : i32
        %get3A_918 = arith.index_cast %get3A_917 : i32 to index
        %get3A_919 = arith.constant 16 : index
        %get3A_920 = tpu.vector_load %arg6[%get3A_918, %get3A_919] {strides = array<i32>} : memref<8x256xf32, #tpu.memory_space<vmem>>, vector<1x16xf32>,
        %get3A_921 = vector.shape_cast %get3A_920 : vector<1x16xf32> to vector<16xf32>
        %swap3A_922 = arith.index_cast %add3A_906 : i32 to index
        %swap3A_923 = arith.constant 16 : index
        %swap3A_924 = tpu.vector_load %arg7[%swap3A_922, %swap3A_923] {strides = array<i32>} : memref<168x256xf32, #tpu.memory_space<vmem>>, vector<1x16xf32>,
        %swap3A_925 = vector.shape_cast %swap3A_924 : vector<1x16xf32> to vector<16xf32>
        %swap3A_926 = vector.shape_cast %get3A_921 : vector<16xf32> to vector<1x16xf32>
        tpu.vector_store %arg7[%swap3A_922, %swap3A_923], %swap3A_926 {strides = array<i32>} : memref<168x256xf32, #tpu.memory_space<vmem>>, vector<1x16xf32>,
        %get3A_927 = arith.constant 4 : i32
        %get3A_928 = arith.index_cast %get3A_927 : i32 to index
        %get3A_929 = arith.constant 32 : index
        %get3A_930 = tpu.vector_load %arg6[%get3A_928, %get3A_929] {strides = array<i32>} : memref<8x256xf32, #tpu.memory_space<vmem>>, vector<1x16xf32>,
        %get3A_931 = vector.shape_cast %get3A_930 : vector<1x16xf32> to vector<16xf32>
        %swap3A_932 = arith.index_cast %add3A_906 : i32 to index
        %swap3A_933 = arith.constant 32 : index
        %swap3A_934 = tpu.vector_load %arg7[%swap3A_932, %swap3A_933] {strides = array<i32>} : memref<168x256xf32, #tpu.memory_space<vmem>>, vector<1x16xf32>,
        %swap3A_935 = vector.shape_cast %swap3A_934 : vector<1x16xf32> to vector<16xf32>
        %swap3A_936 = vector.shape_cast %get3A_931 : vector<16xf32> to vector<1x16xf32>
        tpu.vector_store %arg7[%swap3A_932, %swap3A_933], %swap3A_936 {strides = array<i32>} : memref<168x256xf32, #tpu.memory_space<vmem>>, vector<1x16xf32>,
        %get3A_937 = arith.constant 4 : i32
        %get3A_938 = arith.index_cast %get3A_937 : i32 to index
        %get3A_939 = arith.constant 48 : index
        %get3A_940 = tpu.vector_load %arg6[%get3A_938, %get3A_939] {strides = array<i32>} : memref<8x256xf32, #tpu.memory_space<vmem>>, vector<1x16xf32>,
        %get3A_941 = vector.shape_cast %get3A_940 : vector<1x16xf32> to vector<16xf32>
        %swap3A_942 = arith.index_cast %add3A_906 : i32 to index
        %swap3A_943 = arith.constant 48 : index
        %swap3A_944 = tpu.vector_load %arg7[%swap3A_942, %swap3A_943] {strides = array<i32>} : memref<168x256xf32, #tpu.memory_space<vmem>>, vector<1x16xf32>,
        %swap3A_945 = vector.shape_cast %swap3A_944 : vector<1x16xf32> to vector<16xf32>
        %swap3A_946 = vector.shape_cast %get3A_941 : vector<16xf32> to vector<1x16xf32>
        tpu.vector_store %arg7[%swap3A_942, %swap3A_943], %swap3A_946 {strides = array<i32>} : memref<168x256xf32, #tpu.memory_space<vmem>>, vector<1x16xf32>,
        %get3A_947 = arith.constant 4 : i32
        %get3A_948 = arith.index_cast %get3A_947 : i32 to index
        %get3A_949 = arith.constant 64 : index
        %get3A_950 = tpu.vector_load %arg6[%get3A_948, %get3A_949] {strides = array<i32>} : memref<8x256xf32, #tpu.memory_space<vmem>>, vector<1x16xf32>,
        %get3A_951 = vector.shape_cast %get3A_950 : vector<1x16xf32> to vector<16xf32>
        %swap3A_952 = arith.index_cast %add3A_906 : i32 to index
        %swap3A_953 = arith.constant 64 : index
        %swap3A_954 = tpu.vector_load %arg7[%swap3A_952, %swap3A_953] {strides = array<i32>} : memref<168x256xf32, #tpu.memory_space<vmem>>, vector<1x16xf32>,
        %swap3A_955 = vector.shape_cast %swap3A_954 : vector<1x16xf32> to vector<16xf32>
        %swap3A_956 = vector.shape_cast %get3A_951 : vector<16xf32> to vector<1x16xf32>
        tpu.vector_store %arg7[%swap3A_952, %swap3A_953], %swap3A_956 {strides = array<i32>} : memref<168x256xf32, #tpu.memory_space<vmem>>, vector<1x16xf32>,
        %get3A_957 = arith.constant 4 : i32
        %get3A_958 = arith.index_cast %get3A_957 : i32 to index
        %get3A_959 = arith.constant 80 : index
        %get3A_960 = tpu.vector_load %arg6[%get3A_958, %get3A_959] {strides = array<i32>} : memref<8x256xf32, #tpu.memory_space<vmem>>, vector<1x16xf32>,
        %get3A_961 = vector.shape_cast %get3A_960 : vector<1x16xf32> to vector<16xf32>
        %swap3A_962 = arith.index_cast %add3A_906 : i32 to index
        %swap3A_963 = arith.constant 80 : index
        %swap3A_964 = tpu.vector_load %arg7[%swap3A_962, %swap3A_963] {strides = array<i32>} : memref<168x256xf32, #tpu.memory_space<vmem>>, vector<1x16xf32>,
        %swap3A_965 = vector.shape_cast %swap3A_964 : vector<1x16xf32> to vector<16xf32>
        %swap3A_966 = vector.shape_cast %get3A_961 : vector<16xf32> to vector<1x16xf32>
        tpu.vector_store %arg7[%swap3A_962, %swap3A_963], %swap3A_966 {strides = array<i32>} : memref<168x256xf32, #tpu.memory_space<vmem>>, vector<1x16xf32>,
        %get3A_967 = arith.constant 4 : i32
        %get3A_968 = arith.index_cast %get3A_967 : i32 to index
        %get3A_969 = arith.constant 96 : index
        %get3A_970 = tpu.vector_load %arg6[%get3A_968, %get3A_969] {strides = array<i32>} : memref<8x256xf32, #tpu.memory_space<vmem>>, vector<1x16xf32>,
        %get3A_971 = vector.shape_cast %get3A_970 : vector<1x16xf32> to vector<16xf32>
        %swap3A_972 = arith.index_cast %add3A_906 : i32 to index
        %swap3A_973 = arith.constant 96 : index
        %swap3A_974 = tpu.vector_load %arg7[%swap3A_972, %swap3A_973] {strides = array<i32>} : memref<168x256xf32, #tpu.memory_space<vmem>>, vector<1x16xf32>,
        %swap3A_975 = vector.shape_cast %swap3A_974 : vector<1x16xf32> to vector<16xf32>
        %swap3A_976 = vector.shape_cast %get3A_971 : vector<16xf32> to vector<1x16xf32>
        tpu.vector_store %arg7[%swap3A_972, %swap3A_973], %swap3A_976 {strides = array<i32>} : memref<168x256xf32, #tpu.memory_space<vmem>>, vector<1x16xf32>,
        %get3A_977 = arith.constant 4 : i32
        %get3A_978 = arith.index_cast %get3A_977 : i32 to index
        %get3A_979 = arith.constant 112 : index
        %get3A_980 = tpu.vector_load %arg6[%get3A_978, %get3A_979] {strides = array<i32>} : memref<8x256xf32, #tpu.memory_space<vmem>>, vector<1x16xf32>,
        %get3A_981 = vector.shape_cast %get3A_980 : vector<1x16xf32> to vector<16xf32>
        %swap3A_982 = arith.index_cast %add3A_906 : i32 to index
        %swap3A_983 = arith.constant 112 : index
        %swap3A_984 = tpu.vector_load %arg7[%swap3A_982, %swap3A_983] {strides = array<i32>} : memref<168x256xf32, #tpu.memory_space<vmem>>, vector<1x16xf32>,
        %swap3A_985 = vector.shape_cast %swap3A_984 : vector<1x16xf32> to vector<16xf32>
        %swap3A_986 = vector.shape_cast %get3A_981 : vector<16xf32> to vector<1x16xf32>
        tpu.vector_store %arg7[%swap3A_982, %swap3A_983], %swap3A_986 {strides = array<i32>} : memref<168x256xf32, #tpu.memory_space<vmem>>, vector<1x16xf32>,
        %get3A_987 = arith.constant 4 : i32
        %get3A_988 = arith.index_cast %get3A_987 : i32 to index
        %get3A_989 = arith.constant 128 : index
        %get3A_990 = tpu.vector_load %arg6[%get3A_988, %get3A_989] {strides = array<i32>} : memref<8x256xf32, #tpu.memory_space<vmem>>, vector<1x16xf32>,
        %get3A_991 = vector.shape_cast %get3A_990 : vector<1x16xf32> to vector<16xf32>
        %swap3A_992 = arith.index_cast %add3A_906 : i32 to index
        %swap3A_993 = arith.constant 128 : index
        %swap3A_994 = tpu.vector_load %arg7[%swap3A_992, %swap3A_993] {strides = array<i32>} : memref<168x256xf32, #tpu.memory_space<vmem>>, vector<1x16xf32>,
        %swap3A_995 = vector.shape_cast %swap3A_994 : vector<1x16xf32> to vector<16xf32>
        %swap3A_996 = vector.shape_cast %get3A_991 : vector<16xf32> to vector<1x16xf32>
        tpu.vector_store %arg7[%swap3A_992, %swap3A_993], %swap3A_996 {strides = array<i32>} : memref<168x256xf32, #tpu.memory_space<vmem>>, vector<1x16xf32>,
        %get3A_997 = arith.constant 4 : i32
        %get3A_998 = arith.index_cast %get3A_997 : i32 to index
        %get3A_999 = arith.constant 144 : index
        %get3A_1000 = tpu.vector_load %arg6[%get3A_998, %get3A_999] {strides = array<i32>} : memref<8x256xf32, #tpu.memory_space<vmem>>, vector<1x16xf32>,
        %get3A_1001 = vector.shape_cast %get3A_1000 : vector<1x16xf32> to vector<16xf32>
        %swap3A_1002 = arith.index_cast %add3A_906 : i32 to index
        %swap3A_1003 = arith.constant 144 : index
        %swap3A_1004 = tpu.vector_load %arg7[%swap3A_1002, %swap3A_1003] {strides = array<i32>} : memref<168x256xf32, #tpu.memory_space<vmem>>, vector<1x16xf32>,
        %swap3A_1005 = vector.shape_cast %swap3A_1004 : vector<1x16xf32> to vector<16xf32>
        %swap3A_1006 = vector.shape_cast %get3A_1001 : vector<16xf32> to vector<1x16xf32>
        tpu.vector_store %arg7[%swap3A_1002, %swap3A_1003], %swap3A_1006 {strides = array<i32>} : memref<168x256xf32, #tpu.memory_space<vmem>>, vector<1x16xf32>,
        %get3A_1007 = arith.constant 4 : i32
        %get3A_1008 = arith.index_cast %get3A_1007 : i32 to index
        %get3A_1009 = arith.constant 160 : index
        %get3A_1010 = tpu.vector_load %arg6[%get3A_1008, %get3A_1009] {strides = array<i32>} : memref<8x256xf32, #tpu.memory_space<vmem>>, vector<1x16xf32>,
        %get3A_1011 = vector.shape_cast %get3A_1010 : vector<1x16xf32> to vector<16xf32>
        %swap3A_1012 = arith.index_cast %add3A_906 : i32 to index
        %swap3A_1013 = arith.constant 160 : index
        %swap3A_1014 = tpu.vector_load %arg7[%swap3A_1012, %swap3A_1013] {strides = array<i32>} : memref<168x256xf32, #tpu.memory_space<vmem>>, vector<1x16xf32>,
        %swap3A_1015 = vector.shape_cast %swap3A_1014 : vector<1x16xf32> to vector<16xf32>
        %swap3A_1016 = vector.shape_cast %get3A_1011 : vector<16xf32> to vector<1x16xf32>
        tpu.vector_store %arg7[%swap3A_1012, %swap3A_1013], %swap3A_1016 {strides = array<i32>} : memref<168x256xf32, #tpu.memory_space<vmem>>, vector<1x16xf32>,
        %get3A_1017 = arith.constant 4 : i32
        %get3A_1018 = arith.index_cast %get3A_1017 : i32 to index
        %get3A_1019 = arith.constant 176 : index
        %get3A_1020 = tpu.vector_load %arg6[%get3A_1018, %get3A_1019] {strides = array<i32>} : memref<8x256xf32, #tpu.memory_space<vmem>>, vector<1x16xf32>,
        %get3A_1021 = vector.shape_cast %get3A_1020 : vector<1x16xf32> to vector<16xf32>
        %swap3A_1022 = arith.index_cast %add3A_906 : i32 to index
        %swap3A_1023 = arith.constant 176 : index
        %swap3A_1024 = tpu.vector_load %arg7[%swap3A_1022, %swap3A_1023] {strides = array<i32>} : memref<168x256xf32, #tpu.memory_space<vmem>>, vector<1x16xf32>,
        %swap3A_1025 = vector.shape_cast %swap3A_1024 : vector<1x16xf32> to vector<16xf32>
        %swap3A_1026 = vector.shape_cast %get3A_1021 : vector<16xf32> to vector<1x16xf32>
        tpu.vector_store %arg7[%swap3A_1022, %swap3A_1023], %swap3A_1026 {strides = array<i32>} : memref<168x256xf32, #tpu.memory_space<vmem>>, vector<1x16xf32>,
        %get3A_1027 = arith.constant 4 : i32
        %get3A_1028 = arith.index_cast %get3A_1027 : i32 to index
        %get3A_1029 = arith.constant 192 : index
        %get3A_1030 = tpu.vector_load %arg6[%get3A_1028, %get3A_1029] {strides = array<i32>} : memref<8x256xf32, #tpu.memory_space<vmem>>, vector<1x16xf32>,
        %get3A_1031 = vector.shape_cast %get3A_1030 : vector<1x16xf32> to vector<16xf32>
        %swap3A_1032 = arith.index_cast %add3A_906 : i32 to index
        %swap3A_1033 = arith.constant 192 : index
        %swap3A_1034 = tpu.vector_load %arg7[%swap3A_1032, %swap3A_1033] {strides = array<i32>} : memref<168x256xf32, #tpu.memory_space<vmem>>, vector<1x16xf32>,
        %swap3A_1035 = vector.shape_cast %swap3A_1034 : vector<1x16xf32> to vector<16xf32>
        %swap3A_1036 = vector.shape_cast %get3A_1031 : vector<16xf32> to vector<1x16xf32>
        tpu.vector_store %arg7[%swap3A_1032, %swap3A_1033], %swap3A_1036 {strides = array<i32>} : memref<168x256xf32, #tpu.memory_space<vmem>>, vector<1x16xf32>,
        %get3A_1037 = arith.constant 4 : i32
        %get3A_1038 = arith.index_cast %get3A_1037 : i32 to index
        %get3A_1039 = arith.constant 208 : index
        %get3A_1040 = tpu.vector_load %arg6[%get3A_1038, %get3A_1039] {strides = array<i32>} : memref<8x256xf32, #tpu.memory_space<vmem>>, vector<1x16xf32>,
        %get3A_1041 = vector.shape_cast %get3A_1040 : vector<1x16xf32> to vector<16xf32>
        %swap3A_1042 = arith.index_cast %add3A_906 : i32 to index
        %swap3A_1043 = arith.constant 208 : index
        %swap3A_1044 = tpu.vector_load %arg7[%swap3A_1042, %swap3A_1043] {strides = array<i32>} : memref<168x256xf32, #tpu.memory_space<vmem>>, vector<1x16xf32>,
        %swap3A_1045 = vector.shape_cast %swap3A_1044 : vector<1x16xf32> to vector<16xf32>
        %swap3A_1046 = vector.shape_cast %get3A_1041 : vector<16xf32> to vector<1x16xf32>
        tpu.vector_store %arg7[%swap3A_1042, %swap3A_1043], %swap3A_1046 {strides = array<i32>} : memref<168x256xf32, #tpu.memory_space<vmem>>, vector<1x16xf32>,
        %get3A_1047 = arith.constant 4 : i32
        %get3A_1048 = arith.index_cast %get3A_1047 : i32 to index
        %get3A_1049 = arith.constant 224 : index
        %get3A_1050 = tpu.vector_load %arg6[%get3A_1048, %get3A_1049] {strides = array<i32>} : memref<8x256xf32, #tpu.memory_space<vmem>>, vector<1x16xf32>,
        %get3A_1051 = vector.shape_cast %get3A_1050 : vector<1x16xf32> to vector<16xf32>
        %swap3A_1052 = arith.index_cast %add3A_906 : i32 to index
        %swap3A_1053 = arith.constant 224 : index
        %swap3A_1054 = tpu.vector_load %arg7[%swap3A_1052, %swap3A_1053] {strides = array<i32>} : memref<168x256xf32, #tpu.memory_space<vmem>>, vector<1x16xf32>,
        %swap3A_1055 = vector.shape_cast %swap3A_1054 : vector<1x16xf32> to vector<16xf32>
        %swap3A_1056 = vector.shape_cast %get3A_1051 : vector<16xf32> to vector<1x16xf32>
        tpu.vector_store %arg7[%swap3A_1052, %swap3A_1053], %swap3A_1056 {strides = array<i32>} : memref<168x256xf32, #tpu.memory_space<vmem>>, vector<1x16xf32>,
        %get3A_1057 = arith.constant 4 : i32
        %get3A_1058 = arith.index_cast %get3A_1057 : i32 to index
        %get3A_1059 = arith.constant 240 : index
        %get3A_1060 = tpu.vector_load %arg6[%get3A_1058, %get3A_1059] {strides = array<i32>} : memref<8x256xf32, #tpu.memory_space<vmem>>, vector<1x16xf32>,
        %get3A_1061 = vector.shape_cast %get3A_1060 : vector<1x16xf32> to vector<16xf32>
        %swap3A_1062 = arith.index_cast %add3A_906 : i32 to index
        %swap3A_1063 = arith.constant 240 : index
        %swap3A_1064 = tpu.vector_load %arg7[%swap3A_1062, %swap3A_1063] {strides = array<i32>} : memref<168x256xf32, #tpu.memory_space<vmem>>, vector<1x16xf32>,
        %swap3A_1065 = vector.shape_cast %swap3A_1064 : vector<1x16xf32> to vector<16xf32>
        %swap3A_1066 = vector.shape_cast %get3A_1061 : vector<16xf32> to vector<1x16xf32>
        tpu.vector_store %arg7[%swap3A_1062, %swap3A_1063], %swap3A_1066 {strides = array<i32>} : memref<168x256xf32, #tpu.memory_space<vmem>>, vector<1x16xf32>,
        %scan3A_1067 = arith.constant 0 : i32
        scf.yield %scan3A_1067 : i32
      }
      %scan3A_337 = arith.constant 8 : i32
      "tpu.region"() ({
        %run_scoped3A = tpu.sem_alloc : memref<!tpu.dma_semaphore, #tpu.memory_space<semaphore_mem>>
        %dma_start3A = arith.constant 0 : i32
        %dma_start3A_894 = arith.constant 0 : i32
        %dma_start3A_895 = tpu.memref_slice %arg4[%add3A_330, %dma_start3A, %dma_start3A_894] : memref<128x640x256xf32, #tpu.memory_space<hbm>> -> memref<1x168x256xf32, #tpu.memory_space<hbm>>
        %dma_start3A_896 = tpu.memref_squeeze %dma_start3A_895 : memref<1x168x256xf32, #tpu.memory_space<hbm>> -> memref<168x256xf32, #tpu.memory_space<hbm>>
        %dma_start3A_897 = arith.constant 0 : i32
        %dma_start3A_898 = arith.constant 0 : i32
        %dma_start3A_899 = tpu.memref_slice %arg4[%add3A_330, %dma_start3A_897, %dma_start3A_898] : memref<128x640x256xf32, #tpu.memory_space<hbm>> -> memref<1x168x256xf32, #tpu.memory_space<hbm>>
        %dma_start3A_900 = tpu.memref_squeeze %dma_start3A_899 : memref<1x168x256xf32, #tpu.memory_space<hbm>> -> memref<168x256xf32, #tpu.memory_space<hbm>>
        tpu.enqueue_dma source(%arg7 : memref<168x256xf32, #tpu.memory_space<vmem>>) target(%dma_start3A_900 : memref<168x256xf32, #tpu.memory_space<hbm>>) target_semaphore(%run_scoped3A : memref<!tpu.dma_semaphore, #tpu.memory_space<semaphore_mem>>)
        %dma_wait3A = arith.constant 0 : i32
        %dma_wait3A_901 = arith.constant 0 : i32
        %dma_wait3A_902 = tpu.memref_slice %arg4[%add3A_330, %dma_wait3A, %dma_wait3A_901] : memref<128x640x256xf32, #tpu.memory_space<hbm>> -> memref<1x168x256xf32, #tpu.memory_space<hbm>>
        %dma_wait3A_903 = tpu.memref_squeeze %dma_wait3A_902 : memref<1x168x256xf32, #tpu.memory_space<hbm>> -> memref<168x256xf32, #tpu.memory_space<hbm>>
        %dma_wait3A_904 = arith.constant 0 : i32
        %dma_wait3A_905 = arith.constant 0 : i32
        %dma_wait3A_906 = tpu.memref_slice %arg4[%add3A_330, %dma_wait3A_904, %dma_wait3A_905] : memref<128x640x256xf32, #tpu.memory_space<hbm>> -> memref<1x168x256xf32, #tpu.memory_space<hbm>>
        %dma_wait3A_907 = tpu.memref_squeeze %dma_wait3A_906 : memref<1x168x256xf32, #tpu.memory_space<hbm>> -> memref<168x256xf32, #tpu.memory_space<hbm>>
        tpu.wait_dma2 semaphore(%run_scoped3A : memref<!tpu.dma_semaphore, #tpu.memory_space<semaphore_mem>>) src(%arg7 : memref<168x256xf32, #tpu.memory_space<vmem>>) dst(%dma_wait3A_907 : memref<168x256xf32, #tpu.memory_space<hbm>>)
        tpu.yield
      }) : () -> ()
      %scan3A_338 = arith.constant 0 : i32
      %scan3A_339 = arith.constant 0 : i32
      %scan3A_340 = arith.constant 8 : i32
      %scan3A_341 = arith.addi %scan3A_339, %scan3A_340 : i32
      %scan3A_342 = arith.constant 1 : i32
      %scan3A_343 = scf.for %scan3A_894 = %scan3A_339 to %scan3A_341 step %scan3A_342 iter_args(%scan3A_895 = %scan3A_338) -> (i32)  : i32 {
        %mul3A_896 = arith.constant 21 : i32
        %mul3A_897 = arith.muli %scan3A_894, %mul3A_896 : i32
        %scan3A_898 = arith.constant 0 : i32
        %scan3A_899 = arith.constant 0 : i32
        %scan3A_900 = arith.constant 20 : i32
        %scan3A_901 = arith.addi %scan3A_899, %scan3A_900 : i32
        %scan3A_902 = arith.constant 1 : i32
        %scan3A_903 = scf.for %scan3A_1068 = %scan3A_899 to %scan3A_901 step %scan3A_902 iter_args(%scan3A_1069 = %scan3A_898) -> (i32)  : i32 {
          %add3A_1070 = arith.constant 8 : i32
          %add3A_1071 = arith.addi %add3A_1070, %scan3A_894 : i32
          %mul3A_1072 = arith.constant 20 : i32
          %mul3A_1073 = arith.muli %add3A_1071, %mul3A_1072 : i32
          %add3A_1074 = arith.addi %mul3A_1073, %scan3A_1068 : i32
          %get3A_1075 = arith.index_cast %add3A_1074 : i32 to index
          %get3A_1076 = tpu.vector_load %arg5[%get3A_1075] {strides = array<i32>} : memref<616xf32, #tpu.memory_space<vmem>>, vector<16xf32>,
          %get3A_1077 = vector.shape_cast %get3A_1076 : vector<16xf32> to vector<16xf32>
          %slice3A = vector.extract_strided_slice %get3A_1077 {offsets = [0], sizes = [1], strides = [1]} : vector<16xf32> to vector<1xf32>
          %squeeze3A = vector.extract %slice3A[0] : f32 from vector<1xf32>
          %broadcast_in_dim3A = vector.broadcast %squeeze3A : f32 to vector<16xf32>
          %mul3A_1078 = arith.mulf %broadcast_in_dim3A, %get3A_4 : vector<16xf32>
          %add3A_1079 = arith.addf %mul3A_1078, %get3A_164 : vector<16xf32>
          %add3A_1080 = arith.addi %mul3A_897, %scan3A_1068 : i32
          %swap3A_1081 = arith.index_cast %add3A_1080 : i32 to index
          %swap3A_1082 = arith.constant 0 : index
          %swap3A_1083 = tpu.vector_load %arg7[%swap3A_1081, %swap3A_1082] {strides = array<i32>} : memref<168x256xf32, #tpu.memory_space<vmem>>, vector<1x16xf32>,
          %swap3A_1084 = vector.shape_cast %swap3A_1083 : vector<1x16xf32> to vector<16xf32>
          %swap3A_1085 = vector.shape_cast %add3A_1079 : vector<16xf32> to vector<1x16xf32>
          tpu.vector_store %arg7[%swap3A_1081, %swap3A_1082], %swap3A_1085 {strides = array<i32>} : memref<168x256xf32, #tpu.memory_space<vmem>>, vector<1x16xf32>,
          %mul3A_1086 = arith.mulf %broadcast_in_dim3A, %get3A_9 : vector<16xf32>
          %add3A_1087 = arith.addf %mul3A_1086, %get3A_169 : vector<16xf32>
          %add3A_1088 = arith.addi %mul3A_897, %scan3A_1068 : i32
          %swap3A_1089 = arith.index_cast %add3A_1088 : i32 to index
          %swap3A_1090 = arith.constant 16 : index
          %swap3A_1091 = tpu.vector_load %arg7[%swap3A_1089, %swap3A_1090] {strides = array<i32>} : memref<168x256xf32, #tpu.memory_space<vmem>>, vector<1x16xf32>,
          %swap3A_1092 = vector.shape_cast %swap3A_1091 : vector<1x16xf32> to vector<16xf32>
          %swap3A_1093 = vector.shape_cast %add3A_1087 : vector<16xf32> to vector<1x16xf32>
          tpu.vector_store %arg7[%swap3A_1089, %swap3A_1090], %swap3A_1093 {strides = array<i32>} : memref<168x256xf32, #tpu.memory_space<vmem>>, vector<1x16xf32>,
          %mul3A_1094 = arith.mulf %broadcast_in_dim3A, %get3A_14 : vector<16xf32>
          %add3A_1095 = arith.addf %mul3A_1094, %get3A_174 : vector<16xf32>
          %add3A_1096 = arith.addi %mul3A_897, %scan3A_1068 : i32
          %swap3A_1097 = arith.index_cast %add3A_1096 : i32 to index
          %swap3A_1098 = arith.constant 32 : index
          %swap3A_1099 = tpu.vector_load %arg7[%swap3A_1097, %swap3A_1098] {strides = array<i32>} : memref<168x256xf32, #tpu.memory_space<vmem>>, vector<1x16xf32>,
          %swap3A_1100 = vector.shape_cast %swap3A_1099 : vector<1x16xf32> to vector<16xf32>
          %swap3A_1101 = vector.shape_cast %add3A_1095 : vector<16xf32> to vector<1x16xf32>
          tpu.vector_store %arg7[%swap3A_1097, %swap3A_1098], %swap3A_1101 {strides = array<i32>} : memref<168x256xf32, #tpu.memory_space<vmem>>, vector<1x16xf32>,
          %mul3A_1102 = arith.mulf %broadcast_in_dim3A, %get3A_19 : vector<16xf32>
          %add3A_1103 = arith.addf %mul3A_1102, %get3A_179 : vector<16xf32>
          %add3A_1104 = arith.addi %mul3A_897, %scan3A_1068 : i32
          %swap3A_1105 = arith.index_cast %add3A_1104 : i32 to index
          %swap3A_1106 = arith.constant 48 : index
          %swap3A_1107 = tpu.vector_load %arg7[%swap3A_1105, %swap3A_1106] {strides = array<i32>} : memref<168x256xf32, #tpu.memory_space<vmem>>, vector<1x16xf32>,
          %swap3A_1108 = vector.shape_cast %swap3A_1107 : vector<1x16xf32> to vector<16xf32>
          %swap3A_1109 = vector.shape_cast %add3A_1103 : vector<16xf32> to vector<1x16xf32>
          tpu.vector_store %arg7[%swap3A_1105, %swap3A_1106], %swap3A_1109 {strides = array<i32>} : memref<168x256xf32, #tpu.memory_space<vmem>>, vector<1x16xf32>,
          %mul3A_1110 = arith.mulf %broadcast_in_dim3A, %get3A_24 : vector<16xf32>
          %add3A_1111 = arith.addf %mul3A_1110, %get3A_184 : vector<16xf32>
          %add3A_1112 = arith.addi %mul3A_897, %scan3A_1068 : i32
          %swap3A_1113 = arith.index_cast %add3A_1112 : i32 to index
          %swap3A_1114 = arith.constant 64 : index
          %swap3A_1115 = tpu.vector_load %arg7[%swap3A_1113, %swap3A_1114] {strides = array<i32>} : memref<168x256xf32, #tpu.memory_space<vmem>>, vector<1x16xf32>,
          %swap3A_1116 = vector.shape_cast %swap3A_1115 : vector<1x16xf32> to vector<16xf32>
          %swap3A_1117 = vector.shape_cast %add3A_1111 : vector<16xf32> to vector<1x16xf32>
          tpu.vector_store %arg7[%swap3A_1113, %swap3A_1114], %swap3A_1117 {strides = array<i32>} : memref<168x256xf32, #tpu.memory_space<vmem>>, vector<1x16xf32>,
          %mul3A_1118 = arith.mulf %broadcast_in_dim3A, %get3A_29 : vector<16xf32>
          %add3A_1119 = arith.addf %mul3A_1118, %get3A_189 : vector<16xf32>
          %add3A_1120 = arith.addi %mul3A_897, %scan3A_1068 : i32
          %swap3A_1121 = arith.index_cast %add3A_1120 : i32 to index
          %swap3A_1122 = arith.constant 80 : index
          %swap3A_1123 = tpu.vector_load %arg7[%swap3A_1121, %swap3A_1122] {strides = array<i32>} : memref<168x256xf32, #tpu.memory_space<vmem>>, vector<1x16xf32>,
          %swap3A_1124 = vector.shape_cast %swap3A_1123 : vector<1x16xf32> to vector<16xf32>
          %swap3A_1125 = vector.shape_cast %add3A_1119 : vector<16xf32> to vector<1x16xf32>
          tpu.vector_store %arg7[%swap3A_1121, %swap3A_1122], %swap3A_1125 {strides = array<i32>} : memref<168x256xf32, #tpu.memory_space<vmem>>, vector<1x16xf32>,
          %mul3A_1126 = arith.mulf %broadcast_in_dim3A, %get3A_34 : vector<16xf32>
          %add3A_1127 = arith.addf %mul3A_1126, %get3A_194 : vector<16xf32>
          %add3A_1128 = arith.addi %mul3A_897, %scan3A_1068 : i32
          %swap3A_1129 = arith.index_cast %add3A_1128 : i32 to index
          %swap3A_1130 = arith.constant 96 : index
          %swap3A_1131 = tpu.vector_load %arg7[%swap3A_1129, %swap3A_1130] {strides = array<i32>} : memref<168x256xf32, #tpu.memory_space<vmem>>, vector<1x16xf32>,
          %swap3A_1132 = vector.shape_cast %swap3A_1131 : vector<1x16xf32> to vector<16xf32>
          %swap3A_1133 = vector.shape_cast %add3A_1127 : vector<16xf32> to vector<1x16xf32>
          tpu.vector_store %arg7[%swap3A_1129, %swap3A_1130], %swap3A_1133 {strides = array<i32>} : memref<168x256xf32, #tpu.memory_space<vmem>>, vector<1x16xf32>,
          %mul3A_1134 = arith.mulf %broadcast_in_dim3A, %get3A_39 : vector<16xf32>
          %add3A_1135 = arith.addf %mul3A_1134, %get3A_199 : vector<16xf32>
          %add3A_1136 = arith.addi %mul3A_897, %scan3A_1068 : i32
          %swap3A_1137 = arith.index_cast %add3A_1136 : i32 to index
          %swap3A_1138 = arith.constant 112 : index
          %swap3A_1139 = tpu.vector_load %arg7[%swap3A_1137, %swap3A_1138] {strides = array<i32>} : memref<168x256xf32, #tpu.memory_space<vmem>>, vector<1x16xf32>,
          %swap3A_1140 = vector.shape_cast %swap3A_1139 : vector<1x16xf32> to vector<16xf32>
          %swap3A_1141 = vector.shape_cast %add3A_1135 : vector<16xf32> to vector<1x16xf32>
          tpu.vector_store %arg7[%swap3A_1137, %swap3A_1138], %swap3A_1141 {strides = array<i32>} : memref<168x256xf32, #tpu.memory_space<vmem>>, vector<1x16xf32>,
          %mul3A_1142 = arith.mulf %broadcast_in_dim3A, %get3A_44 : vector<16xf32>
          %add3A_1143 = arith.addf %mul3A_1142, %get3A_204 : vector<16xf32>
          %add3A_1144 = arith.addi %mul3A_897, %scan3A_1068 : i32
          %swap3A_1145 = arith.index_cast %add3A_1144 : i32 to index
          %swap3A_1146 = arith.constant 128 : index
          %swap3A_1147 = tpu.vector_load %arg7[%swap3A_1145, %swap3A_1146] {strides = array<i32>} : memref<168x256xf32, #tpu.memory_space<vmem>>, vector<1x16xf32>,
          %swap3A_1148 = vector.shape_cast %swap3A_1147 : vector<1x16xf32> to vector<16xf32>
          %swap3A_1149 = vector.shape_cast %add3A_1143 : vector<16xf32> to vector<1x16xf32>
          tpu.vector_store %arg7[%swap3A_1145, %swap3A_1146], %swap3A_1149 {strides = array<i32>} : memref<168x256xf32, #tpu.memory_space<vmem>>, vector<1x16xf32>,
          %mul3A_1150 = arith.mulf %broadcast_in_dim3A, %get3A_49 : vector<16xf32>
          %add3A_1151 = arith.addf %mul3A_1150, %get3A_209 : vector<16xf32>
          %add3A_1152 = arith.addi %mul3A_897, %scan3A_1068 : i32
          %swap3A_1153 = arith.index_cast %add3A_1152 : i32 to index
          %swap3A_1154 = arith.constant 144 : index
          %swap3A_1155 = tpu.vector_load %arg7[%swap3A_1153, %swap3A_1154] {strides = array<i32>} : memref<168x256xf32, #tpu.memory_space<vmem>>, vector<1x16xf32>,
          %swap3A_1156 = vector.shape_cast %swap3A_1155 : vector<1x16xf32> to vector<16xf32>
          %swap3A_1157 = vector.shape_cast %add3A_1151 : vector<16xf32> to vector<1x16xf32>
          tpu.vector_store %arg7[%swap3A_1153, %swap3A_1154], %swap3A_1157 {strides = array<i32>} : memref<168x256xf32, #tpu.memory_space<vmem>>, vector<1x16xf32>,
          %mul3A_1158 = arith.mulf %broadcast_in_dim3A, %get3A_54 : vector<16xf32>
          %add3A_1159 = arith.addf %mul3A_1158, %get3A_214 : vector<16xf32>
          %add3A_1160 = arith.addi %mul3A_897, %scan3A_1068 : i32
          %swap3A_1161 = arith.index_cast %add3A_1160 : i32 to index
          %swap3A_1162 = arith.constant 160 : index
          %swap3A_1163 = tpu.vector_load %arg7[%swap3A_1161, %swap3A_1162] {strides = array<i32>} : memref<168x256xf32, #tpu.memory_space<vmem>>, vector<1x16xf32>,
          %swap3A_1164 = vector.shape_cast %swap3A_1163 : vector<1x16xf32> to vector<16xf32>
          %swap3A_1165 = vector.shape_cast %add3A_1159 : vector<16xf32> to vector<1x16xf32>
          tpu.vector_store %arg7[%swap3A_1161, %swap3A_1162], %swap3A_1165 {strides = array<i32>} : memref<168x256xf32, #tpu.memory_space<vmem>>, vector<1x16xf32>,
          %mul3A_1166 = arith.mulf %broadcast_in_dim3A, %get3A_59 : vector<16xf32>
          %add3A_1167 = arith.addf %mul3A_1166, %get3A_219 : vector<16xf32>
          %add3A_1168 = arith.addi %mul3A_897, %scan3A_1068 : i32
          %swap3A_1169 = arith.index_cast %add3A_1168 : i32 to index
          %swap3A_1170 = arith.constant 176 : index
          %swap3A_1171 = tpu.vector_load %arg7[%swap3A_1169, %swap3A_1170] {strides = array<i32>} : memref<168x256xf32, #tpu.memory_space<vmem>>, vector<1x16xf32>,
          %swap3A_1172 = vector.shape_cast %swap3A_1171 : vector<1x16xf32> to vector<16xf32>
          %swap3A_1173 = vector.shape_cast %add3A_1167 : vector<16xf32> to vector<1x16xf32>
          tpu.vector_store %arg7[%swap3A_1169, %swap3A_1170], %swap3A_1173 {strides = array<i32>} : memref<168x256xf32, #tpu.memory_space<vmem>>, vector<1x16xf32>,
          %mul3A_1174 = arith.mulf %broadcast_in_dim3A, %get3A_64 : vector<16xf32>
          %add3A_1175 = arith.addf %mul3A_1174, %get3A_224 : vector<16xf32>
          %add3A_1176 = arith.addi %mul3A_897, %scan3A_1068 : i32
          %swap3A_1177 = arith.index_cast %add3A_1176 : i32 to index
          %swap3A_1178 = arith.constant 192 : index
          %swap3A_1179 = tpu.vector_load %arg7[%swap3A_1177, %swap3A_1178] {strides = array<i32>} : memref<168x256xf32, #tpu.memory_space<vmem>>, vector<1x16xf32>,
          %swap3A_1180 = vector.shape_cast %swap3A_1179 : vector<1x16xf32> to vector<16xf32>
          %swap3A_1181 = vector.shape_cast %add3A_1175 : vector<16xf32> to vector<1x16xf32>
          tpu.vector_store %arg7[%swap3A_1177, %swap3A_1178], %swap3A_1181 {strides = array<i32>} : memref<168x256xf32, #tpu.memory_space<vmem>>, vector<1x16xf32>,
          %mul3A_1182 = arith.mulf %broadcast_in_dim3A, %get3A_69 : vector<16xf32>
          %add3A_1183 = arith.addf %mul3A_1182, %get3A_229 : vector<16xf32>
          %add3A_1184 = arith.addi %mul3A_897, %scan3A_1068 : i32
          %swap3A_1185 = arith.index_cast %add3A_1184 : i32 to index
          %swap3A_1186 = arith.constant 208 : index
          %swap3A_1187 = tpu.vector_load %arg7[%swap3A_1185, %swap3A_1186] {strides = array<i32>} : memref<168x256xf32, #tpu.memory_space<vmem>>, vector<1x16xf32>,
          %swap3A_1188 = vector.shape_cast %swap3A_1187 : vector<1x16xf32> to vector<16xf32>
          %swap3A_1189 = vector.shape_cast %add3A_1183 : vector<16xf32> to vector<1x16xf32>
          tpu.vector_store %arg7[%swap3A_1185, %swap3A_1186], %swap3A_1189 {strides = array<i32>} : memref<168x256xf32, #tpu.memory_space<vmem>>, vector<1x16xf32>,
          %mul3A_1190 = arith.mulf %broadcast_in_dim3A, %get3A_74 : vector<16xf32>
          %add3A_1191 = arith.addf %mul3A_1190, %get3A_234 : vector<16xf32>
          %add3A_1192 = arith.addi %mul3A_897, %scan3A_1068 : i32
          %swap3A_1193 = arith.index_cast %add3A_1192 : i32 to index
          %swap3A_1194 = arith.constant 224 : index
          %swap3A_1195 = tpu.vector_load %arg7[%swap3A_1193, %swap3A_1194] {strides = array<i32>} : memref<168x256xf32, #tpu.memory_space<vmem>>, vector<1x16xf32>,
          %swap3A_1196 = vector.shape_cast %swap3A_1195 : vector<1x16xf32> to vector<16xf32>
          %swap3A_1197 = vector.shape_cast %add3A_1191 : vector<16xf32> to vector<1x16xf32>
          tpu.vector_store %arg7[%swap3A_1193, %swap3A_1194], %swap3A_1197 {strides = array<i32>} : memref<168x256xf32, #tpu.memory_space<vmem>>, vector<1x16xf32>,
          %mul3A_1198 = arith.mulf %broadcast_in_dim3A, %get3A_79 : vector<16xf32>
          %add3A_1199 = arith.addf %mul3A_1198, %get3A_239 : vector<16xf32>
          %add3A_1200 = arith.addi %mul3A_897, %scan3A_1068 : i32
          %swap3A_1201 = arith.index_cast %add3A_1200 : i32 to index
          %swap3A_1202 = arith.constant 240 : index
          %swap3A_1203 = tpu.vector_load %arg7[%swap3A_1201, %swap3A_1202] {strides = array<i32>} : memref<168x256xf32, #tpu.memory_space<vmem>>, vector<1x16xf32>,
          %swap3A_1204 = vector.shape_cast %swap3A_1203 : vector<1x16xf32> to vector<16xf32>
          %swap3A_1205 = vector.shape_cast %add3A_1199 : vector<16xf32> to vector<1x16xf32>
          tpu.vector_store %arg7[%swap3A_1201, %swap3A_1202], %swap3A_1205 {strides = array<i32>} : memref<168x256xf32, #tpu.memory_space<vmem>>, vector<1x16xf32>,
          %scan3A_1206 = arith.constant 0 : i32
          scf.yield %scan3A_1206 : i32
        }
        %scan3A_904 = arith.constant 20 : i32
        %add3A_905 = arith.constant 20 : i32
        %add3A_906 = arith.addi %mul3A_897, %add3A_905 : i32
        %get3A_907 = arith.constant 4 : i32
        %get3A_908 = arith.index_cast %get3A_907 : i32 to index
        %get3A_909 = arith.constant 0 : index
        %get3A_910 = tpu.vector_load %arg6[%get3A_908, %get3A_909] {strides = array<i32>} : memref<8x256xf32, #tpu.memory_space<vmem>>, vector<1x16xf32>,
        %get3A_911 = vector.shape_cast %get3A_910 : vector<1x16xf32> to vector<16xf32>
        %swap3A_912 = arith.index_cast %add3A_906 : i32 to index
        %swap3A_913 = arith.constant 0 : index
        %swap3A_914 = tpu.vector_load %arg7[%swap3A_912, %swap3A_913] {strides = array<i32>} : memref<168x256xf32, #tpu.memory_space<vmem>>, vector<1x16xf32>,
        %swap3A_915 = vector.shape_cast %swap3A_914 : vector<1x16xf32> to vector<16xf32>
        %swap3A_916 = vector.shape_cast %get3A_911 : vector<16xf32> to vector<1x16xf32>
        tpu.vector_store %arg7[%swap3A_912, %swap3A_913], %swap3A_916 {strides = array<i32>} : memref<168x256xf32, #tpu.memory_space<vmem>>, vector<1x16xf32>,
        %get3A_917 = arith.constant 4 : i32
        %get3A_918 = arith.index_cast %get3A_917 : i32 to index
        %get3A_919 = arith.constant 16 : index
        %get3A_920 = tpu.vector_load %arg6[%get3A_918, %get3A_919] {strides = array<i32>} : memref<8x256xf32, #tpu.memory_space<vmem>>, vector<1x16xf32>,
        %get3A_921 = vector.shape_cast %get3A_920 : vector<1x16xf32> to vector<16xf32>
        %swap3A_922 = arith.index_cast %add3A_906 : i32 to index
        %swap3A_923 = arith.constant 16 : index
        %swap3A_924 = tpu.vector_load %arg7[%swap3A_922, %swap3A_923] {strides = array<i32>} : memref<168x256xf32, #tpu.memory_space<vmem>>, vector<1x16xf32>,
        %swap3A_925 = vector.shape_cast %swap3A_924 : vector<1x16xf32> to vector<16xf32>
        %swap3A_926 = vector.shape_cast %get3A_921 : vector<16xf32> to vector<1x16xf32>
        tpu.vector_store %arg7[%swap3A_922, %swap3A_923], %swap3A_926 {strides = array<i32>} : memref<168x256xf32, #tpu.memory_space<vmem>>, vector<1x16xf32>,
        %get3A_927 = arith.constant 4 : i32
        %get3A_928 = arith.index_cast %get3A_927 : i32 to index
        %get3A_929 = arith.constant 32 : index
        %get3A_930 = tpu.vector_load %arg6[%get3A_928, %get3A_929] {strides = array<i32>} : memref<8x256xf32, #tpu.memory_space<vmem>>, vector<1x16xf32>,
        %get3A_931 = vector.shape_cast %get3A_930 : vector<1x16xf32> to vector<16xf32>
        %swap3A_932 = arith.index_cast %add3A_906 : i32 to index
        %swap3A_933 = arith.constant 32 : index
        %swap3A_934 = tpu.vector_load %arg7[%swap3A_932, %swap3A_933] {strides = array<i32>} : memref<168x256xf32, #tpu.memory_space<vmem>>, vector<1x16xf32>,
        %swap3A_935 = vector.shape_cast %swap3A_934 : vector<1x16xf32> to vector<16xf32>
        %swap3A_936 = vector.shape_cast %get3A_931 : vector<16xf32> to vector<1x16xf32>
        tpu.vector_store %arg7[%swap3A_932, %swap3A_933], %swap3A_936 {strides = array<i32>} : memref<168x256xf32, #tpu.memory_space<vmem>>, vector<1x16xf32>,
        %get3A_937 = arith.constant 4 : i32
        %get3A_938 = arith.index_cast %get3A_937 : i32 to index
        %get3A_939 = arith.constant 48 : index
        %get3A_940 = tpu.vector_load %arg6[%get3A_938, %get3A_939] {strides = array<i32>} : memref<8x256xf32, #tpu.memory_space<vmem>>, vector<1x16xf32>,
        %get3A_941 = vector.shape_cast %get3A_940 : vector<1x16xf32> to vector<16xf32>
        %swap3A_942 = arith.index_cast %add3A_906 : i32 to index
        %swap3A_943 = arith.constant 48 : index
        %swap3A_944 = tpu.vector_load %arg7[%swap3A_942, %swap3A_943] {strides = array<i32>} : memref<168x256xf32, #tpu.memory_space<vmem>>, vector<1x16xf32>,
        %swap3A_945 = vector.shape_cast %swap3A_944 : vector<1x16xf32> to vector<16xf32>
        %swap3A_946 = vector.shape_cast %get3A_941 : vector<16xf32> to vector<1x16xf32>
        tpu.vector_store %arg7[%swap3A_942, %swap3A_943], %swap3A_946 {strides = array<i32>} : memref<168x256xf32, #tpu.memory_space<vmem>>, vector<1x16xf32>,
        %get3A_947 = arith.constant 4 : i32
        %get3A_948 = arith.index_cast %get3A_947 : i32 to index
        %get3A_949 = arith.constant 64 : index
        %get3A_950 = tpu.vector_load %arg6[%get3A_948, %get3A_949] {strides = array<i32>} : memref<8x256xf32, #tpu.memory_space<vmem>>, vector<1x16xf32>,
        %get3A_951 = vector.shape_cast %get3A_950 : vector<1x16xf32> to vector<16xf32>
        %swap3A_952 = arith.index_cast %add3A_906 : i32 to index
        %swap3A_953 = arith.constant 64 : index
        %swap3A_954 = tpu.vector_load %arg7[%swap3A_952, %swap3A_953] {strides = array<i32>} : memref<168x256xf32, #tpu.memory_space<vmem>>, vector<1x16xf32>,
        %swap3A_955 = vector.shape_cast %swap3A_954 : vector<1x16xf32> to vector<16xf32>
        %swap3A_956 = vector.shape_cast %get3A_951 : vector<16xf32> to vector<1x16xf32>
        tpu.vector_store %arg7[%swap3A_952, %swap3A_953], %swap3A_956 {strides = array<i32>} : memref<168x256xf32, #tpu.memory_space<vmem>>, vector<1x16xf32>,
        %get3A_957 = arith.constant 4 : i32
        %get3A_958 = arith.index_cast %get3A_957 : i32 to index
        %get3A_959 = arith.constant 80 : index
        %get3A_960 = tpu.vector_load %arg6[%get3A_958, %get3A_959] {strides = array<i32>} : memref<8x256xf32, #tpu.memory_space<vmem>>, vector<1x16xf32>,
        %get3A_961 = vector.shape_cast %get3A_960 : vector<1x16xf32> to vector<16xf32>
        %swap3A_962 = arith.index_cast %add3A_906 : i32 to index
        %swap3A_963 = arith.constant 80 : index
        %swap3A_964 = tpu.vector_load %arg7[%swap3A_962, %swap3A_963] {strides = array<i32>} : memref<168x256xf32, #tpu.memory_space<vmem>>, vector<1x16xf32>,
        %swap3A_965 = vector.shape_cast %swap3A_964 : vector<1x16xf32> to vector<16xf32>
        %swap3A_966 = vector.shape_cast %get3A_961 : vector<16xf32> to vector<1x16xf32>
        tpu.vector_store %arg7[%swap3A_962, %swap3A_963], %swap3A_966 {strides = array<i32>} : memref<168x256xf32, #tpu.memory_space<vmem>>, vector<1x16xf32>,
        %get3A_967 = arith.constant 4 : i32
        %get3A_968 = arith.index_cast %get3A_967 : i32 to index
        %get3A_969 = arith.constant 96 : index
        %get3A_970 = tpu.vector_load %arg6[%get3A_968, %get3A_969] {strides = array<i32>} : memref<8x256xf32, #tpu.memory_space<vmem>>, vector<1x16xf32>,
        %get3A_971 = vector.shape_cast %get3A_970 : vector<1x16xf32> to vector<16xf32>
        %swap3A_972 = arith.index_cast %add3A_906 : i32 to index
        %swap3A_973 = arith.constant 96 : index
        %swap3A_974 = tpu.vector_load %arg7[%swap3A_972, %swap3A_973] {strides = array<i32>} : memref<168x256xf32, #tpu.memory_space<vmem>>, vector<1x16xf32>,
        %swap3A_975 = vector.shape_cast %swap3A_974 : vector<1x16xf32> to vector<16xf32>
        %swap3A_976 = vector.shape_cast %get3A_971 : vector<16xf32> to vector<1x16xf32>
        tpu.vector_store %arg7[%swap3A_972, %swap3A_973], %swap3A_976 {strides = array<i32>} : memref<168x256xf32, #tpu.memory_space<vmem>>, vector<1x16xf32>,
        %get3A_977 = arith.constant 4 : i32
        %get3A_978 = arith.index_cast %get3A_977 : i32 to index
        %get3A_979 = arith.constant 112 : index
        %get3A_980 = tpu.vector_load %arg6[%get3A_978, %get3A_979] {strides = array<i32>} : memref<8x256xf32, #tpu.memory_space<vmem>>, vector<1x16xf32>,
        %get3A_981 = vector.shape_cast %get3A_980 : vector<1x16xf32> to vector<16xf32>
        %swap3A_982 = arith.index_cast %add3A_906 : i32 to index
        %swap3A_983 = arith.constant 112 : index
        %swap3A_984 = tpu.vector_load %arg7[%swap3A_982, %swap3A_983] {strides = array<i32>} : memref<168x256xf32, #tpu.memory_space<vmem>>, vector<1x16xf32>,
        %swap3A_985 = vector.shape_cast %swap3A_984 : vector<1x16xf32> to vector<16xf32>
        %swap3A_986 = vector.shape_cast %get3A_981 : vector<16xf32> to vector<1x16xf32>
        tpu.vector_store %arg7[%swap3A_982, %swap3A_983], %swap3A_986 {strides = array<i32>} : memref<168x256xf32, #tpu.memory_space<vmem>>, vector<1x16xf32>,
        %get3A_987 = arith.constant 4 : i32
        %get3A_988 = arith.index_cast %get3A_987 : i32 to index
        %get3A_989 = arith.constant 128 : index
        %get3A_990 = tpu.vector_load %arg6[%get3A_988, %get3A_989] {strides = array<i32>} : memref<8x256xf32, #tpu.memory_space<vmem>>, vector<1x16xf32>,
        %get3A_991 = vector.shape_cast %get3A_990 : vector<1x16xf32> to vector<16xf32>
        %swap3A_992 = arith.index_cast %add3A_906 : i32 to index
        %swap3A_993 = arith.constant 128 : index
        %swap3A_994 = tpu.vector_load %arg7[%swap3A_992, %swap3A_993] {strides = array<i32>} : memref<168x256xf32, #tpu.memory_space<vmem>>, vector<1x16xf32>,
        %swap3A_995 = vector.shape_cast %swap3A_994 : vector<1x16xf32> to vector<16xf32>
        %swap3A_996 = vector.shape_cast %get3A_991 : vector<16xf32> to vector<1x16xf32>
        tpu.vector_store %arg7[%swap3A_992, %swap3A_993], %swap3A_996 {strides = array<i32>} : memref<168x256xf32, #tpu.memory_space<vmem>>, vector<1x16xf32>,
        %get3A_997 = arith.constant 4 : i32
        %get3A_998 = arith.index_cast %get3A_997 : i32 to index
        %get3A_999 = arith.constant 144 : index
        %get3A_1000 = tpu.vector_load %arg6[%get3A_998, %get3A_999] {strides = array<i32>} : memref<8x256xf32, #tpu.memory_space<vmem>>, vector<1x16xf32>,
        %get3A_1001 = vector.shape_cast %get3A_1000 : vector<1x16xf32> to vector<16xf32>
        %swap3A_1002 = arith.index_cast %add3A_906 : i32 to index
        %swap3A_1003 = arith.constant 144 : index
        %swap3A_1004 = tpu.vector_load %arg7[%swap3A_1002, %swap3A_1003] {strides = array<i32>} : memref<168x256xf32, #tpu.memory_space<vmem>>, vector<1x16xf32>,
        %swap3A_1005 = vector.shape_cast %swap3A_1004 : vector<1x16xf32> to vector<16xf32>
        %swap3A_1006 = vector.shape_cast %get3A_1001 : vector<16xf32> to vector<1x16xf32>
        tpu.vector_store %arg7[%swap3A_1002, %swap3A_1003], %swap3A_1006 {strides = array<i32>} : memref<168x256xf32, #tpu.memory_space<vmem>>, vector<1x16xf32>,
        %get3A_1007 = arith.constant 4 : i32
        %get3A_1008 = arith.index_cast %get3A_1007 : i32 to index
        %get3A_1009 = arith.constant 160 : index
        %get3A_1010 = tpu.vector_load %arg6[%get3A_1008, %get3A_1009] {strides = array<i32>} : memref<8x256xf32, #tpu.memory_space<vmem>>, vector<1x16xf32>,
        %get3A_1011 = vector.shape_cast %get3A_1010 : vector<1x16xf32> to vector<16xf32>
        %swap3A_1012 = arith.index_cast %add3A_906 : i32 to index
        %swap3A_1013 = arith.constant 160 : index
        %swap3A_1014 = tpu.vector_load %arg7[%swap3A_1012, %swap3A_1013] {strides = array<i32>} : memref<168x256xf32, #tpu.memory_space<vmem>>, vector<1x16xf32>,
        %swap3A_1015 = vector.shape_cast %swap3A_1014 : vector<1x16xf32> to vector<16xf32>
        %swap3A_1016 = vector.shape_cast %get3A_1011 : vector<16xf32> to vector<1x16xf32>
        tpu.vector_store %arg7[%swap3A_1012, %swap3A_1013], %swap3A_1016 {strides = array<i32>} : memref<168x256xf32, #tpu.memory_space<vmem>>, vector<1x16xf32>,
        %get3A_1017 = arith.constant 4 : i32
        %get3A_1018 = arith.index_cast %get3A_1017 : i32 to index
        %get3A_1019 = arith.constant 176 : index
        %get3A_1020 = tpu.vector_load %arg6[%get3A_1018, %get3A_1019] {strides = array<i32>} : memref<8x256xf32, #tpu.memory_space<vmem>>, vector<1x16xf32>,
        %get3A_1021 = vector.shape_cast %get3A_1020 : vector<1x16xf32> to vector<16xf32>
        %swap3A_1022 = arith.index_cast %add3A_906 : i32 to index
        %swap3A_1023 = arith.constant 176 : index
        %swap3A_1024 = tpu.vector_load %arg7[%swap3A_1022, %swap3A_1023] {strides = array<i32>} : memref<168x256xf32, #tpu.memory_space<vmem>>, vector<1x16xf32>,
        %swap3A_1025 = vector.shape_cast %swap3A_1024 : vector<1x16xf32> to vector<16xf32>
        %swap3A_1026 = vector.shape_cast %get3A_1021 : vector<16xf32> to vector<1x16xf32>
        tpu.vector_store %arg7[%swap3A_1022, %swap3A_1023], %swap3A_1026 {strides = array<i32>} : memref<168x256xf32, #tpu.memory_space<vmem>>, vector<1x16xf32>,
        %get3A_1027 = arith.constant 4 : i32
        %get3A_1028 = arith.index_cast %get3A_1027 : i32 to index
        %get3A_1029 = arith.constant 192 : index
        %get3A_1030 = tpu.vector_load %arg6[%get3A_1028, %get3A_1029] {strides = array<i32>} : memref<8x256xf32, #tpu.memory_space<vmem>>, vector<1x16xf32>,
        %get3A_1031 = vector.shape_cast %get3A_1030 : vector<1x16xf32> to vector<16xf32>
        %swap3A_1032 = arith.index_cast %add3A_906 : i32 to index
        %swap3A_1033 = arith.constant 192 : index
        %swap3A_1034 = tpu.vector_load %arg7[%swap3A_1032, %swap3A_1033] {strides = array<i32>} : memref<168x256xf32, #tpu.memory_space<vmem>>, vector<1x16xf32>,
        %swap3A_1035 = vector.shape_cast %swap3A_1034 : vector<1x16xf32> to vector<16xf32>
        %swap3A_1036 = vector.shape_cast %get3A_1031 : vector<16xf32> to vector<1x16xf32>
        tpu.vector_store %arg7[%swap3A_1032, %swap3A_1033], %swap3A_1036 {strides = array<i32>} : memref<168x256xf32, #tpu.memory_space<vmem>>, vector<1x16xf32>,
        %get3A_1037 = arith.constant 4 : i32
        %get3A_1038 = arith.index_cast %get3A_1037 : i32 to index
        %get3A_1039 = arith.constant 208 : index
        %get3A_1040 = tpu.vector_load %arg6[%get3A_1038, %get3A_1039] {strides = array<i32>} : memref<8x256xf32, #tpu.memory_space<vmem>>, vector<1x16xf32>,
        %get3A_1041 = vector.shape_cast %get3A_1040 : vector<1x16xf32> to vector<16xf32>
        %swap3A_1042 = arith.index_cast %add3A_906 : i32 to index
        %swap3A_1043 = arith.constant 208 : index
        %swap3A_1044 = tpu.vector_load %arg7[%swap3A_1042, %swap3A_1043] {strides = array<i32>} : memref<168x256xf32, #tpu.memory_space<vmem>>, vector<1x16xf32>,
        %swap3A_1045 = vector.shape_cast %swap3A_1044 : vector<1x16xf32> to vector<16xf32>
        %swap3A_1046 = vector.shape_cast %get3A_1041 : vector<16xf32> to vector<1x16xf32>
        tpu.vector_store %arg7[%swap3A_1042, %swap3A_1043], %swap3A_1046 {strides = array<i32>} : memref<168x256xf32, #tpu.memory_space<vmem>>, vector<1x16xf32>,
        %get3A_1047 = arith.constant 4 : i32
        %get3A_1048 = arith.index_cast %get3A_1047 : i32 to index
        %get3A_1049 = arith.constant 224 : index
        %get3A_1050 = tpu.vector_load %arg6[%get3A_1048, %get3A_1049] {strides = array<i32>} : memref<8x256xf32, #tpu.memory_space<vmem>>, vector<1x16xf32>,
        %get3A_1051 = vector.shape_cast %get3A_1050 : vector<1x16xf32> to vector<16xf32>
        %swap3A_1052 = arith.index_cast %add3A_906 : i32 to index
        %swap3A_1053 = arith.constant 224 : index
        %swap3A_1054 = tpu.vector_load %arg7[%swap3A_1052, %swap3A_1053] {strides = array<i32>} : memref<168x256xf32, #tpu.memory_space<vmem>>, vector<1x16xf32>,
        %swap3A_1055 = vector.shape_cast %swap3A_1054 : vector<1x16xf32> to vector<16xf32>
        %swap3A_1056 = vector.shape_cast %get3A_1051 : vector<16xf32> to vector<1x16xf32>
        tpu.vector_store %arg7[%swap3A_1052, %swap3A_1053], %swap3A_1056 {strides = array<i32>} : memref<168x256xf32, #tpu.memory_space<vmem>>, vector<1x16xf32>,
        %get3A_1057 = arith.constant 4 : i32
        %get3A_1058 = arith.index_cast %get3A_1057 : i32 to index
        %get3A_1059 = arith.constant 240 : index
        %get3A_1060 = tpu.vector_load %arg6[%get3A_1058, %get3A_1059] {strides = array<i32>} : memref<8x256xf32, #tpu.memory_space<vmem>>, vector<1x16xf32>,
        %get3A_1061 = vector.shape_cast %get3A_1060 : vector<1x16xf32> to vector<16xf32>
        %swap3A_1062 = arith.index_cast %add3A_906 : i32 to index
        %swap3A_1063 = arith.constant 240 : index
        %swap3A_1064 = tpu.vector_load %arg7[%swap3A_1062, %swap3A_1063] {strides = array<i32>} : memref<168x256xf32, #tpu.memory_space<vmem>>, vector<1x16xf32>,
        %swap3A_1065 = vector.shape_cast %swap3A_1064 : vector<1x16xf32> to vector<16xf32>
        %swap3A_1066 = vector.shape_cast %get3A_1061 : vector<16xf32> to vector<1x16xf32>
        tpu.vector_store %arg7[%swap3A_1062, %swap3A_1063], %swap3A_1066 {strides = array<i32>} : memref<168x256xf32, #tpu.memory_space<vmem>>, vector<1x16xf32>,
        %scan3A_1067 = arith.constant 0 : i32
        scf.yield %scan3A_1067 : i32
      }
      %scan3A_344 = arith.constant 8 : i32
      "tpu.region"() ({
        %run_scoped3A = tpu.sem_alloc : memref<!tpu.dma_semaphore, #tpu.memory_space<semaphore_mem>>
        %dma_start3A = arith.constant 168 : i32
        %dma_start3A_894 = arith.constant 0 : i32
        %dma_start3A_895 = tpu.memref_slice %arg4[%add3A_330, %dma_start3A, %dma_start3A_894] : memref<128x640x256xf32, #tpu.memory_space<hbm>> -> memref<1x168x256xf32, #tpu.memory_space<hbm>>
        %dma_start3A_896 = tpu.memref_squeeze %dma_start3A_895 : memref<1x168x256xf32, #tpu.memory_space<hbm>> -> memref<168x256xf32, #tpu.memory_space<hbm>>
        %dma_start3A_897 = arith.constant 168 : i32
        %dma_start3A_898 = arith.constant 0 : i32
        %dma_start3A_899 = tpu.memref_slice %arg4[%add3A_330, %dma_start3A_897, %dma_start3A_898] : memref<128x640x256xf32, #tpu.memory_space<hbm>> -> memref<1x168x256xf32, #tpu.memory_space<hbm>>
        %dma_start3A_900 = tpu.memref_squeeze %dma_start3A_899 : memref<1x168x256xf32, #tpu.memory_space<hbm>> -> memref<168x256xf32, #tpu.memory_space<hbm>>
        tpu.enqueue_dma source(%arg7 : memref<168x256xf32, #tpu.memory_space<vmem>>) target(%dma_start3A_900 : memref<168x256xf32, #tpu.memory_space<hbm>>) target_semaphore(%run_scoped3A : memref<!tpu.dma_semaphore, #tpu.memory_space<semaphore_mem>>)
        %dma_wait3A = arith.constant 168 : i32
        %dma_wait3A_901 = arith.constant 0 : i32
        %dma_wait3A_902 = tpu.memref_slice %arg4[%add3A_330, %dma_wait3A, %dma_wait3A_901] : memref<128x640x256xf32, #tpu.memory_space<hbm>> -> memref<1x168x256xf32, #tpu.memory_space<hbm>>
        %dma_wait3A_903 = tpu.memref_squeeze %dma_wait3A_902 : memref<1x168x256xf32, #tpu.memory_space<hbm>> -> memref<168x256xf32, #tpu.memory_space<hbm>>
        %dma_wait3A_904 = arith.constant 168 : i32
        %dma_wait3A_905 = arith.constant 0 : i32
        %dma_wait3A_906 = tpu.memref_slice %arg4[%add3A_330, %dma_wait3A_904, %dma_wait3A_905] : memref<128x640x256xf32, #tpu.memory_space<hbm>> -> memref<1x168x256xf32, #tpu.memory_space<hbm>>
        %dma_wait3A_907 = tpu.memref_squeeze %dma_wait3A_906 : memref<1x168x256xf32, #tpu.memory_space<hbm>> -> memref<168x256xf32, #tpu.memory_space<hbm>>
        tpu.wait_dma2 semaphore(%run_scoped3A : memref<!tpu.dma_semaphore, #tpu.memory_space<semaphore_mem>>) src(%arg7 : memref<168x256xf32, #tpu.memory_space<vmem>>) dst(%dma_wait3A_907 : memref<168x256xf32, #tpu.memory_space<hbm>>)
        tpu.yield
      }) : () -> ()
      %scan3A_345 = arith.constant 0 : i32
      %scan3A_346 = arith.constant 0 : i32
      %scan3A_347 = arith.constant 8 : i32
      %scan3A_348 = arith.addi %scan3A_346, %scan3A_347 : i32
      %scan3A_349 = arith.constant 1 : i32
      %scan3A_350 = scf.for %scan3A_894 = %scan3A_346 to %scan3A_348 step %scan3A_349 iter_args(%scan3A_895 = %scan3A_345) -> (i32)  : i32 {
        %mul3A_896 = arith.constant 21 : i32
        %mul3A_897 = arith.muli %scan3A_894, %mul3A_896 : i32
        %scan3A_898 = arith.constant 0 : i32
        %scan3A_899 = arith.constant 0 : i32
        %scan3A_900 = arith.constant 20 : i32
        %scan3A_901 = arith.addi %scan3A_899, %scan3A_900 : i32
        %scan3A_902 = arith.constant 1 : i32
        %scan3A_903 = scf.for %scan3A_1068 = %scan3A_899 to %scan3A_901 step %scan3A_902 iter_args(%scan3A_1069 = %scan3A_898) -> (i32)  : i32 {
          %add3A_1070 = arith.constant 16 : i32
          %add3A_1071 = arith.addi %add3A_1070, %scan3A_894 : i32
          %mul3A_1072 = arith.constant 20 : i32
          %mul3A_1073 = arith.muli %add3A_1071, %mul3A_1072 : i32
          %add3A_1074 = arith.addi %mul3A_1073, %scan3A_1068 : i32
          %get3A_1075 = arith.index_cast %add3A_1074 : i32 to index
          %get3A_1076 = tpu.vector_load %arg5[%get3A_1075] {strides = array<i32>} : memref<616xf32, #tpu.memory_space<vmem>>, vector<16xf32>,
          %get3A_1077 = vector.shape_cast %get3A_1076 : vector<16xf32> to vector<16xf32>
          %slice3A = vector.extract_strided_slice %get3A_1077 {offsets = [0], sizes = [1], strides = [1]} : vector<16xf32> to vector<1xf32>
          %squeeze3A = vector.extract %slice3A[0] : f32 from vector<1xf32>
          %broadcast_in_dim3A = vector.broadcast %squeeze3A : f32 to vector<16xf32>
          %mul3A_1078 = arith.mulf %broadcast_in_dim3A, %get3A_4 : vector<16xf32>
          %add3A_1079 = arith.addf %mul3A_1078, %get3A_164 : vector<16xf32>
          %add3A_1080 = arith.addi %mul3A_897, %scan3A_1068 : i32
          %swap3A_1081 = arith.index_cast %add3A_1080 : i32 to index
          %swap3A_1082 = arith.constant 0 : index
          %swap3A_1083 = tpu.vector_load %arg7[%swap3A_1081, %swap3A_1082] {strides = array<i32>} : memref<168x256xf32, #tpu.memory_space<vmem>>, vector<1x16xf32>,
          %swap3A_1084 = vector.shape_cast %swap3A_1083 : vector<1x16xf32> to vector<16xf32>
          %swap3A_1085 = vector.shape_cast %add3A_1079 : vector<16xf32> to vector<1x16xf32>
          tpu.vector_store %arg7[%swap3A_1081, %swap3A_1082], %swap3A_1085 {strides = array<i32>} : memref<168x256xf32, #tpu.memory_space<vmem>>, vector<1x16xf32>,
          %mul3A_1086 = arith.mulf %broadcast_in_dim3A, %get3A_9 : vector<16xf32>
          %add3A_1087 = arith.addf %mul3A_1086, %get3A_169 : vector<16xf32>
          %add3A_1088 = arith.addi %mul3A_897, %scan3A_1068 : i32
          %swap3A_1089 = arith.index_cast %add3A_1088 : i32 to index
          %swap3A_1090 = arith.constant 16 : index
          %swap3A_1091 = tpu.vector_load %arg7[%swap3A_1089, %swap3A_1090] {strides = array<i32>} : memref<168x256xf32, #tpu.memory_space<vmem>>, vector<1x16xf32>,
          %swap3A_1092 = vector.shape_cast %swap3A_1091 : vector<1x16xf32> to vector<16xf32>
          %swap3A_1093 = vector.shape_cast %add3A_1087 : vector<16xf32> to vector<1x16xf32>
          tpu.vector_store %arg7[%swap3A_1089, %swap3A_1090], %swap3A_1093 {strides = array<i32>} : memref<168x256xf32, #tpu.memory_space<vmem>>, vector<1x16xf32>,
          %mul3A_1094 = arith.mulf %broadcast_in_dim3A, %get3A_14 : vector<16xf32>
          %add3A_1095 = arith.addf %mul3A_1094, %get3A_174 : vector<16xf32>
          %add3A_1096 = arith.addi %mul3A_897, %scan3A_1068 : i32
          %swap3A_1097 = arith.index_cast %add3A_1096 : i32 to index
          %swap3A_1098 = arith.constant 32 : index
          %swap3A_1099 = tpu.vector_load %arg7[%swap3A_1097, %swap3A_1098] {strides = array<i32>} : memref<168x256xf32, #tpu.memory_space<vmem>>, vector<1x16xf32>,
          %swap3A_1100 = vector.shape_cast %swap3A_1099 : vector<1x16xf32> to vector<16xf32>
          %swap3A_1101 = vector.shape_cast %add3A_1095 : vector<16xf32> to vector<1x16xf32>
          tpu.vector_store %arg7[%swap3A_1097, %swap3A_1098], %swap3A_1101 {strides = array<i32>} : memref<168x256xf32, #tpu.memory_space<vmem>>, vector<1x16xf32>,
          %mul3A_1102 = arith.mulf %broadcast_in_dim3A, %get3A_19 : vector<16xf32>
          %add3A_1103 = arith.addf %mul3A_1102, %get3A_179 : vector<16xf32>
          %add3A_1104 = arith.addi %mul3A_897, %scan3A_1068 : i32
          %swap3A_1105 = arith.index_cast %add3A_1104 : i32 to index
          %swap3A_1106 = arith.constant 48 : index
          %swap3A_1107 = tpu.vector_load %arg7[%swap3A_1105, %swap3A_1106] {strides = array<i32>} : memref<168x256xf32, #tpu.memory_space<vmem>>, vector<1x16xf32>,
          %swap3A_1108 = vector.shape_cast %swap3A_1107 : vector<1x16xf32> to vector<16xf32>
          %swap3A_1109 = vector.shape_cast %add3A_1103 : vector<16xf32> to vector<1x16xf32>
          tpu.vector_store %arg7[%swap3A_1105, %swap3A_1106], %swap3A_1109 {strides = array<i32>} : memref<168x256xf32, #tpu.memory_space<vmem>>, vector<1x16xf32>,
          %mul3A_1110 = arith.mulf %broadcast_in_dim3A, %get3A_24 : vector<16xf32>
          %add3A_1111 = arith.addf %mul3A_1110, %get3A_184 : vector<16xf32>
          %add3A_1112 = arith.addi %mul3A_897, %scan3A_1068 : i32
          %swap3A_1113 = arith.index_cast %add3A_1112 : i32 to index
          %swap3A_1114 = arith.constant 64 : index
          %swap3A_1115 = tpu.vector_load %arg7[%swap3A_1113, %swap3A_1114] {strides = array<i32>} : memref<168x256xf32, #tpu.memory_space<vmem>>, vector<1x16xf32>,
          %swap3A_1116 = vector.shape_cast %swap3A_1115 : vector<1x16xf32> to vector<16xf32>
          %swap3A_1117 = vector.shape_cast %add3A_1111 : vector<16xf32> to vector<1x16xf32>
          tpu.vector_store %arg7[%swap3A_1113, %swap3A_1114], %swap3A_1117 {strides = array<i32>} : memref<168x256xf32, #tpu.memory_space<vmem>>, vector<1x16xf32>,
          %mul3A_1118 = arith.mulf %broadcast_in_dim3A, %get3A_29 : vector<16xf32>
          %add3A_1119 = arith.addf %mul3A_1118, %get3A_189 : vector<16xf32>
          %add3A_1120 = arith.addi %mul3A_897, %scan3A_1068 : i32
          %swap3A_1121 = arith.index_cast %add3A_1120 : i32 to index
          %swap3A_1122 = arith.constant 80 : index
          %swap3A_1123 = tpu.vector_load %arg7[%swap3A_1121, %swap3A_1122] {strides = array<i32>} : memref<168x256xf32, #tpu.memory_space<vmem>>, vector<1x16xf32>,
          %swap3A_1124 = vector.shape_cast %swap3A_1123 : vector<1x16xf32> to vector<16xf32>
          %swap3A_1125 = vector.shape_cast %add3A_1119 : vector<16xf32> to vector<1x16xf32>
          tpu.vector_store %arg7[%swap3A_1121, %swap3A_1122], %swap3A_1125 {strides = array<i32>} : memref<168x256xf32, #tpu.memory_space<vmem>>, vector<1x16xf32>,
          %mul3A_1126 = arith.mulf %broadcast_in_dim3A, %get3A_34 : vector<16xf32>
          %add3A_1127 = arith.addf %mul3A_1126, %get3A_194 : vector<16xf32>
          %add3A_1128 = arith.addi %mul3A_897, %scan3A_1068 : i32
          %swap3A_1129 = arith.index_cast %add3A_1128 : i32 to index
          %swap3A_1130 = arith.constant 96 : index
          %swap3A_1131 = tpu.vector_load %arg7[%swap3A_1129, %swap3A_1130] {strides = array<i32>} : memref<168x256xf32, #tpu.memory_space<vmem>>, vector<1x16xf32>,
          %swap3A_1132 = vector.shape_cast %swap3A_1131 : vector<1x16xf32> to vector<16xf32>
          %swap3A_1133 = vector.shape_cast %add3A_1127 : vector<16xf32> to vector<1x16xf32>
          tpu.vector_store %arg7[%swap3A_1129, %swap3A_1130], %swap3A_1133 {strides = array<i32>} : memref<168x256xf32, #tpu.memory_space<vmem>>, vector<1x16xf32>,
          %mul3A_1134 = arith.mulf %broadcast_in_dim3A, %get3A_39 : vector<16xf32>
          %add3A_1135 = arith.addf %mul3A_1134, %get3A_199 : vector<16xf32>
          %add3A_1136 = arith.addi %mul3A_897, %scan3A_1068 : i32
          %swap3A_1137 = arith.index_cast %add3A_1136 : i32 to index
          %swap3A_1138 = arith.constant 112 : index
          %swap3A_1139 = tpu.vector_load %arg7[%swap3A_1137, %swap3A_1138] {strides = array<i32>} : memref<168x256xf32, #tpu.memory_space<vmem>>, vector<1x16xf32>,
          %swap3A_1140 = vector.shape_cast %swap3A_1139 : vector<1x16xf32> to vector<16xf32>
          %swap3A_1141 = vector.shape_cast %add3A_1135 : vector<16xf32> to vector<1x16xf32>
          tpu.vector_store %arg7[%swap3A_1137, %swap3A_1138], %swap3A_1141 {strides = array<i32>} : memref<168x256xf32, #tpu.memory_space<vmem>>, vector<1x16xf32>,
          %mul3A_1142 = arith.mulf %broadcast_in_dim3A, %get3A_44 : vector<16xf32>
          %add3A_1143 = arith.addf %mul3A_1142, %get3A_204 : vector<16xf32>
          %add3A_1144 = arith.addi %mul3A_897, %scan3A_1068 : i32
          %swap3A_1145 = arith.index_cast %add3A_1144 : i32 to index
          %swap3A_1146 = arith.constant 128 : index
          %swap3A_1147 = tpu.vector_load %arg7[%swap3A_1145, %swap3A_1146] {strides = array<i32>} : memref<168x256xf32, #tpu.memory_space<vmem>>, vector<1x16xf32>,
          %swap3A_1148 = vector.shape_cast %swap3A_1147 : vector<1x16xf32> to vector<16xf32>
          %swap3A_1149 = vector.shape_cast %add3A_1143 : vector<16xf32> to vector<1x16xf32>
          tpu.vector_store %arg7[%swap3A_1145, %swap3A_1146], %swap3A_1149 {strides = array<i32>} : memref<168x256xf32, #tpu.memory_space<vmem>>, vector<1x16xf32>,
          %mul3A_1150 = arith.mulf %broadcast_in_dim3A, %get3A_49 : vector<16xf32>
          %add3A_1151 = arith.addf %mul3A_1150, %get3A_209 : vector<16xf32>
          %add3A_1152 = arith.addi %mul3A_897, %scan3A_1068 : i32
          %swap3A_1153 = arith.index_cast %add3A_1152 : i32 to index
          %swap3A_1154 = arith.constant 144 : index
          %swap3A_1155 = tpu.vector_load %arg7[%swap3A_1153, %swap3A_1154] {strides = array<i32>} : memref<168x256xf32, #tpu.memory_space<vmem>>, vector<1x16xf32>,
          %swap3A_1156 = vector.shape_cast %swap3A_1155 : vector<1x16xf32> to vector<16xf32>
          %swap3A_1157 = vector.shape_cast %add3A_1151 : vector<16xf32> to vector<1x16xf32>
          tpu.vector_store %arg7[%swap3A_1153, %swap3A_1154], %swap3A_1157 {strides = array<i32>} : memref<168x256xf32, #tpu.memory_space<vmem>>, vector<1x16xf32>,
          %mul3A_1158 = arith.mulf %broadcast_in_dim3A, %get3A_54 : vector<16xf32>
          %add3A_1159 = arith.addf %mul3A_1158, %get3A_214 : vector<16xf32>
          %add3A_1160 = arith.addi %mul3A_897, %scan3A_1068 : i32
          %swap3A_1161 = arith.index_cast %add3A_1160 : i32 to index
          %swap3A_1162 = arith.constant 160 : index
          %swap3A_1163 = tpu.vector_load %arg7[%swap3A_1161, %swap3A_1162] {strides = array<i32>} : memref<168x256xf32, #tpu.memory_space<vmem>>, vector<1x16xf32>,
          %swap3A_1164 = vector.shape_cast %swap3A_1163 : vector<1x16xf32> to vector<16xf32>
          %swap3A_1165 = vector.shape_cast %add3A_1159 : vector<16xf32> to vector<1x16xf32>
          tpu.vector_store %arg7[%swap3A_1161, %swap3A_1162], %swap3A_1165 {strides = array<i32>} : memref<168x256xf32, #tpu.memory_space<vmem>>, vector<1x16xf32>,
          %mul3A_1166 = arith.mulf %broadcast_in_dim3A, %get3A_59 : vector<16xf32>
          %add3A_1167 = arith.addf %mul3A_1166, %get3A_219 : vector<16xf32>
          %add3A_1168 = arith.addi %mul3A_897, %scan3A_1068 : i32
          %swap3A_1169 = arith.index_cast %add3A_1168 : i32 to index
          %swap3A_1170 = arith.constant 176 : index
          %swap3A_1171 = tpu.vector_load %arg7[%swap3A_1169, %swap3A_1170] {strides = array<i32>} : memref<168x256xf32, #tpu.memory_space<vmem>>, vector<1x16xf32>,
          %swap3A_1172 = vector.shape_cast %swap3A_1171 : vector<1x16xf32> to vector<16xf32>
          %swap3A_1173 = vector.shape_cast %add3A_1167 : vector<16xf32> to vector<1x16xf32>
          tpu.vector_store %arg7[%swap3A_1169, %swap3A_1170], %swap3A_1173 {strides = array<i32>} : memref<168x256xf32, #tpu.memory_space<vmem>>, vector<1x16xf32>,
          %mul3A_1174 = arith.mulf %broadcast_in_dim3A, %get3A_64 : vector<16xf32>
          %add3A_1175 = arith.addf %mul3A_1174, %get3A_224 : vector<16xf32>
          %add3A_1176 = arith.addi %mul3A_897, %scan3A_1068 : i32
          %swap3A_1177 = arith.index_cast %add3A_1176 : i32 to index
          %swap3A_1178 = arith.constant 192 : index
          %swap3A_1179 = tpu.vector_load %arg7[%swap3A_1177, %swap3A_1178] {strides = array<i32>} : memref<168x256xf32, #tpu.memory_space<vmem>>, vector<1x16xf32>,
          %swap3A_1180 = vector.shape_cast %swap3A_1179 : vector<1x16xf32> to vector<16xf32>
          %swap3A_1181 = vector.shape_cast %add3A_1175 : vector<16xf32> to vector<1x16xf32>
          tpu.vector_store %arg7[%swap3A_1177, %swap3A_1178], %swap3A_1181 {strides = array<i32>} : memref<168x256xf32, #tpu.memory_space<vmem>>, vector<1x16xf32>,
          %mul3A_1182 = arith.mulf %broadcast_in_dim3A, %get3A_69 : vector<16xf32>
          %add3A_1183 = arith.addf %mul3A_1182, %get3A_229 : vector<16xf32>
          %add3A_1184 = arith.addi %mul3A_897, %scan3A_1068 : i32
          %swap3A_1185 = arith.index_cast %add3A_1184 : i32 to index
          %swap3A_1186 = arith.constant 208 : index
          %swap3A_1187 = tpu.vector_load %arg7[%swap3A_1185, %swap3A_1186] {strides = array<i32>} : memref<168x256xf32, #tpu.memory_space<vmem>>, vector<1x16xf32>,
          %swap3A_1188 = vector.shape_cast %swap3A_1187 : vector<1x16xf32> to vector<16xf32>
          %swap3A_1189 = vector.shape_cast %add3A_1183 : vector<16xf32> to vector<1x16xf32>
          tpu.vector_store %arg7[%swap3A_1185, %swap3A_1186], %swap3A_1189 {strides = array<i32>} : memref<168x256xf32, #tpu.memory_space<vmem>>, vector<1x16xf32>,
          %mul3A_1190 = arith.mulf %broadcast_in_dim3A, %get3A_74 : vector<16xf32>
          %add3A_1191 = arith.addf %mul3A_1190, %get3A_234 : vector<16xf32>
          %add3A_1192 = arith.addi %mul3A_897, %scan3A_1068 : i32
          %swap3A_1193 = arith.index_cast %add3A_1192 : i32 to index
          %swap3A_1194 = arith.constant 224 : index
          %swap3A_1195 = tpu.vector_load %arg7[%swap3A_1193, %swap3A_1194] {strides = array<i32>} : memref<168x256xf32, #tpu.memory_space<vmem>>, vector<1x16xf32>,
          %swap3A_1196 = vector.shape_cast %swap3A_1195 : vector<1x16xf32> to vector<16xf32>
          %swap3A_1197 = vector.shape_cast %add3A_1191 : vector<16xf32> to vector<1x16xf32>
          tpu.vector_store %arg7[%swap3A_1193, %swap3A_1194], %swap3A_1197 {strides = array<i32>} : memref<168x256xf32, #tpu.memory_space<vmem>>, vector<1x16xf32>,
          %mul3A_1198 = arith.mulf %broadcast_in_dim3A, %get3A_79 : vector<16xf32>
          %add3A_1199 = arith.addf %mul3A_1198, %get3A_239 : vector<16xf32>
          %add3A_1200 = arith.addi %mul3A_897, %scan3A_1068 : i32
          %swap3A_1201 = arith.index_cast %add3A_1200 : i32 to index
          %swap3A_1202 = arith.constant 240 : index
          %swap3A_1203 = tpu.vector_load %arg7[%swap3A_1201, %swap3A_1202] {strides = array<i32>} : memref<168x256xf32, #tpu.memory_space<vmem>>, vector<1x16xf32>,
          %swap3A_1204 = vector.shape_cast %swap3A_1203 : vector<1x16xf32> to vector<16xf32>
          %swap3A_1205 = vector.shape_cast %add3A_1199 : vector<16xf32> to vector<1x16xf32>
          tpu.vector_store %arg7[%swap3A_1201, %swap3A_1202], %swap3A_1205 {strides = array<i32>} : memref<168x256xf32, #tpu.memory_space<vmem>>, vector<1x16xf32>,
          %scan3A_1206 = arith.constant 0 : i32
          scf.yield %scan3A_1206 : i32
        }
        %scan3A_904 = arith.constant 20 : i32
        %add3A_905 = arith.constant 20 : i32
        %add3A_906 = arith.addi %mul3A_897, %add3A_905 : i32
        %get3A_907 = arith.constant 4 : i32
        %get3A_908 = arith.index_cast %get3A_907 : i32 to index
        %get3A_909 = arith.constant 0 : index
        %get3A_910 = tpu.vector_load %arg6[%get3A_908, %get3A_909] {strides = array<i32>} : memref<8x256xf32, #tpu.memory_space<vmem>>, vector<1x16xf32>,
        %get3A_911 = vector.shape_cast %get3A_910 : vector<1x16xf32> to vector<16xf32>
        %swap3A_912 = arith.index_cast %add3A_906 : i32 to index
        %swap3A_913 = arith.constant 0 : index
        %swap3A_914 = tpu.vector_load %arg7[%swap3A_912, %swap3A_913] {strides = array<i32>} : memref<168x256xf32, #tpu.memory_space<vmem>>, vector<1x16xf32>,
        %swap3A_915 = vector.shape_cast %swap3A_914 : vector<1x16xf32> to vector<16xf32>
        %swap3A_916 = vector.shape_cast %get3A_911 : vector<16xf32> to vector<1x16xf32>
        tpu.vector_store %arg7[%swap3A_912, %swap3A_913], %swap3A_916 {strides = array<i32>} : memref<168x256xf32, #tpu.memory_space<vmem>>, vector<1x16xf32>,
        %get3A_917 = arith.constant 4 : i32
        %get3A_918 = arith.index_cast %get3A_917 : i32 to index
        %get3A_919 = arith.constant 16 : index
        %get3A_920 = tpu.vector_load %arg6[%get3A_918, %get3A_919] {strides = array<i32>} : memref<8x256xf32, #tpu.memory_space<vmem>>, vector<1x16xf32>,
        %get3A_921 = vector.shape_cast %get3A_920 : vector<1x16xf32> to vector<16xf32>
        %swap3A_922 = arith.index_cast %add3A_906 : i32 to index
        %swap3A_923 = arith.constant 16 : index
        %swap3A_924 = tpu.vector_load %arg7[%swap3A_922, %swap3A_923] {strides = array<i32>} : memref<168x256xf32, #tpu.memory_space<vmem>>, vector<1x16xf32>,
        %swap3A_925 = vector.shape_cast %swap3A_924 : vector<1x16xf32> to vector<16xf32>
        %swap3A_926 = vector.shape_cast %get3A_921 : vector<16xf32> to vector<1x16xf32>
        tpu.vector_store %arg7[%swap3A_922, %swap3A_923], %swap3A_926 {strides = array<i32>} : memref<168x256xf32, #tpu.memory_space<vmem>>, vector<1x16xf32>,
        %get3A_927 = arith.constant 4 : i32
        %get3A_928 = arith.index_cast %get3A_927 : i32 to index
        %get3A_929 = arith.constant 32 : index
        %get3A_930 = tpu.vector_load %arg6[%get3A_928, %get3A_929] {strides = array<i32>} : memref<8x256xf32, #tpu.memory_space<vmem>>, vector<1x16xf32>,
        %get3A_931 = vector.shape_cast %get3A_930 : vector<1x16xf32> to vector<16xf32>
        %swap3A_932 = arith.index_cast %add3A_906 : i32 to index
        %swap3A_933 = arith.constant 32 : index
        %swap3A_934 = tpu.vector_load %arg7[%swap3A_932, %swap3A_933] {strides = array<i32>} : memref<168x256xf32, #tpu.memory_space<vmem>>, vector<1x16xf32>,
        %swap3A_935 = vector.shape_cast %swap3A_934 : vector<1x16xf32> to vector<16xf32>
        %swap3A_936 = vector.shape_cast %get3A_931 : vector<16xf32> to vector<1x16xf32>
        tpu.vector_store %arg7[%swap3A_932, %swap3A_933], %swap3A_936 {strides = array<i32>} : memref<168x256xf32, #tpu.memory_space<vmem>>, vector<1x16xf32>,
        %get3A_937 = arith.constant 4 : i32
        %get3A_938 = arith.index_cast %get3A_937 : i32 to index
        %get3A_939 = arith.constant 48 : index
        %get3A_940 = tpu.vector_load %arg6[%get3A_938, %get3A_939] {strides = array<i32>} : memref<8x256xf32, #tpu.memory_space<vmem>>, vector<1x16xf32>,
        %get3A_941 = vector.shape_cast %get3A_940 : vector<1x16xf32> to vector<16xf32>
        %swap3A_942 = arith.index_cast %add3A_906 : i32 to index
        %swap3A_943 = arith.constant 48 : index
        %swap3A_944 = tpu.vector_load %arg7[%swap3A_942, %swap3A_943] {strides = array<i32>} : memref<168x256xf32, #tpu.memory_space<vmem>>, vector<1x16xf32>,
        %swap3A_945 = vector.shape_cast %swap3A_944 : vector<1x16xf32> to vector<16xf32>
        %swap3A_946 = vector.shape_cast %get3A_941 : vector<16xf32> to vector<1x16xf32>
        tpu.vector_store %arg7[%swap3A_942, %swap3A_943], %swap3A_946 {strides = array<i32>} : memref<168x256xf32, #tpu.memory_space<vmem>>, vector<1x16xf32>,
        %get3A_947 = arith.constant 4 : i32
        %get3A_948 = arith.index_cast %get3A_947 : i32 to index
        %get3A_949 = arith.constant 64 : index
        %get3A_950 = tpu.vector_load %arg6[%get3A_948, %get3A_949] {strides = array<i32>} : memref<8x256xf32, #tpu.memory_space<vmem>>, vector<1x16xf32>,
        %get3A_951 = vector.shape_cast %get3A_950 : vector<1x16xf32> to vector<16xf32>
        %swap3A_952 = arith.index_cast %add3A_906 : i32 to index
        %swap3A_953 = arith.constant 64 : index
        %swap3A_954 = tpu.vector_load %arg7[%swap3A_952, %swap3A_953] {strides = array<i32>} : memref<168x256xf32, #tpu.memory_space<vmem>>, vector<1x16xf32>,
        %swap3A_955 = vector.shape_cast %swap3A_954 : vector<1x16xf32> to vector<16xf32>
        %swap3A_956 = vector.shape_cast %get3A_951 : vector<16xf32> to vector<1x16xf32>
        tpu.vector_store %arg7[%swap3A_952, %swap3A_953], %swap3A_956 {strides = array<i32>} : memref<168x256xf32, #tpu.memory_space<vmem>>, vector<1x16xf32>,
        %get3A_957 = arith.constant 4 : i32
        %get3A_958 = arith.index_cast %get3A_957 : i32 to index
        %get3A_959 = arith.constant 80 : index
        %get3A_960 = tpu.vector_load %arg6[%get3A_958, %get3A_959] {strides = array<i32>} : memref<8x256xf32, #tpu.memory_space<vmem>>, vector<1x16xf32>,
        %get3A_961 = vector.shape_cast %get3A_960 : vector<1x16xf32> to vector<16xf32>
        %swap3A_962 = arith.index_cast %add3A_906 : i32 to index
        %swap3A_963 = arith.constant 80 : index
        %swap3A_964 = tpu.vector_load %arg7[%swap3A_962, %swap3A_963] {strides = array<i32>} : memref<168x256xf32, #tpu.memory_space<vmem>>, vector<1x16xf32>,
        %swap3A_965 = vector.shape_cast %swap3A_964 : vector<1x16xf32> to vector<16xf32>
        %swap3A_966 = vector.shape_cast %get3A_961 : vector<16xf32> to vector<1x16xf32>
        tpu.vector_store %arg7[%swap3A_962, %swap3A_963], %swap3A_966 {strides = array<i32>} : memref<168x256xf32, #tpu.memory_space<vmem>>, vector<1x16xf32>,
        %get3A_967 = arith.constant 4 : i32
        %get3A_968 = arith.index_cast %get3A_967 : i32 to index
        %get3A_969 = arith.constant 96 : index
        %get3A_970 = tpu.vector_load %arg6[%get3A_968, %get3A_969] {strides = array<i32>} : memref<8x256xf32, #tpu.memory_space<vmem>>, vector<1x16xf32>,
        %get3A_971 = vector.shape_cast %get3A_970 : vector<1x16xf32> to vector<16xf32>
        %swap3A_972 = arith.index_cast %add3A_906 : i32 to index
        %swap3A_973 = arith.constant 96 : index
        %swap3A_974 = tpu.vector_load %arg7[%swap3A_972, %swap3A_973] {strides = array<i32>} : memref<168x256xf32, #tpu.memory_space<vmem>>, vector<1x16xf32>,
        %swap3A_975 = vector.shape_cast %swap3A_974 : vector<1x16xf32> to vector<16xf32>
        %swap3A_976 = vector.shape_cast %get3A_971 : vector<16xf32> to vector<1x16xf32>
        tpu.vector_store %arg7[%swap3A_972, %swap3A_973], %swap3A_976 {strides = array<i32>} : memref<168x256xf32, #tpu.memory_space<vmem>>, vector<1x16xf32>,
        %get3A_977 = arith.constant 4 : i32
        %get3A_978 = arith.index_cast %get3A_977 : i32 to index
        %get3A_979 = arith.constant 112 : index
        %get3A_980 = tpu.vector_load %arg6[%get3A_978, %get3A_979] {strides = array<i32>} : memref<8x256xf32, #tpu.memory_space<vmem>>, vector<1x16xf32>,
        %get3A_981 = vector.shape_cast %get3A_980 : vector<1x16xf32> to vector<16xf32>
        %swap3A_982 = arith.index_cast %add3A_906 : i32 to index
        %swap3A_983 = arith.constant 112 : index
        %swap3A_984 = tpu.vector_load %arg7[%swap3A_982, %swap3A_983] {strides = array<i32>} : memref<168x256xf32, #tpu.memory_space<vmem>>, vector<1x16xf32>,
        %swap3A_985 = vector.shape_cast %swap3A_984 : vector<1x16xf32> to vector<16xf32>
        %swap3A_986 = vector.shape_cast %get3A_981 : vector<16xf32> to vector<1x16xf32>
        tpu.vector_store %arg7[%swap3A_982, %swap3A_983], %swap3A_986 {strides = array<i32>} : memref<168x256xf32, #tpu.memory_space<vmem>>, vector<1x16xf32>,
        %get3A_987 = arith.constant 4 : i32
        %get3A_988 = arith.index_cast %get3A_987 : i32 to index
        %get3A_989 = arith.constant 128 : index
        %get3A_990 = tpu.vector_load %arg6[%get3A_988, %get3A_989] {strides = array<i32>} : memref<8x256xf32, #tpu.memory_space<vmem>>, vector<1x16xf32>,
        %get3A_991 = vector.shape_cast %get3A_990 : vector<1x16xf32> to vector<16xf32>
        %swap3A_992 = arith.index_cast %add3A_906 : i32 to index
        %swap3A_993 = arith.constant 128 : index
        %swap3A_994 = tpu.vector_load %arg7[%swap3A_992, %swap3A_993] {strides = array<i32>} : memref<168x256xf32, #tpu.memory_space<vmem>>, vector<1x16xf32>,
        %swap3A_995 = vector.shape_cast %swap3A_994 : vector<1x16xf32> to vector<16xf32>
        %swap3A_996 = vector.shape_cast %get3A_991 : vector<16xf32> to vector<1x16xf32>
        tpu.vector_store %arg7[%swap3A_992, %swap3A_993], %swap3A_996 {strides = array<i32>} : memref<168x256xf32, #tpu.memory_space<vmem>>, vector<1x16xf32>,
        %get3A_997 = arith.constant 4 : i32
        %get3A_998 = arith.index_cast %get3A_997 : i32 to index
        %get3A_999 = arith.constant 144 : index
        %get3A_1000 = tpu.vector_load %arg6[%get3A_998, %get3A_999] {strides = array<i32>} : memref<8x256xf32, #tpu.memory_space<vmem>>, vector<1x16xf32>,
        %get3A_1001 = vector.shape_cast %get3A_1000 : vector<1x16xf32> to vector<16xf32>
        %swap3A_1002 = arith.index_cast %add3A_906 : i32 to index
        %swap3A_1003 = arith.constant 144 : index
        %swap3A_1004 = tpu.vector_load %arg7[%swap3A_1002, %swap3A_1003] {strides = array<i32>} : memref<168x256xf32, #tpu.memory_space<vmem>>, vector<1x16xf32>,
        %swap3A_1005 = vector.shape_cast %swap3A_1004 : vector<1x16xf32> to vector<16xf32>
        %swap3A_1006 = vector.shape_cast %get3A_1001 : vector<16xf32> to vector<1x16xf32>
        tpu.vector_store %arg7[%swap3A_1002, %swap3A_1003], %swap3A_1006 {strides = array<i32>} : memref<168x256xf32, #tpu.memory_space<vmem>>, vector<1x16xf32>,
        %get3A_1007 = arith.constant 4 : i32
        %get3A_1008 = arith.index_cast %get3A_1007 : i32 to index
        %get3A_1009 = arith.constant 160 : index
        %get3A_1010 = tpu.vector_load %arg6[%get3A_1008, %get3A_1009] {strides = array<i32>} : memref<8x256xf32, #tpu.memory_space<vmem>>, vector<1x16xf32>,
        %get3A_1011 = vector.shape_cast %get3A_1010 : vector<1x16xf32> to vector<16xf32>
        %swap3A_1012 = arith.index_cast %add3A_906 : i32 to index
        %swap3A_1013 = arith.constant 160 : index
        %swap3A_1014 = tpu.vector_load %arg7[%swap3A_1012, %swap3A_1013] {strides = array<i32>} : memref<168x256xf32, #tpu.memory_space<vmem>>, vector<1x16xf32>,
        %swap3A_1015 = vector.shape_cast %swap3A_1014 : vector<1x16xf32> to vector<16xf32>
        %swap3A_1016 = vector.shape_cast %get3A_1011 : vector<16xf32> to vector<1x16xf32>
        tpu.vector_store %arg7[%swap3A_1012, %swap3A_1013], %swap3A_1016 {strides = array<i32>} : memref<168x256xf32, #tpu.memory_space<vmem>>, vector<1x16xf32>,
        %get3A_1017 = arith.constant 4 : i32
        %get3A_1018 = arith.index_cast %get3A_1017 : i32 to index
        %get3A_1019 = arith.constant 176 : index
        %get3A_1020 = tpu.vector_load %arg6[%get3A_1018, %get3A_1019] {strides = array<i32>} : memref<8x256xf32, #tpu.memory_space<vmem>>, vector<1x16xf32>,
        %get3A_1021 = vector.shape_cast %get3A_1020 : vector<1x16xf32> to vector<16xf32>
        %swap3A_1022 = arith.index_cast %add3A_906 : i32 to index
        %swap3A_1023 = arith.constant 176 : index
        %swap3A_1024 = tpu.vector_load %arg7[%swap3A_1022, %swap3A_1023] {strides = array<i32>} : memref<168x256xf32, #tpu.memory_space<vmem>>, vector<1x16xf32>,
        %swap3A_1025 = vector.shape_cast %swap3A_1024 : vector<1x16xf32> to vector<16xf32>
        %swap3A_1026 = vector.shape_cast %get3A_1021 : vector<16xf32> to vector<1x16xf32>
        tpu.vector_store %arg7[%swap3A_1022, %swap3A_1023], %swap3A_1026 {strides = array<i32>} : memref<168x256xf32, #tpu.memory_space<vmem>>, vector<1x16xf32>,
        %get3A_1027 = arith.constant 4 : i32
        %get3A_1028 = arith.index_cast %get3A_1027 : i32 to index
        %get3A_1029 = arith.constant 192 : index
        %get3A_1030 = tpu.vector_load %arg6[%get3A_1028, %get3A_1029] {strides = array<i32>} : memref<8x256xf32, #tpu.memory_space<vmem>>, vector<1x16xf32>,
        %get3A_1031 = vector.shape_cast %get3A_1030 : vector<1x16xf32> to vector<16xf32>
        %swap3A_1032 = arith.index_cast %add3A_906 : i32 to index
        %swap3A_1033 = arith.constant 192 : index
        %swap3A_1034 = tpu.vector_load %arg7[%swap3A_1032, %swap3A_1033] {strides = array<i32>} : memref<168x256xf32, #tpu.memory_space<vmem>>, vector<1x16xf32>,
        %swap3A_1035 = vector.shape_cast %swap3A_1034 : vector<1x16xf32> to vector<16xf32>
        %swap3A_1036 = vector.shape_cast %get3A_1031 : vector<16xf32> to vector<1x16xf32>
        tpu.vector_store %arg7[%swap3A_1032, %swap3A_1033], %swap3A_1036 {strides = array<i32>} : memref<168x256xf32, #tpu.memory_space<vmem>>, vector<1x16xf32>,
        %get3A_1037 = arith.constant 4 : i32
        %get3A_1038 = arith.index_cast %get3A_1037 : i32 to index
        %get3A_1039 = arith.constant 208 : index
        %get3A_1040 = tpu.vector_load %arg6[%get3A_1038, %get3A_1039] {strides = array<i32>} : memref<8x256xf32, #tpu.memory_space<vmem>>, vector<1x16xf32>,
        %get3A_1041 = vector.shape_cast %get3A_1040 : vector<1x16xf32> to vector<16xf32>
        %swap3A_1042 = arith.index_cast %add3A_906 : i32 to index
        %swap3A_1043 = arith.constant 208 : index
        %swap3A_1044 = tpu.vector_load %arg7[%swap3A_1042, %swap3A_1043] {strides = array<i32>} : memref<168x256xf32, #tpu.memory_space<vmem>>, vector<1x16xf32>,
        %swap3A_1045 = vector.shape_cast %swap3A_1044 : vector<1x16xf32> to vector<16xf32>
        %swap3A_1046 = vector.shape_cast %get3A_1041 : vector<16xf32> to vector<1x16xf32>
        tpu.vector_store %arg7[%swap3A_1042, %swap3A_1043], %swap3A_1046 {strides = array<i32>} : memref<168x256xf32, #tpu.memory_space<vmem>>, vector<1x16xf32>,
        %get3A_1047 = arith.constant 4 : i32
        %get3A_1048 = arith.index_cast %get3A_1047 : i32 to index
        %get3A_1049 = arith.constant 224 : index
        %get3A_1050 = tpu.vector_load %arg6[%get3A_1048, %get3A_1049] {strides = array<i32>} : memref<8x256xf32, #tpu.memory_space<vmem>>, vector<1x16xf32>,
        %get3A_1051 = vector.shape_cast %get3A_1050 : vector<1x16xf32> to vector<16xf32>
        %swap3A_1052 = arith.index_cast %add3A_906 : i32 to index
        %swap3A_1053 = arith.constant 224 : index
        %swap3A_1054 = tpu.vector_load %arg7[%swap3A_1052, %swap3A_1053] {strides = array<i32>} : memref<168x256xf32, #tpu.memory_space<vmem>>, vector<1x16xf32>,
        %swap3A_1055 = vector.shape_cast %swap3A_1054 : vector<1x16xf32> to vector<16xf32>
        %swap3A_1056 = vector.shape_cast %get3A_1051 : vector<16xf32> to vector<1x16xf32>
        tpu.vector_store %arg7[%swap3A_1052, %swap3A_1053], %swap3A_1056 {strides = array<i32>} : memref<168x256xf32, #tpu.memory_space<vmem>>, vector<1x16xf32>,
        %get3A_1057 = arith.constant 4 : i32
        %get3A_1058 = arith.index_cast %get3A_1057 : i32 to index
        %get3A_1059 = arith.constant 240 : index
        %get3A_1060 = tpu.vector_load %arg6[%get3A_1058, %get3A_1059] {strides = array<i32>} : memref<8x256xf32, #tpu.memory_space<vmem>>, vector<1x16xf32>,
        %get3A_1061 = vector.shape_cast %get3A_1060 : vector<1x16xf32> to vector<16xf32>
        %swap3A_1062 = arith.index_cast %add3A_906 : i32 to index
        %swap3A_1063 = arith.constant 240 : index
        %swap3A_1064 = tpu.vector_load %arg7[%swap3A_1062, %swap3A_1063] {strides = array<i32>} : memref<168x256xf32, #tpu.memory_space<vmem>>, vector<1x16xf32>,
        %swap3A_1065 = vector.shape_cast %swap3A_1064 : vector<1x16xf32> to vector<16xf32>
        %swap3A_1066 = vector.shape_cast %get3A_1061 : vector<16xf32> to vector<1x16xf32>
        tpu.vector_store %arg7[%swap3A_1062, %swap3A_1063], %swap3A_1066 {strides = array<i32>} : memref<168x256xf32, #tpu.memory_space<vmem>>, vector<1x16xf32>,
        %scan3A_1067 = arith.constant 0 : i32
        scf.yield %scan3A_1067 : i32
      }
      %scan3A_351 = arith.constant 8 : i32
      %get3A_352 = arith.constant 5 : i32
      %get3A_353 = arith.index_cast %get3A_352 : i32 to index
      %get3A_354 = arith.constant 0 : index
      %get3A_355 = tpu.vector_load %arg6[%get3A_353, %get3A_354] {strides = array<i32>} : memref<8x256xf32, #tpu.memory_space<vmem>>, vector<1x16xf32>,
      %get3A_356 = vector.shape_cast %get3A_355 : vector<1x16xf32> to vector<16xf32>
      %swap3A = arith.constant 167 : i32
      %swap3A_357 = arith.index_cast %swap3A : i32 to index
      %swap3A_358 = arith.constant 0 : index
      %swap3A_359 = tpu.vector_load %arg7[%swap3A_357, %swap3A_358] {strides = array<i32>} : memref<168x256xf32, #tpu.memory_space<vmem>>, vector<1x16xf32>,
      %swap3A_360 = vector.shape_cast %swap3A_359 : vector<1x16xf32> to vector<16xf32>
      %swap3A_361 = vector.shape_cast %get3A_356 : vector<16xf32> to vector<1x16xf32>
      tpu.vector_store %arg7[%swap3A_357, %swap3A_358], %swap3A_361 {strides = array<i32>} : memref<168x256xf32, #tpu.memory_space<vmem>>, vector<1x16xf32>,
      %get3A_362 = arith.constant 5 : i32
      %get3A_363 = arith.index_cast %get3A_362 : i32 to index
      %get3A_364 = arith.constant 16 : index
      %get3A_365 = tpu.vector_load %arg6[%get3A_363, %get3A_364] {strides = array<i32>} : memref<8x256xf32, #tpu.memory_space<vmem>>, vector<1x16xf32>,
      %get3A_366 = vector.shape_cast %get3A_365 : vector<1x16xf32> to vector<16xf32>
      %swap3A_367 = arith.constant 167 : i32
      %swap3A_368 = arith.index_cast %swap3A_367 : i32 to index
      %swap3A_369 = arith.constant 16 : index
      %swap3A_370 = tpu.vector_load %arg7[%swap3A_368, %swap3A_369] {strides = array<i32>} : memref<168x256xf32, #tpu.memory_space<vmem>>, vector<1x16xf32>,
      %swap3A_371 = vector.shape_cast %swap3A_370 : vector<1x16xf32> to vector<16xf32>
      %swap3A_372 = vector.shape_cast %get3A_366 : vector<16xf32> to vector<1x16xf32>
      tpu.vector_store %arg7[%swap3A_368, %swap3A_369], %swap3A_372 {strides = array<i32>} : memref<168x256xf32, #tpu.memory_space<vmem>>, vector<1x16xf32>,
      %get3A_373 = arith.constant 5 : i32
      %get3A_374 = arith.index_cast %get3A_373 : i32 to index
      %get3A_375 = arith.constant 32 : index
      %get3A_376 = tpu.vector_load %arg6[%get3A_374, %get3A_375] {strides = array<i32>} : memref<8x256xf32, #tpu.memory_space<vmem>>, vector<1x16xf32>,
      %get3A_377 = vector.shape_cast %get3A_376 : vector<1x16xf32> to vector<16xf32>
      %swap3A_378 = arith.constant 167 : i32
      %swap3A_379 = arith.index_cast %swap3A_378 : i32 to index
      %swap3A_380 = arith.constant 32 : index
      %swap3A_381 = tpu.vector_load %arg7[%swap3A_379, %swap3A_380] {strides = array<i32>} : memref<168x256xf32, #tpu.memory_space<vmem>>, vector<1x16xf32>,
      %swap3A_382 = vector.shape_cast %swap3A_381 : vector<1x16xf32> to vector<16xf32>
      %swap3A_383 = vector.shape_cast %get3A_377 : vector<16xf32> to vector<1x16xf32>
      tpu.vector_store %arg7[%swap3A_379, %swap3A_380], %swap3A_383 {strides = array<i32>} : memref<168x256xf32, #tpu.memory_space<vmem>>, vector<1x16xf32>,
      %get3A_384 = arith.constant 5 : i32
      %get3A_385 = arith.index_cast %get3A_384 : i32 to index
      %get3A_386 = arith.constant 48 : index
      %get3A_387 = tpu.vector_load %arg6[%get3A_385, %get3A_386] {strides = array<i32>} : memref<8x256xf32, #tpu.memory_space<vmem>>, vector<1x16xf32>,
      %get3A_388 = vector.shape_cast %get3A_387 : vector<1x16xf32> to vector<16xf32>
      %swap3A_389 = arith.constant 167 : i32
      %swap3A_390 = arith.index_cast %swap3A_389 : i32 to index
      %swap3A_391 = arith.constant 48 : index
      %swap3A_392 = tpu.vector_load %arg7[%swap3A_390, %swap3A_391] {strides = array<i32>} : memref<168x256xf32, #tpu.memory_space<vmem>>, vector<1x16xf32>,
      %swap3A_393 = vector.shape_cast %swap3A_392 : vector<1x16xf32> to vector<16xf32>
      %swap3A_394 = vector.shape_cast %get3A_388 : vector<16xf32> to vector<1x16xf32>
      tpu.vector_store %arg7[%swap3A_390, %swap3A_391], %swap3A_394 {strides = array<i32>} : memref<168x256xf32, #tpu.memory_space<vmem>>, vector<1x16xf32>,
      %get3A_395 = arith.constant 5 : i32
      %get3A_396 = arith.index_cast %get3A_395 : i32 to index
      %get3A_397 = arith.constant 64 : index
      %get3A_398 = tpu.vector_load %arg6[%get3A_396, %get3A_397] {strides = array<i32>} : memref<8x256xf32, #tpu.memory_space<vmem>>, vector<1x16xf32>,
      %get3A_399 = vector.shape_cast %get3A_398 : vector<1x16xf32> to vector<16xf32>
      %swap3A_400 = arith.constant 167 : i32
      %swap3A_401 = arith.index_cast %swap3A_400 : i32 to index
      %swap3A_402 = arith.constant 64 : index
      %swap3A_403 = tpu.vector_load %arg7[%swap3A_401, %swap3A_402] {strides = array<i32>} : memref<168x256xf32, #tpu.memory_space<vmem>>, vector<1x16xf32>,
      %swap3A_404 = vector.shape_cast %swap3A_403 : vector<1x16xf32> to vector<16xf32>
      %swap3A_405 = vector.shape_cast %get3A_399 : vector<16xf32> to vector<1x16xf32>
      tpu.vector_store %arg7[%swap3A_401, %swap3A_402], %swap3A_405 {strides = array<i32>} : memref<168x256xf32, #tpu.memory_space<vmem>>, vector<1x16xf32>,
      %get3A_406 = arith.constant 5 : i32
      %get3A_407 = arith.index_cast %get3A_406 : i32 to index
      %get3A_408 = arith.constant 80 : index
      %get3A_409 = tpu.vector_load %arg6[%get3A_407, %get3A_408] {strides = array<i32>} : memref<8x256xf32, #tpu.memory_space<vmem>>, vector<1x16xf32>,
      %get3A_410 = vector.shape_cast %get3A_409 : vector<1x16xf32> to vector<16xf32>
      %swap3A_411 = arith.constant 167 : i32
      %swap3A_412 = arith.index_cast %swap3A_411 : i32 to index
      %swap3A_413 = arith.constant 80 : index
      %swap3A_414 = tpu.vector_load %arg7[%swap3A_412, %swap3A_413] {strides = array<i32>} : memref<168x256xf32, #tpu.memory_space<vmem>>, vector<1x16xf32>,
      %swap3A_415 = vector.shape_cast %swap3A_414 : vector<1x16xf32> to vector<16xf32>
      %swap3A_416 = vector.shape_cast %get3A_410 : vector<16xf32> to vector<1x16xf32>
      tpu.vector_store %arg7[%swap3A_412, %swap3A_413], %swap3A_416 {strides = array<i32>} : memref<168x256xf32, #tpu.memory_space<vmem>>, vector<1x16xf32>,
      %get3A_417 = arith.constant 5 : i32
      %get3A_418 = arith.index_cast %get3A_417 : i32 to index
      %get3A_419 = arith.constant 96 : index
      %get3A_420 = tpu.vector_load %arg6[%get3A_418, %get3A_419] {strides = array<i32>} : memref<8x256xf32, #tpu.memory_space<vmem>>, vector<1x16xf32>,
      %get3A_421 = vector.shape_cast %get3A_420 : vector<1x16xf32> to vector<16xf32>
      %swap3A_422 = arith.constant 167 : i32
      %swap3A_423 = arith.index_cast %swap3A_422 : i32 to index
      %swap3A_424 = arith.constant 96 : index
      %swap3A_425 = tpu.vector_load %arg7[%swap3A_423, %swap3A_424] {strides = array<i32>} : memref<168x256xf32, #tpu.memory_space<vmem>>, vector<1x16xf32>,
      %swap3A_426 = vector.shape_cast %swap3A_425 : vector<1x16xf32> to vector<16xf32>
      %swap3A_427 = vector.shape_cast %get3A_421 : vector<16xf32> to vector<1x16xf32>
      tpu.vector_store %arg7[%swap3A_423, %swap3A_424], %swap3A_427 {strides = array<i32>} : memref<168x256xf32, #tpu.memory_space<vmem>>, vector<1x16xf32>,
      %get3A_428 = arith.constant 5 : i32
      %get3A_429 = arith.index_cast %get3A_428 : i32 to index
      %get3A_430 = arith.constant 112 : index
      %get3A_431 = tpu.vector_load %arg6[%get3A_429, %get3A_430] {strides = array<i32>} : memref<8x256xf32, #tpu.memory_space<vmem>>, vector<1x16xf32>,
      %get3A_432 = vector.shape_cast %get3A_431 : vector<1x16xf32> to vector<16xf32>
      %swap3A_433 = arith.constant 167 : i32
      %swap3A_434 = arith.index_cast %swap3A_433 : i32 to index
      %swap3A_435 = arith.constant 112 : index
      %swap3A_436 = tpu.vector_load %arg7[%swap3A_434, %swap3A_435] {strides = array<i32>} : memref<168x256xf32, #tpu.memory_space<vmem>>, vector<1x16xf32>,
      %swap3A_437 = vector.shape_cast %swap3A_436 : vector<1x16xf32> to vector<16xf32>
      %swap3A_438 = vector.shape_cast %get3A_432 : vector<16xf32> to vector<1x16xf32>
      tpu.vector_store %arg7[%swap3A_434, %swap3A_435], %swap3A_438 {strides = array<i32>} : memref<168x256xf32, #tpu.memory_space<vmem>>, vector<1x16xf32>,
      %get3A_439 = arith.constant 5 : i32
      %get3A_440 = arith.index_cast %get3A_439 : i32 to index
      %get3A_441 = arith.constant 128 : index
      %get3A_442 = tpu.vector_load %arg6[%get3A_440, %get3A_441] {strides = array<i32>} : memref<8x256xf32, #tpu.memory_space<vmem>>, vector<1x16xf32>,
      %get3A_443 = vector.shape_cast %get3A_442 : vector<1x16xf32> to vector<16xf32>
      %swap3A_444 = arith.constant 167 : i32
      %swap3A_445 = arith.index_cast %swap3A_444 : i32 to index
      %swap3A_446 = arith.constant 128 : index
      %swap3A_447 = tpu.vector_load %arg7[%swap3A_445, %swap3A_446] {strides = array<i32>} : memref<168x256xf32, #tpu.memory_space<vmem>>, vector<1x16xf32>,
      %swap3A_448 = vector.shape_cast %swap3A_447 : vector<1x16xf32> to vector<16xf32>
      %swap3A_449 = vector.shape_cast %get3A_443 : vector<16xf32> to vector<1x16xf32>
      tpu.vector_store %arg7[%swap3A_445, %swap3A_446], %swap3A_449 {strides = array<i32>} : memref<168x256xf32, #tpu.memory_space<vmem>>, vector<1x16xf32>,
      %get3A_450 = arith.constant 5 : i32
      %get3A_451 = arith.index_cast %get3A_450 : i32 to index
      %get3A_452 = arith.constant 144 : index
      %get3A_453 = tpu.vector_load %arg6[%get3A_451, %get3A_452] {strides = array<i32>} : memref<8x256xf32, #tpu.memory_space<vmem>>, vector<1x16xf32>,
      %get3A_454 = vector.shape_cast %get3A_453 : vector<1x16xf32> to vector<16xf32>
      %swap3A_455 = arith.constant 167 : i32
      %swap3A_456 = arith.index_cast %swap3A_455 : i32 to index
      %swap3A_457 = arith.constant 144 : index
      %swap3A_458 = tpu.vector_load %arg7[%swap3A_456, %swap3A_457] {strides = array<i32>} : memref<168x256xf32, #tpu.memory_space<vmem>>, vector<1x16xf32>,
      %swap3A_459 = vector.shape_cast %swap3A_458 : vector<1x16xf32> to vector<16xf32>
      %swap3A_460 = vector.shape_cast %get3A_454 : vector<16xf32> to vector<1x16xf32>
      tpu.vector_store %arg7[%swap3A_456, %swap3A_457], %swap3A_460 {strides = array<i32>} : memref<168x256xf32, #tpu.memory_space<vmem>>, vector<1x16xf32>,
      %get3A_461 = arith.constant 5 : i32
      %get3A_462 = arith.index_cast %get3A_461 : i32 to index
      %get3A_463 = arith.constant 160 : index
      %get3A_464 = tpu.vector_load %arg6[%get3A_462, %get3A_463] {strides = array<i32>} : memref<8x256xf32, #tpu.memory_space<vmem>>, vector<1x16xf32>,
      %get3A_465 = vector.shape_cast %get3A_464 : vector<1x16xf32> to vector<16xf32>
      %swap3A_466 = arith.constant 167 : i32
      %swap3A_467 = arith.index_cast %swap3A_466 : i32 to index
      %swap3A_468 = arith.constant 160 : index
      %swap3A_469 = tpu.vector_load %arg7[%swap3A_467, %swap3A_468] {strides = array<i32>} : memref<168x256xf32, #tpu.memory_space<vmem>>, vector<1x16xf32>,
      %swap3A_470 = vector.shape_cast %swap3A_469 : vector<1x16xf32> to vector<16xf32>
      %swap3A_471 = vector.shape_cast %get3A_465 : vector<16xf32> to vector<1x16xf32>
      tpu.vector_store %arg7[%swap3A_467, %swap3A_468], %swap3A_471 {strides = array<i32>} : memref<168x256xf32, #tpu.memory_space<vmem>>, vector<1x16xf32>,
      %get3A_472 = arith.constant 5 : i32
      %get3A_473 = arith.index_cast %get3A_472 : i32 to index
      %get3A_474 = arith.constant 176 : index
      %get3A_475 = tpu.vector_load %arg6[%get3A_473, %get3A_474] {strides = array<i32>} : memref<8x256xf32, #tpu.memory_space<vmem>>, vector<1x16xf32>,
      %get3A_476 = vector.shape_cast %get3A_475 : vector<1x16xf32> to vector<16xf32>
      %swap3A_477 = arith.constant 167 : i32
      %swap3A_478 = arith.index_cast %swap3A_477 : i32 to index
      %swap3A_479 = arith.constant 176 : index
      %swap3A_480 = tpu.vector_load %arg7[%swap3A_478, %swap3A_479] {strides = array<i32>} : memref<168x256xf32, #tpu.memory_space<vmem>>, vector<1x16xf32>,
      %swap3A_481 = vector.shape_cast %swap3A_480 : vector<1x16xf32> to vector<16xf32>
      %swap3A_482 = vector.shape_cast %get3A_476 : vector<16xf32> to vector<1x16xf32>
      tpu.vector_store %arg7[%swap3A_478, %swap3A_479], %swap3A_482 {strides = array<i32>} : memref<168x256xf32, #tpu.memory_space<vmem>>, vector<1x16xf32>,
      %get3A_483 = arith.constant 5 : i32
      %get3A_484 = arith.index_cast %get3A_483 : i32 to index
      %get3A_485 = arith.constant 192 : index
      %get3A_486 = tpu.vector_load %arg6[%get3A_484, %get3A_485] {strides = array<i32>} : memref<8x256xf32, #tpu.memory_space<vmem>>, vector<1x16xf32>,
      %get3A_487 = vector.shape_cast %get3A_486 : vector<1x16xf32> to vector<16xf32>
      %swap3A_488 = arith.constant 167 : i32
      %swap3A_489 = arith.index_cast %swap3A_488 : i32 to index
      %swap3A_490 = arith.constant 192 : index
      %swap3A_491 = tpu.vector_load %arg7[%swap3A_489, %swap3A_490] {strides = array<i32>} : memref<168x256xf32, #tpu.memory_space<vmem>>, vector<1x16xf32>,
      %swap3A_492 = vector.shape_cast %swap3A_491 : vector<1x16xf32> to vector<16xf32>
      %swap3A_493 = vector.shape_cast %get3A_487 : vector<16xf32> to vector<1x16xf32>
      tpu.vector_store %arg7[%swap3A_489, %swap3A_490], %swap3A_493 {strides = array<i32>} : memref<168x256xf32, #tpu.memory_space<vmem>>, vector<1x16xf32>,
      %get3A_494 = arith.constant 5 : i32
      %get3A_495 = arith.index_cast %get3A_494 : i32 to index
      %get3A_496 = arith.constant 208 : index
      %get3A_497 = tpu.vector_load %arg6[%get3A_495, %get3A_496] {strides = array<i32>} : memref<8x256xf32, #tpu.memory_space<vmem>>, vector<1x16xf32>,
      %get3A_498 = vector.shape_cast %get3A_497 : vector<1x16xf32> to vector<16xf32>
      %swap3A_499 = arith.constant 167 : i32
      %swap3A_500 = arith.index_cast %swap3A_499 : i32 to index
      %swap3A_501 = arith.constant 208 : index
      %swap3A_502 = tpu.vector_load %arg7[%swap3A_500, %swap3A_501] {strides = array<i32>} : memref<168x256xf32, #tpu.memory_space<vmem>>, vector<1x16xf32>,
      %swap3A_503 = vector.shape_cast %swap3A_502 : vector<1x16xf32> to vector<16xf32>
      %swap3A_504 = vector.shape_cast %get3A_498 : vector<16xf32> to vector<1x16xf32>
      tpu.vector_store %arg7[%swap3A_500, %swap3A_501], %swap3A_504 {strides = array<i32>} : memref<168x256xf32, #tpu.memory_space<vmem>>, vector<1x16xf32>,
      %get3A_505 = arith.constant 5 : i32
      %get3A_506 = arith.index_cast %get3A_505 : i32 to index
      %get3A_507 = arith.constant 224 : index
      %get3A_508 = tpu.vector_load %arg6[%get3A_506, %get3A_507] {strides = array<i32>} : memref<8x256xf32, #tpu.memory_space<vmem>>, vector<1x16xf32>,
      %get3A_509 = vector.shape_cast %get3A_508 : vector<1x16xf32> to vector<16xf32>
      %swap3A_510 = arith.constant 167 : i32
      %swap3A_511 = arith.index_cast %swap3A_510 : i32 to index
      %swap3A_512 = arith.constant 224 : index
      %swap3A_513 = tpu.vector_load %arg7[%swap3A_511, %swap3A_512] {strides = array<i32>} : memref<168x256xf32, #tpu.memory_space<vmem>>, vector<1x16xf32>,
      %swap3A_514 = vector.shape_cast %swap3A_513 : vector<1x16xf32> to vector<16xf32>
      %swap3A_515 = vector.shape_cast %get3A_509 : vector<16xf32> to vector<1x16xf32>
      tpu.vector_store %arg7[%swap3A_511, %swap3A_512], %swap3A_515 {strides = array<i32>} : memref<168x256xf32, #tpu.memory_space<vmem>>, vector<1x16xf32>,
      %get3A_516 = arith.constant 5 : i32
      %get3A_517 = arith.index_cast %get3A_516 : i32 to index
      %get3A_518 = arith.constant 240 : index
      %get3A_519 = tpu.vector_load %arg6[%get3A_517, %get3A_518] {strides = array<i32>} : memref<8x256xf32, #tpu.memory_space<vmem>>, vector<1x16xf32>,
      %get3A_520 = vector.shape_cast %get3A_519 : vector<1x16xf32> to vector<16xf32>
      %swap3A_521 = arith.constant 167 : i32
      %swap3A_522 = arith.index_cast %swap3A_521 : i32 to index
      %swap3A_523 = arith.constant 240 : index
      %swap3A_524 = tpu.vector_load %arg7[%swap3A_522, %swap3A_523] {strides = array<i32>} : memref<168x256xf32, #tpu.memory_space<vmem>>, vector<1x16xf32>,
      %swap3A_525 = vector.shape_cast %swap3A_524 : vector<1x16xf32> to vector<16xf32>
      %swap3A_526 = vector.shape_cast %get3A_520 : vector<16xf32> to vector<1x16xf32>
      tpu.vector_store %arg7[%swap3A_522, %swap3A_523], %swap3A_526 {strides = array<i32>} : memref<168x256xf32, #tpu.memory_space<vmem>>, vector<1x16xf32>,
      "tpu.region"() ({
        %run_scoped3A = tpu.sem_alloc : memref<!tpu.dma_semaphore, #tpu.memory_space<semaphore_mem>>
        %dma_start3A = arith.constant 336 : i32
        %dma_start3A_894 = arith.constant 0 : i32
        %dma_start3A_895 = tpu.memref_slice %arg4[%add3A_330, %dma_start3A, %dma_start3A_894] : memref<128x640x256xf32, #tpu.memory_space<hbm>> -> memref<1x168x256xf32, #tpu.memory_space<hbm>>
        %dma_start3A_896 = tpu.memref_squeeze %dma_start3A_895 : memref<1x168x256xf32, #tpu.memory_space<hbm>> -> memref<168x256xf32, #tpu.memory_space<hbm>>
        %dma_start3A_897 = arith.constant 336 : i32
        %dma_start3A_898 = arith.constant 0 : i32
        %dma_start3A_899 = tpu.memref_slice %arg4[%add3A_330, %dma_start3A_897, %dma_start3A_898] : memref<128x640x256xf32, #tpu.memory_space<hbm>> -> memref<1x168x256xf32, #tpu.memory_space<hbm>>
        %dma_start3A_900 = tpu.memref_squeeze %dma_start3A_899 : memref<1x168x256xf32, #tpu.memory_space<hbm>> -> memref<168x256xf32, #tpu.memory_space<hbm>>
        tpu.enqueue_dma source(%arg7 : memref<168x256xf32, #tpu.memory_space<vmem>>) target(%dma_start3A_900 : memref<168x256xf32, #tpu.memory_space<hbm>>) target_semaphore(%run_scoped3A : memref<!tpu.dma_semaphore, #tpu.memory_space<semaphore_mem>>)
        %dma_wait3A = arith.constant 336 : i32
        %dma_wait3A_901 = arith.constant 0 : i32
        %dma_wait3A_902 = tpu.memref_slice %arg4[%add3A_330, %dma_wait3A, %dma_wait3A_901] : memref<128x640x256xf32, #tpu.memory_space<hbm>> -> memref<1x168x256xf32, #tpu.memory_space<hbm>>
        %dma_wait3A_903 = tpu.memref_squeeze %dma_wait3A_902 : memref<1x168x256xf32, #tpu.memory_space<hbm>> -> memref<168x256xf32, #tpu.memory_space<hbm>>
        %dma_wait3A_904 = arith.constant 336 : i32
        %dma_wait3A_905 = arith.constant 0 : i32
        %dma_wait3A_906 = tpu.memref_slice %arg4[%add3A_330, %dma_wait3A_904, %dma_wait3A_905] : memref<128x640x256xf32, #tpu.memory_space<hbm>> -> memref<1x168x256xf32, #tpu.memory_space<hbm>>
        %dma_wait3A_907 = tpu.memref_squeeze %dma_wait3A_906 : memref<1x168x256xf32, #tpu.memory_space<hbm>> -> memref<168x256xf32, #tpu.memory_space<hbm>>
        tpu.wait_dma2 semaphore(%run_scoped3A : memref<!tpu.dma_semaphore, #tpu.memory_space<semaphore_mem>>) src(%arg7 : memref<168x256xf32, #tpu.memory_space<vmem>>) dst(%dma_wait3A_907 : memref<168x256xf32, #tpu.memory_space<hbm>>)
        tpu.yield
      }) : () -> ()
      %scan3A_527 = arith.constant 0 : i32
      %scan3A_528 = arith.constant 0 : i32
      %scan3A_529 = arith.constant 15 : i32
      %scan3A_530 = arith.addi %scan3A_528, %scan3A_529 : i32
      %scan3A_531 = arith.constant 1 : i32
      %scan3A_532 = scf.for %scan3A_894 = %scan3A_528 to %scan3A_530 step %scan3A_531 iter_args(%scan3A_895 = %scan3A_527) -> (i32)  : i32 {
        %mul3A_896 = arith.constant 16 : i32
        %mul3A_897 = arith.muli %mul3A_896, %scan3A_894 : i32
        %sub3A = arith.constant 1 : i32
        %sub3A_898 = arith.subi %scan3A_894, %sub3A : i32
        %mul3A_899 = arith.muli %scan3A_894, %sub3A_898 : i32
        %jit3A = arith.constant 2 : i32
        %div3A = arith.divsi %mul3A_899, %jit3A : i32
        %sign3A = arith.constant 0 : i32
        %sign3A_900 = arith.cmpi sgt, %mul3A_899, %sign3A : i32
        %sign3A_901 = arith.extui %sign3A_900 : i1 to i32
        %sign3A_902 = arith.constant 0 : i32
        %sign3A_903 = arith.cmpi slt, %mul3A_899, %sign3A_902 : i32
        %sign3A_904 = arith.extui %sign3A_903 : i1 to i32
        %sign3A_905 = arith.subi %sign3A_901, %sign3A_904 : i32
        %sign3A_906 = arith.constant 0 : i32
        %sign3A_907 = arith.cmpi sgt, %jit3A, %sign3A_906 : i32
        %sign3A_908 = arith.extui %sign3A_907 : i1 to i32
        %sign3A_909 = arith.constant 0 : i32
        %sign3A_910 = arith.cmpi slt, %jit3A, %sign3A_909 : i32
        %sign3A_911 = arith.extui %sign3A_910 : i1 to i32
        %sign3A_912 = arith.subi %sign3A_908, %sign3A_911 : i32
        %ne3A = arith.cmpi ne, %sign3A_905, %sign3A_912 : i32
        %rem3A = arith.remsi %mul3A_899, %jit3A : i32
        %ne3A_913 = arith.constant 0 : i32
        %ne3A_914 = arith.cmpi ne, %rem3A, %ne3A_913 : i32
        %and3A = arith.andi %ne3A, %ne3A_914 : i1
        %sub3A_915 = arith.constant 1 : i32
        %sub3A_916 = arith.subi %div3A, %sub3A_915 : i32
        %select_n3A = arith.select %and3A, %sub3A_916, %div3A : i32
        %sub3A_917 = arith.subi %mul3A_897, %select_n3A : i32
        %mul3A_918 = arith.constant 15 : i32
        %mul3A_919 = arith.muli %mul3A_918, %scan3A_894 : i32
        %add3A_920 = arith.constant 480 : i32
        %add3A_921 = arith.addi %add3A_920, %mul3A_919 : i32
        %sub3A_922 = arith.constant 1 : i32
        %sub3A_923 = arith.subi %scan3A_894, %sub3A_922 : i32
        %mul3A_924 = arith.muli %scan3A_894, %sub3A_923 : i32
        %jit3A_925 = arith.constant 2 : i32
        %div3A_926 = arith.divsi %mul3A_924, %jit3A_925 : i32
        %sign3A_927 = arith.constant 0 : i32
        %sign3A_928 = arith.cmpi sgt, %mul3A_924, %sign3A_927 : i32
        %sign3A_929 = arith.extui %sign3A_928 : i1 to i32
        %sign3A_930 = arith.constant 0 : i32
        %sign3A_931 = arith.cmpi slt, %mul3A_924, %sign3A_930 : i32
        %sign3A_932 = arith.extui %sign3A_931 : i1 to i32
        %sign3A_933 = arith.subi %sign3A_929, %sign3A_932 : i32
        %sign3A_934 = arith.constant 0 : i32
        %sign3A_935 = arith.cmpi sgt, %jit3A_925, %sign3A_934 : i32
        %sign3A_936 = arith.extui %sign3A_935 : i1 to i32
        %sign3A_937 = arith.constant 0 : i32
        %sign3A_938 = arith.cmpi slt, %jit3A_925, %sign3A_937 : i32
        %sign3A_939 = arith.extui %sign3A_938 : i1 to i32
        %sign3A_940 = arith.subi %sign3A_936, %sign3A_939 : i32
        %ne3A_941 = arith.cmpi ne, %sign3A_933, %sign3A_940 : i32
        %rem3A_942 = arith.remsi %mul3A_924, %jit3A_925 : i32
        %ne3A_943 = arith.constant 0 : i32
        %ne3A_944 = arith.cmpi ne, %rem3A_942, %ne3A_943 : i32
        %and3A_945 = arith.andi %ne3A_941, %ne3A_944 : i1
        %sub3A_946 = arith.constant 1 : i32
        %sub3A_947 = arith.subi %div3A_926, %sub3A_946 : i32
        %select_n3A_948 = arith.select %and3A_945, %sub3A_947, %div3A_926 : i32
        %sub3A_949 = arith.subi %add3A_921, %select_n3A_948 : i32
        %sub3A_950 = arith.constant 15 : i32
        %sub3A_951 = arith.subi %sub3A_950, %scan3A_894 : i32
        %while3A = arith.constant 0 : i32
        %while3A_952 = arith.constant 0 : i32
        %while3A_953 = arith.subi %sub3A_951, %while3A : i32
        %while3A_954 = arith.addi %while3A, %while3A_953 : i32
        %while3A_955 = arith.constant 1 : i32
        %while3A_956 = arith.divsi %while3A_953, %while3A_955 : i32
        %while3A_957 = arith.muli %while3A_956, %while3A_955 : i32
        %while3A_958 = arith.addi %while3A, %while3A_957 : i32
        %while3A_959 = arith.constant 1 : i32
        %while3A_960 = scf.for %while3A_964 = %while3A to %while3A_958 step %while3A_959 iter_args(%while3A_965 = %while3A_952) -> (i32)  : i32 {
          %add3A_966 = arith.addi %sub3A_949, %while3A_964 : i32
          %get3A_967 = arith.index_cast %add3A_966 : i32 to index
          %get3A_968 = tpu.vector_load %arg5[%get3A_967] {strides = array<i32>} : memref<616xf32, #tpu.memory_space<vmem>>, vector<16xf32>,
          %get3A_969 = vector.shape_cast %get3A_968 : vector<16xf32> to vector<16xf32>
          %slice3A = vector.extract_strided_slice %get3A_969 {offsets = [0], sizes = [1], strides = [1]} : vector<16xf32> to vector<1xf32>
          %squeeze3A = vector.extract %slice3A[0] : f32 from vector<1xf32>
          %broadcast_in_dim3A = vector.broadcast %squeeze3A : f32 to vector<16xf32>
          %mul3A_970 = arith.mulf %broadcast_in_dim3A, %get3A_84 : vector<16xf32>
          %add3A_971 = arith.addf %mul3A_970, %get3A_244 : vector<16xf32>
          %add3A_972 = arith.addi %sub3A_917, %while3A_964 : i32
          %swap3A_973 = arith.index_cast %add3A_972 : i32 to index
          %swap3A_974 = arith.constant 0 : index
          %swap3A_975 = tpu.vector_load %arg7[%swap3A_973, %swap3A_974] {strides = array<i32>} : memref<168x256xf32, #tpu.memory_space<vmem>>, vector<1x16xf32>,
          %swap3A_976 = vector.shape_cast %swap3A_975 : vector<1x16xf32> to vector<16xf32>
          %swap3A_977 = vector.shape_cast %add3A_971 : vector<16xf32> to vector<1x16xf32>
          tpu.vector_store %arg7[%swap3A_973, %swap3A_974], %swap3A_977 {strides = array<i32>} : memref<168x256xf32, #tpu.memory_space<vmem>>, vector<1x16xf32>,
          %mul3A_978 = arith.mulf %broadcast_in_dim3A, %get3A_89 : vector<16xf32>
          %add3A_979 = arith.addf %mul3A_978, %get3A_249 : vector<16xf32>
          %add3A_980 = arith.addi %sub3A_917, %while3A_964 : i32
          %swap3A_981 = arith.index_cast %add3A_980 : i32 to index
          %swap3A_982 = arith.constant 16 : index
          %swap3A_983 = tpu.vector_load %arg7[%swap3A_981, %swap3A_982] {strides = array<i32>} : memref<168x256xf32, #tpu.memory_space<vmem>>, vector<1x16xf32>,
          %swap3A_984 = vector.shape_cast %swap3A_983 : vector<1x16xf32> to vector<16xf32>
          %swap3A_985 = vector.shape_cast %add3A_979 : vector<16xf32> to vector<1x16xf32>
          tpu.vector_store %arg7[%swap3A_981, %swap3A_982], %swap3A_985 {strides = array<i32>} : memref<168x256xf32, #tpu.memory_space<vmem>>, vector<1x16xf32>,
          %mul3A_986 = arith.mulf %broadcast_in_dim3A, %get3A_94 : vector<16xf32>
          %add3A_987 = arith.addf %mul3A_986, %get3A_254 : vector<16xf32>
          %add3A_988 = arith.addi %sub3A_917, %while3A_964 : i32
          %swap3A_989 = arith.index_cast %add3A_988 : i32 to index
          %swap3A_990 = arith.constant 32 : index
          %swap3A_991 = tpu.vector_load %arg7[%swap3A_989, %swap3A_990] {strides = array<i32>} : memref<168x256xf32, #tpu.memory_space<vmem>>, vector<1x16xf32>,
          %swap3A_992 = vector.shape_cast %swap3A_991 : vector<1x16xf32> to vector<16xf32>
          %swap3A_993 = vector.shape_cast %add3A_987 : vector<16xf32> to vector<1x16xf32>
          tpu.vector_store %arg7[%swap3A_989, %swap3A_990], %swap3A_993 {strides = array<i32>} : memref<168x256xf32, #tpu.memory_space<vmem>>, vector<1x16xf32>,
          %mul3A_994 = arith.mulf %broadcast_in_dim3A, %get3A_99 : vector<16xf32>
          %add3A_995 = arith.addf %mul3A_994, %get3A_259 : vector<16xf32>
          %add3A_996 = arith.addi %sub3A_917, %while3A_964 : i32
          %swap3A_997 = arith.index_cast %add3A_996 : i32 to index
          %swap3A_998 = arith.constant 48 : index
          %swap3A_999 = tpu.vector_load %arg7[%swap3A_997, %swap3A_998] {strides = array<i32>} : memref<168x256xf32, #tpu.memory_space<vmem>>, vector<1x16xf32>,
          %swap3A_1000 = vector.shape_cast %swap3A_999 : vector<1x16xf32> to vector<16xf32>
          %swap3A_1001 = vector.shape_cast %add3A_995 : vector<16xf32> to vector<1x16xf32>
          tpu.vector_store %arg7[%swap3A_997, %swap3A_998], %swap3A_1001 {strides = array<i32>} : memref<168x256xf32, #tpu.memory_space<vmem>>, vector<1x16xf32>,
          %mul3A_1002 = arith.mulf %broadcast_in_dim3A, %get3A_104 : vector<16xf32>
          %add3A_1003 = arith.addf %mul3A_1002, %get3A_264 : vector<16xf32>
          %add3A_1004 = arith.addi %sub3A_917, %while3A_964 : i32
          %swap3A_1005 = arith.index_cast %add3A_1004 : i32 to index
          %swap3A_1006 = arith.constant 64 : index
          %swap3A_1007 = tpu.vector_load %arg7[%swap3A_1005, %swap3A_1006] {strides = array<i32>} : memref<168x256xf32, #tpu.memory_space<vmem>>, vector<1x16xf32>,
          %swap3A_1008 = vector.shape_cast %swap3A_1007 : vector<1x16xf32> to vector<16xf32>
          %swap3A_1009 = vector.shape_cast %add3A_1003 : vector<16xf32> to vector<1x16xf32>
          tpu.vector_store %arg7[%swap3A_1005, %swap3A_1006], %swap3A_1009 {strides = array<i32>} : memref<168x256xf32, #tpu.memory_space<vmem>>, vector<1x16xf32>,
          %mul3A_1010 = arith.mulf %broadcast_in_dim3A, %get3A_109 : vector<16xf32>
          %add3A_1011 = arith.addf %mul3A_1010, %get3A_269 : vector<16xf32>
          %add3A_1012 = arith.addi %sub3A_917, %while3A_964 : i32
          %swap3A_1013 = arith.index_cast %add3A_1012 : i32 to index
          %swap3A_1014 = arith.constant 80 : index
          %swap3A_1015 = tpu.vector_load %arg7[%swap3A_1013, %swap3A_1014] {strides = array<i32>} : memref<168x256xf32, #tpu.memory_space<vmem>>, vector<1x16xf32>,
          %swap3A_1016 = vector.shape_cast %swap3A_1015 : vector<1x16xf32> to vector<16xf32>
          %swap3A_1017 = vector.shape_cast %add3A_1011 : vector<16xf32> to vector<1x16xf32>
          tpu.vector_store %arg7[%swap3A_1013, %swap3A_1014], %swap3A_1017 {strides = array<i32>} : memref<168x256xf32, #tpu.memory_space<vmem>>, vector<1x16xf32>,
          %mul3A_1018 = arith.mulf %broadcast_in_dim3A, %get3A_114 : vector<16xf32>
          %add3A_1019 = arith.addf %mul3A_1018, %get3A_274 : vector<16xf32>
          %add3A_1020 = arith.addi %sub3A_917, %while3A_964 : i32
          %swap3A_1021 = arith.index_cast %add3A_1020 : i32 to index
          %swap3A_1022 = arith.constant 96 : index
          %swap3A_1023 = tpu.vector_load %arg7[%swap3A_1021, %swap3A_1022] {strides = array<i32>} : memref<168x256xf32, #tpu.memory_space<vmem>>, vector<1x16xf32>,
          %swap3A_1024 = vector.shape_cast %swap3A_1023 : vector<1x16xf32> to vector<16xf32>
          %swap3A_1025 = vector.shape_cast %add3A_1019 : vector<16xf32> to vector<1x16xf32>
          tpu.vector_store %arg7[%swap3A_1021, %swap3A_1022], %swap3A_1025 {strides = array<i32>} : memref<168x256xf32, #tpu.memory_space<vmem>>, vector<1x16xf32>,
          %mul3A_1026 = arith.mulf %broadcast_in_dim3A, %get3A_119 : vector<16xf32>
          %add3A_1027 = arith.addf %mul3A_1026, %get3A_279 : vector<16xf32>
          %add3A_1028 = arith.addi %sub3A_917, %while3A_964 : i32
          %swap3A_1029 = arith.index_cast %add3A_1028 : i32 to index
          %swap3A_1030 = arith.constant 112 : index
          %swap3A_1031 = tpu.vector_load %arg7[%swap3A_1029, %swap3A_1030] {strides = array<i32>} : memref<168x256xf32, #tpu.memory_space<vmem>>, vector<1x16xf32>,
          %swap3A_1032 = vector.shape_cast %swap3A_1031 : vector<1x16xf32> to vector<16xf32>
          %swap3A_1033 = vector.shape_cast %add3A_1027 : vector<16xf32> to vector<1x16xf32>
          tpu.vector_store %arg7[%swap3A_1029, %swap3A_1030], %swap3A_1033 {strides = array<i32>} : memref<168x256xf32, #tpu.memory_space<vmem>>, vector<1x16xf32>,
          %mul3A_1034 = arith.mulf %broadcast_in_dim3A, %get3A_124 : vector<16xf32>
          %add3A_1035 = arith.addf %mul3A_1034, %get3A_284 : vector<16xf32>
          %add3A_1036 = arith.addi %sub3A_917, %while3A_964 : i32
          %swap3A_1037 = arith.index_cast %add3A_1036 : i32 to index
          %swap3A_1038 = arith.constant 128 : index
          %swap3A_1039 = tpu.vector_load %arg7[%swap3A_1037, %swap3A_1038] {strides = array<i32>} : memref<168x256xf32, #tpu.memory_space<vmem>>, vector<1x16xf32>,
          %swap3A_1040 = vector.shape_cast %swap3A_1039 : vector<1x16xf32> to vector<16xf32>
          %swap3A_1041 = vector.shape_cast %add3A_1035 : vector<16xf32> to vector<1x16xf32>
          tpu.vector_store %arg7[%swap3A_1037, %swap3A_1038], %swap3A_1041 {strides = array<i32>} : memref<168x256xf32, #tpu.memory_space<vmem>>, vector<1x16xf32>,
          %mul3A_1042 = arith.mulf %broadcast_in_dim3A, %get3A_129 : vector<16xf32>
          %add3A_1043 = arith.addf %mul3A_1042, %get3A_289 : vector<16xf32>
          %add3A_1044 = arith.addi %sub3A_917, %while3A_964 : i32
          %swap3A_1045 = arith.index_cast %add3A_1044 : i32 to index
          %swap3A_1046 = arith.constant 144 : index
          %swap3A_1047 = tpu.vector_load %arg7[%swap3A_1045, %swap3A_1046] {strides = array<i32>} : memref<168x256xf32, #tpu.memory_space<vmem>>, vector<1x16xf32>,
          %swap3A_1048 = vector.shape_cast %swap3A_1047 : vector<1x16xf32> to vector<16xf32>
          %swap3A_1049 = vector.shape_cast %add3A_1043 : vector<16xf32> to vector<1x16xf32>
          tpu.vector_store %arg7[%swap3A_1045, %swap3A_1046], %swap3A_1049 {strides = array<i32>} : memref<168x256xf32, #tpu.memory_space<vmem>>, vector<1x16xf32>,
          %mul3A_1050 = arith.mulf %broadcast_in_dim3A, %get3A_134 : vector<16xf32>
          %add3A_1051 = arith.addf %mul3A_1050, %get3A_294 : vector<16xf32>
          %add3A_1052 = arith.addi %sub3A_917, %while3A_964 : i32
          %swap3A_1053 = arith.index_cast %add3A_1052 : i32 to index
          %swap3A_1054 = arith.constant 160 : index
          %swap3A_1055 = tpu.vector_load %arg7[%swap3A_1053, %swap3A_1054] {strides = array<i32>} : memref<168x256xf32, #tpu.memory_space<vmem>>, vector<1x16xf32>,
          %swap3A_1056 = vector.shape_cast %swap3A_1055 : vector<1x16xf32> to vector<16xf32>
          %swap3A_1057 = vector.shape_cast %add3A_1051 : vector<16xf32> to vector<1x16xf32>
          tpu.vector_store %arg7[%swap3A_1053, %swap3A_1054], %swap3A_1057 {strides = array<i32>} : memref<168x256xf32, #tpu.memory_space<vmem>>, vector<1x16xf32>,
          %mul3A_1058 = arith.mulf %broadcast_in_dim3A, %get3A_139 : vector<16xf32>
          %add3A_1059 = arith.addf %mul3A_1058, %get3A_299 : vector<16xf32>
          %add3A_1060 = arith.addi %sub3A_917, %while3A_964 : i32
          %swap3A_1061 = arith.index_cast %add3A_1060 : i32 to index
          %swap3A_1062 = arith.constant 176 : index
          %swap3A_1063 = tpu.vector_load %arg7[%swap3A_1061, %swap3A_1062] {strides = array<i32>} : memref<168x256xf32, #tpu.memory_space<vmem>>, vector<1x16xf32>,
          %swap3A_1064 = vector.shape_cast %swap3A_1063 : vector<1x16xf32> to vector<16xf32>
          %swap3A_1065 = vector.shape_cast %add3A_1059 : vector<16xf32> to vector<1x16xf32>
          tpu.vector_store %arg7[%swap3A_1061, %swap3A_1062], %swap3A_1065 {strides = array<i32>} : memref<168x256xf32, #tpu.memory_space<vmem>>, vector<1x16xf32>,
          %mul3A_1066 = arith.mulf %broadcast_in_dim3A, %get3A_144 : vector<16xf32>
          %add3A_1067 = arith.addf %mul3A_1066, %get3A_304 : vector<16xf32>
          %add3A_1068 = arith.addi %sub3A_917, %while3A_964 : i32
          %swap3A_1069 = arith.index_cast %add3A_1068 : i32 to index
          %swap3A_1070 = arith.constant 192 : index
          %swap3A_1071 = tpu.vector_load %arg7[%swap3A_1069, %swap3A_1070] {strides = array<i32>} : memref<168x256xf32, #tpu.memory_space<vmem>>, vector<1x16xf32>,
          %swap3A_1072 = vector.shape_cast %swap3A_1071 : vector<1x16xf32> to vector<16xf32>
          %swap3A_1073 = vector.shape_cast %add3A_1067 : vector<16xf32> to vector<1x16xf32>
          tpu.vector_store %arg7[%swap3A_1069, %swap3A_1070], %swap3A_1073 {strides = array<i32>} : memref<168x256xf32, #tpu.memory_space<vmem>>, vector<1x16xf32>,
          %mul3A_1074 = arith.mulf %broadcast_in_dim3A, %get3A_149 : vector<16xf32>
          %add3A_1075 = arith.addf %mul3A_1074, %get3A_309 : vector<16xf32>
          %add3A_1076 = arith.addi %sub3A_917, %while3A_964 : i32
          %swap3A_1077 = arith.index_cast %add3A_1076 : i32 to index
          %swap3A_1078 = arith.constant 208 : index
          %swap3A_1079 = tpu.vector_load %arg7[%swap3A_1077, %swap3A_1078] {strides = array<i32>} : memref<168x256xf32, #tpu.memory_space<vmem>>, vector<1x16xf32>,
          %swap3A_1080 = vector.shape_cast %swap3A_1079 : vector<1x16xf32> to vector<16xf32>
          %swap3A_1081 = vector.shape_cast %add3A_1075 : vector<16xf32> to vector<1x16xf32>
          tpu.vector_store %arg7[%swap3A_1077, %swap3A_1078], %swap3A_1081 {strides = array<i32>} : memref<168x256xf32, #tpu.memory_space<vmem>>, vector<1x16xf32>,
          %mul3A_1082 = arith.mulf %broadcast_in_dim3A, %get3A_154 : vector<16xf32>
          %add3A_1083 = arith.addf %mul3A_1082, %get3A_314 : vector<16xf32>
          %add3A_1084 = arith.addi %sub3A_917, %while3A_964 : i32
          %swap3A_1085 = arith.index_cast %add3A_1084 : i32 to index
          %swap3A_1086 = arith.constant 224 : index
          %swap3A_1087 = tpu.vector_load %arg7[%swap3A_1085, %swap3A_1086] {strides = array<i32>} : memref<168x256xf32, #tpu.memory_space<vmem>>, vector<1x16xf32>,
          %swap3A_1088 = vector.shape_cast %swap3A_1087 : vector<1x16xf32> to vector<16xf32>
          %swap3A_1089 = vector.shape_cast %add3A_1083 : vector<16xf32> to vector<1x16xf32>
          tpu.vector_store %arg7[%swap3A_1085, %swap3A_1086], %swap3A_1089 {strides = array<i32>} : memref<168x256xf32, #tpu.memory_space<vmem>>, vector<1x16xf32>,
          %mul3A_1090 = arith.mulf %broadcast_in_dim3A, %get3A_159 : vector<16xf32>
          %add3A_1091 = arith.addf %mul3A_1090, %get3A_319 : vector<16xf32>
          %add3A_1092 = arith.addi %sub3A_917, %while3A_964 : i32
          %swap3A_1093 = arith.index_cast %add3A_1092 : i32 to index
          %swap3A_1094 = arith.constant 240 : index
          %swap3A_1095 = tpu.vector_load %arg7[%swap3A_1093, %swap3A_1094] {strides = array<i32>} : memref<168x256xf32, #tpu.memory_space<vmem>>, vector<1x16xf32>,
          %swap3A_1096 = vector.shape_cast %swap3A_1095 : vector<1x16xf32> to vector<16xf32>
          %swap3A_1097 = vector.shape_cast %add3A_1091 : vector<16xf32> to vector<1x16xf32>
          tpu.vector_store %arg7[%swap3A_1093, %swap3A_1094], %swap3A_1097 {strides = array<i32>} : memref<168x256xf32, #tpu.memory_space<vmem>>, vector<1x16xf32>,
          %while3A_1098 = arith.constant 0 : i32
          scf.yield %while3A_1098 : i32
        }
        %while3A_961 = arith.constant 1 : i32
        %while3A_962 = scf.for %while3A_964 = %while3A_958 to %while3A_954 step %while3A_961 iter_args(%while3A_965 = %while3A_960) -> (i32)  : i32 {
          %add3A_966 = arith.addi %sub3A_949, %while3A_964 : i32
          %get3A_967 = arith.index_cast %add3A_966 : i32 to index
          %get3A_968 = tpu.vector_load %arg5[%get3A_967] {strides = array<i32>} : memref<616xf32, #tpu.memory_space<vmem>>, vector<16xf32>,
          %get3A_969 = vector.shape_cast %get3A_968 : vector<16xf32> to vector<16xf32>
          %slice3A = vector.extract_strided_slice %get3A_969 {offsets = [0], sizes = [1], strides = [1]} : vector<16xf32> to vector<1xf32>
          %squeeze3A = vector.extract %slice3A[0] : f32 from vector<1xf32>
          %broadcast_in_dim3A = vector.broadcast %squeeze3A : f32 to vector<16xf32>
          %mul3A_970 = arith.mulf %broadcast_in_dim3A, %get3A_84 : vector<16xf32>
          %add3A_971 = arith.addf %mul3A_970, %get3A_244 : vector<16xf32>
          %add3A_972 = arith.addi %sub3A_917, %while3A_964 : i32
          %swap3A_973 = arith.index_cast %add3A_972 : i32 to index
          %swap3A_974 = arith.constant 0 : index
          %swap3A_975 = tpu.vector_load %arg7[%swap3A_973, %swap3A_974] {strides = array<i32>} : memref<168x256xf32, #tpu.memory_space<vmem>>, vector<1x16xf32>,
          %swap3A_976 = vector.shape_cast %swap3A_975 : vector<1x16xf32> to vector<16xf32>
          %swap3A_977 = vector.shape_cast %add3A_971 : vector<16xf32> to vector<1x16xf32>
          tpu.vector_store %arg7[%swap3A_973, %swap3A_974], %swap3A_977 {strides = array<i32>} : memref<168x256xf32, #tpu.memory_space<vmem>>, vector<1x16xf32>,
          %mul3A_978 = arith.mulf %broadcast_in_dim3A, %get3A_89 : vector<16xf32>
          %add3A_979 = arith.addf %mul3A_978, %get3A_249 : vector<16xf32>
          %add3A_980 = arith.addi %sub3A_917, %while3A_964 : i32
          %swap3A_981 = arith.index_cast %add3A_980 : i32 to index
          %swap3A_982 = arith.constant 16 : index
          %swap3A_983 = tpu.vector_load %arg7[%swap3A_981, %swap3A_982] {strides = array<i32>} : memref<168x256xf32, #tpu.memory_space<vmem>>, vector<1x16xf32>,
          %swap3A_984 = vector.shape_cast %swap3A_983 : vector<1x16xf32> to vector<16xf32>
          %swap3A_985 = vector.shape_cast %add3A_979 : vector<16xf32> to vector<1x16xf32>
          tpu.vector_store %arg7[%swap3A_981, %swap3A_982], %swap3A_985 {strides = array<i32>} : memref<168x256xf32, #tpu.memory_space<vmem>>, vector<1x16xf32>,
          %mul3A_986 = arith.mulf %broadcast_in_dim3A, %get3A_94 : vector<16xf32>
          %add3A_987 = arith.addf %mul3A_986, %get3A_254 : vector<16xf32>
          %add3A_988 = arith.addi %sub3A_917, %while3A_964 : i32
          %swap3A_989 = arith.index_cast %add3A_988 : i32 to index
          %swap3A_990 = arith.constant 32 : index
          %swap3A_991 = tpu.vector_load %arg7[%swap3A_989, %swap3A_990] {strides = array<i32>} : memref<168x256xf32, #tpu.memory_space<vmem>>, vector<1x16xf32>,
          %swap3A_992 = vector.shape_cast %swap3A_991 : vector<1x16xf32> to vector<16xf32>
          %swap3A_993 = vector.shape_cast %add3A_987 : vector<16xf32> to vector<1x16xf32>
          tpu.vector_store %arg7[%swap3A_989, %swap3A_990], %swap3A_993 {strides = array<i32>} : memref<168x256xf32, #tpu.memory_space<vmem>>, vector<1x16xf32>,
          %mul3A_994 = arith.mulf %broadcast_in_dim3A, %get3A_99 : vector<16xf32>
          %add3A_995 = arith.addf %mul3A_994, %get3A_259 : vector<16xf32>
          %add3A_996 = arith.addi %sub3A_917, %while3A_964 : i32
          %swap3A_997 = arith.index_cast %add3A_996 : i32 to index
          %swap3A_998 = arith.constant 48 : index
          %swap3A_999 = tpu.vector_load %arg7[%swap3A_997, %swap3A_998] {strides = array<i32>} : memref<168x256xf32, #tpu.memory_space<vmem>>, vector<1x16xf32>,
          %swap3A_1000 = vector.shape_cast %swap3A_999 : vector<1x16xf32> to vector<16xf32>
          %swap3A_1001 = vector.shape_cast %add3A_995 : vector<16xf32> to vector<1x16xf32>
          tpu.vector_store %arg7[%swap3A_997, %swap3A_998], %swap3A_1001 {strides = array<i32>} : memref<168x256xf32, #tpu.memory_space<vmem>>, vector<1x16xf32>,
          %mul3A_1002 = arith.mulf %broadcast_in_dim3A, %get3A_104 : vector<16xf32>
          %add3A_1003 = arith.addf %mul3A_1002, %get3A_264 : vector<16xf32>
          %add3A_1004 = arith.addi %sub3A_917, %while3A_964 : i32
          %swap3A_1005 = arith.index_cast %add3A_1004 : i32 to index
          %swap3A_1006 = arith.constant 64 : index
          %swap3A_1007 = tpu.vector_load %arg7[%swap3A_1005, %swap3A_1006] {strides = array<i32>} : memref<168x256xf32, #tpu.memory_space<vmem>>, vector<1x16xf32>,
          %swap3A_1008 = vector.shape_cast %swap3A_1007 : vector<1x16xf32> to vector<16xf32>
          %swap3A_1009 = vector.shape_cast %add3A_1003 : vector<16xf32> to vector<1x16xf32>
          tpu.vector_store %arg7[%swap3A_1005, %swap3A_1006], %swap3A_1009 {strides = array<i32>} : memref<168x256xf32, #tpu.memory_space<vmem>>, vector<1x16xf32>,
          %mul3A_1010 = arith.mulf %broadcast_in_dim3A, %get3A_109 : vector<16xf32>
          %add3A_1011 = arith.addf %mul3A_1010, %get3A_269 : vector<16xf32>
          %add3A_1012 = arith.addi %sub3A_917, %while3A_964 : i32
          %swap3A_1013 = arith.index_cast %add3A_1012 : i32 to index
          %swap3A_1014 = arith.constant 80 : index
          %swap3A_1015 = tpu.vector_load %arg7[%swap3A_1013, %swap3A_1014] {strides = array<i32>} : memref<168x256xf32, #tpu.memory_space<vmem>>, vector<1x16xf32>,
          %swap3A_1016 = vector.shape_cast %swap3A_1015 : vector<1x16xf32> to vector<16xf32>
          %swap3A_1017 = vector.shape_cast %add3A_1011 : vector<16xf32> to vector<1x16xf32>
          tpu.vector_store %arg7[%swap3A_1013, %swap3A_1014], %swap3A_1017 {strides = array<i32>} : memref<168x256xf32, #tpu.memory_space<vmem>>, vector<1x16xf32>,
          %mul3A_1018 = arith.mulf %broadcast_in_dim3A, %get3A_114 : vector<16xf32>
          %add3A_1019 = arith.addf %mul3A_1018, %get3A_274 : vector<16xf32>
          %add3A_1020 = arith.addi %sub3A_917, %while3A_964 : i32
          %swap3A_1021 = arith.index_cast %add3A_1020 : i32 to index
          %swap3A_1022 = arith.constant 96 : index
          %swap3A_1023 = tpu.vector_load %arg7[%swap3A_1021, %swap3A_1022] {strides = array<i32>} : memref<168x256xf32, #tpu.memory_space<vmem>>, vector<1x16xf32>,
          %swap3A_1024 = vector.shape_cast %swap3A_1023 : vector<1x16xf32> to vector<16xf32>
          %swap3A_1025 = vector.shape_cast %add3A_1019 : vector<16xf32> to vector<1x16xf32>
          tpu.vector_store %arg7[%swap3A_1021, %swap3A_1022], %swap3A_1025 {strides = array<i32>} : memref<168x256xf32, #tpu.memory_space<vmem>>, vector<1x16xf32>,
          %mul3A_1026 = arith.mulf %broadcast_in_dim3A, %get3A_119 : vector<16xf32>
          %add3A_1027 = arith.addf %mul3A_1026, %get3A_279 : vector<16xf32>
          %add3A_1028 = arith.addi %sub3A_917, %while3A_964 : i32
          %swap3A_1029 = arith.index_cast %add3A_1028 : i32 to index
          %swap3A_1030 = arith.constant 112 : index
          %swap3A_1031 = tpu.vector_load %arg7[%swap3A_1029, %swap3A_1030] {strides = array<i32>} : memref<168x256xf32, #tpu.memory_space<vmem>>, vector<1x16xf32>,
          %swap3A_1032 = vector.shape_cast %swap3A_1031 : vector<1x16xf32> to vector<16xf32>
          %swap3A_1033 = vector.shape_cast %add3A_1027 : vector<16xf32> to vector<1x16xf32>
          tpu.vector_store %arg7[%swap3A_1029, %swap3A_1030], %swap3A_1033 {strides = array<i32>} : memref<168x256xf32, #tpu.memory_space<vmem>>, vector<1x16xf32>,
          %mul3A_1034 = arith.mulf %broadcast_in_dim3A, %get3A_124 : vector<16xf32>
          %add3A_1035 = arith.addf %mul3A_1034, %get3A_284 : vector<16xf32>
          %add3A_1036 = arith.addi %sub3A_917, %while3A_964 : i32
          %swap3A_1037 = arith.index_cast %add3A_1036 : i32 to index
          %swap3A_1038 = arith.constant 128 : index
          %swap3A_1039 = tpu.vector_load %arg7[%swap3A_1037, %swap3A_1038] {strides = array<i32>} : memref<168x256xf32, #tpu.memory_space<vmem>>, vector<1x16xf32>,
          %swap3A_1040 = vector.shape_cast %swap3A_1039 : vector<1x16xf32> to vector<16xf32>
          %swap3A_1041 = vector.shape_cast %add3A_1035 : vector<16xf32> to vector<1x16xf32>
          tpu.vector_store %arg7[%swap3A_1037, %swap3A_1038], %swap3A_1041 {strides = array<i32>} : memref<168x256xf32, #tpu.memory_space<vmem>>, vector<1x16xf32>,
          %mul3A_1042 = arith.mulf %broadcast_in_dim3A, %get3A_129 : vector<16xf32>
          %add3A_1043 = arith.addf %mul3A_1042, %get3A_289 : vector<16xf32>
          %add3A_1044 = arith.addi %sub3A_917, %while3A_964 : i32
          %swap3A_1045 = arith.index_cast %add3A_1044 : i32 to index
          %swap3A_1046 = arith.constant 144 : index
          %swap3A_1047 = tpu.vector_load %arg7[%swap3A_1045, %swap3A_1046] {strides = array<i32>} : memref<168x256xf32, #tpu.memory_space<vmem>>, vector<1x16xf32>,
          %swap3A_1048 = vector.shape_cast %swap3A_1047 : vector<1x16xf32> to vector<16xf32>
          %swap3A_1049 = vector.shape_cast %add3A_1043 : vector<16xf32> to vector<1x16xf32>
          tpu.vector_store %arg7[%swap3A_1045, %swap3A_1046], %swap3A_1049 {strides = array<i32>} : memref<168x256xf32, #tpu.memory_space<vmem>>, vector<1x16xf32>,
          %mul3A_1050 = arith.mulf %broadcast_in_dim3A, %get3A_134 : vector<16xf32>
          %add3A_1051 = arith.addf %mul3A_1050, %get3A_294 : vector<16xf32>
          %add3A_1052 = arith.addi %sub3A_917, %while3A_964 : i32
          %swap3A_1053 = arith.index_cast %add3A_1052 : i32 to index
          %swap3A_1054 = arith.constant 160 : index
          %swap3A_1055 = tpu.vector_load %arg7[%swap3A_1053, %swap3A_1054] {strides = array<i32>} : memref<168x256xf32, #tpu.memory_space<vmem>>, vector<1x16xf32>,
          %swap3A_1056 = vector.shape_cast %swap3A_1055 : vector<1x16xf32> to vector<16xf32>
          %swap3A_1057 = vector.shape_cast %add3A_1051 : vector<16xf32> to vector<1x16xf32>
          tpu.vector_store %arg7[%swap3A_1053, %swap3A_1054], %swap3A_1057 {strides = array<i32>} : memref<168x256xf32, #tpu.memory_space<vmem>>, vector<1x16xf32>,
          %mul3A_1058 = arith.mulf %broadcast_in_dim3A, %get3A_139 : vector<16xf32>
          %add3A_1059 = arith.addf %mul3A_1058, %get3A_299 : vector<16xf32>
          %add3A_1060 = arith.addi %sub3A_917, %while3A_964 : i32
          %swap3A_1061 = arith.index_cast %add3A_1060 : i32 to index
          %swap3A_1062 = arith.constant 176 : index
          %swap3A_1063 = tpu.vector_load %arg7[%swap3A_1061, %swap3A_1062] {strides = array<i32>} : memref<168x256xf32, #tpu.memory_space<vmem>>, vector<1x16xf32>,
          %swap3A_1064 = vector.shape_cast %swap3A_1063 : vector<1x16xf32> to vector<16xf32>
          %swap3A_1065 = vector.shape_cast %add3A_1059 : vector<16xf32> to vector<1x16xf32>
          tpu.vector_store %arg7[%swap3A_1061, %swap3A_1062], %swap3A_1065 {strides = array<i32>} : memref<168x256xf32, #tpu.memory_space<vmem>>, vector<1x16xf32>,
          %mul3A_1066 = arith.mulf %broadcast_in_dim3A, %get3A_144 : vector<16xf32>
          %add3A_1067 = arith.addf %mul3A_1066, %get3A_304 : vector<16xf32>
          %add3A_1068 = arith.addi %sub3A_917, %while3A_964 : i32
          %swap3A_1069 = arith.index_cast %add3A_1068 : i32 to index
          %swap3A_1070 = arith.constant 192 : index
          %swap3A_1071 = tpu.vector_load %arg7[%swap3A_1069, %swap3A_1070] {strides = array<i32>} : memref<168x256xf32, #tpu.memory_space<vmem>>, vector<1x16xf32>,
          %swap3A_1072 = vector.shape_cast %swap3A_1071 : vector<1x16xf32> to vector<16xf32>
          %swap3A_1073 = vector.shape_cast %add3A_1067 : vector<16xf32> to vector<1x16xf32>
          tpu.vector_store %arg7[%swap3A_1069, %swap3A_1070], %swap3A_1073 {strides = array<i32>} : memref<168x256xf32, #tpu.memory_space<vmem>>, vector<1x16xf32>,
          %mul3A_1074 = arith.mulf %broadcast_in_dim3A, %get3A_149 : vector<16xf32>
          %add3A_1075 = arith.addf %mul3A_1074, %get3A_309 : vector<16xf32>
          %add3A_1076 = arith.addi %sub3A_917, %while3A_964 : i32
          %swap3A_1077 = arith.index_cast %add3A_1076 : i32 to index
          %swap3A_1078 = arith.constant 208 : index
          %swap3A_1079 = tpu.vector_load %arg7[%swap3A_1077, %swap3A_1078] {strides = array<i32>} : memref<168x256xf32, #tpu.memory_space<vmem>>, vector<1x16xf32>,
          %swap3A_1080 = vector.shape_cast %swap3A_1079 : vector<1x16xf32> to vector<16xf32>
          %swap3A_1081 = vector.shape_cast %add3A_1075 : vector<16xf32> to vector<1x16xf32>
          tpu.vector_store %arg7[%swap3A_1077, %swap3A_1078], %swap3A_1081 {strides = array<i32>} : memref<168x256xf32, #tpu.memory_space<vmem>>, vector<1x16xf32>,
          %mul3A_1082 = arith.mulf %broadcast_in_dim3A, %get3A_154 : vector<16xf32>
          %add3A_1083 = arith.addf %mul3A_1082, %get3A_314 : vector<16xf32>
          %add3A_1084 = arith.addi %sub3A_917, %while3A_964 : i32
          %swap3A_1085 = arith.index_cast %add3A_1084 : i32 to index
          %swap3A_1086 = arith.constant 224 : index
          %swap3A_1087 = tpu.vector_load %arg7[%swap3A_1085, %swap3A_1086] {strides = array<i32>} : memref<168x256xf32, #tpu.memory_space<vmem>>, vector<1x16xf32>,
          %swap3A_1088 = vector.shape_cast %swap3A_1087 : vector<1x16xf32> to vector<16xf32>
          %swap3A_1089 = vector.shape_cast %add3A_1083 : vector<16xf32> to vector<1x16xf32>
          tpu.vector_store %arg7[%swap3A_1085, %swap3A_1086], %swap3A_1089 {strides = array<i32>} : memref<168x256xf32, #tpu.memory_space<vmem>>, vector<1x16xf32>,
          %mul3A_1090 = arith.mulf %broadcast_in_dim3A, %get3A_159 : vector<16xf32>
          %add3A_1091 = arith.addf %mul3A_1090, %get3A_319 : vector<16xf32>
          %add3A_1092 = arith.addi %sub3A_917, %while3A_964 : i32
          %swap3A_1093 = arith.index_cast %add3A_1092 : i32 to index
          %swap3A_1094 = arith.constant 240 : index
          %swap3A_1095 = tpu.vector_load %arg7[%swap3A_1093, %swap3A_1094] {strides = array<i32>} : memref<168x256xf32, #tpu.memory_space<vmem>>, vector<1x16xf32>,
          %swap3A_1096 = vector.shape_cast %swap3A_1095 : vector<1x16xf32> to vector<16xf32>
          %swap3A_1097 = vector.shape_cast %add3A_1091 : vector<16xf32> to vector<1x16xf32>
          tpu.vector_store %arg7[%swap3A_1093, %swap3A_1094], %swap3A_1097 {strides = array<i32>} : memref<168x256xf32, #tpu.memory_space<vmem>>, vector<1x16xf32>,
          %while3A_1098 = arith.constant 0 : i32
          scf.yield %while3A_1098 : i32
        }
        %scan3A_963 = arith.constant 0 : i32
        scf.yield %scan3A_963 : i32
      }
      %scan3A_533 = arith.constant 15 : i32
      %scan3A_534 = arith.constant 0 : i32
      %scan3A_535 = arith.constant 0 : i32
      %scan3A_536 = arith.constant 14 : i32
      %scan3A_537 = arith.addi %scan3A_535, %scan3A_536 : i32
      %scan3A_538 = arith.constant 1 : i32
      %scan3A_539 = scf.for %scan3A_894 = %scan3A_535 to %scan3A_537 step %scan3A_538 iter_args(%scan3A_895 = %scan3A_534) -> (i32)  : i32 {
        %add3A_896 = arith.constant 1 : i32
        %add3A_897 = arith.addi %scan3A_894, %add3A_896 : i32
        %mul3A_898 = arith.constant 16 : i32
        %mul3A_899 = arith.muli %mul3A_898, %add3A_897 : i32
        %add3A_900 = arith.constant 1 : i32
        %add3A_901 = arith.addi %scan3A_894, %add3A_900 : i32
        %mul3A_902 = arith.muli %add3A_901, %scan3A_894 : i32
        %jit3A = arith.constant 2 : i32
        %div3A = arith.divsi %mul3A_902, %jit3A : i32
        %sign3A = arith.constant 0 : i32
        %sign3A_903 = arith.cmpi sgt, %mul3A_902, %sign3A : i32
        %sign3A_904 = arith.extui %sign3A_903 : i1 to i32
        %sign3A_905 = arith.constant 0 : i32
        %sign3A_906 = arith.cmpi slt, %mul3A_902, %sign3A_905 : i32
        %sign3A_907 = arith.extui %sign3A_906 : i1 to i32
        %sign3A_908 = arith.subi %sign3A_904, %sign3A_907 : i32
        %sign3A_909 = arith.constant 0 : i32
        %sign3A_910 = arith.cmpi sgt, %jit3A, %sign3A_909 : i32
        %sign3A_911 = arith.extui %sign3A_910 : i1 to i32
        %sign3A_912 = arith.constant 0 : i32
        %sign3A_913 = arith.cmpi slt, %jit3A, %sign3A_912 : i32
        %sign3A_914 = arith.extui %sign3A_913 : i1 to i32
        %sign3A_915 = arith.subi %sign3A_911, %sign3A_914 : i32
        %ne3A = arith.cmpi ne, %sign3A_908, %sign3A_915 : i32
        %rem3A = arith.remsi %mul3A_902, %jit3A : i32
        %ne3A_916 = arith.constant 0 : i32
        %ne3A_917 = arith.cmpi ne, %rem3A, %ne3A_916 : i32
        %and3A = arith.andi %ne3A, %ne3A_917 : i1
        %sub3A = arith.constant 1 : i32
        %sub3A_918 = arith.subi %div3A, %sub3A : i32
        %select_n3A = arith.select %and3A, %sub3A_918, %div3A : i32
        %sub3A_919 = arith.subi %mul3A_899, %select_n3A : i32
        %sub3A_920 = arith.constant 1 : i32
        %sub3A_921 = arith.subi %sub3A_919, %sub3A_920 : i32
        %get3A_922 = arith.constant 6 : i32
        %get3A_923 = arith.index_cast %get3A_922 : i32 to index
        %get3A_924 = arith.constant 0 : index
        %get3A_925 = tpu.vector_load %arg6[%get3A_923, %get3A_924] {strides = array<i32>} : memref<8x256xf32, #tpu.memory_space<vmem>>, vector<1x16xf32>,
        %get3A_926 = vector.shape_cast %get3A_925 : vector<1x16xf32> to vector<16xf32>
        %swap3A_927 = arith.index_cast %sub3A_921 : i32 to index
        %swap3A_928 = arith.constant 0 : index
        %swap3A_929 = tpu.vector_load %arg7[%swap3A_927, %swap3A_928] {strides = array<i32>} : memref<168x256xf32, #tpu.memory_space<vmem>>, vector<1x16xf32>,
        %swap3A_930 = vector.shape_cast %swap3A_929 : vector<1x16xf32> to vector<16xf32>
        %swap3A_931 = vector.shape_cast %get3A_926 : vector<16xf32> to vector<1x16xf32>
        tpu.vector_store %arg7[%swap3A_927, %swap3A_928], %swap3A_931 {strides = array<i32>} : memref<168x256xf32, #tpu.memory_space<vmem>>, vector<1x16xf32>,
        %get3A_932 = arith.constant 6 : i32
        %get3A_933 = arith.index_cast %get3A_932 : i32 to index
        %get3A_934 = arith.constant 16 : index
        %get3A_935 = tpu.vector_load %arg6[%get3A_933, %get3A_934] {strides = array<i32>} : memref<8x256xf32, #tpu.memory_space<vmem>>, vector<1x16xf32>,
        %get3A_936 = vector.shape_cast %get3A_935 : vector<1x16xf32> to vector<16xf32>
        %swap3A_937 = arith.index_cast %sub3A_921 : i32 to index
        %swap3A_938 = arith.constant 16 : index
        %swap3A_939 = tpu.vector_load %arg7[%swap3A_937, %swap3A_938] {strides = array<i32>} : memref<168x256xf32, #tpu.memory_space<vmem>>, vector<1x16xf32>,
        %swap3A_940 = vector.shape_cast %swap3A_939 : vector<1x16xf32> to vector<16xf32>
        %swap3A_941 = vector.shape_cast %get3A_936 : vector<16xf32> to vector<1x16xf32>
        tpu.vector_store %arg7[%swap3A_937, %swap3A_938], %swap3A_941 {strides = array<i32>} : memref<168x256xf32, #tpu.memory_space<vmem>>, vector<1x16xf32>,
        %get3A_942 = arith.constant 6 : i32
        %get3A_943 = arith.index_cast %get3A_942 : i32 to index
        %get3A_944 = arith.constant 32 : index
        %get3A_945 = tpu.vector_load %arg6[%get3A_943, %get3A_944] {strides = array<i32>} : memref<8x256xf32, #tpu.memory_space<vmem>>, vector<1x16xf32>,
        %get3A_946 = vector.shape_cast %get3A_945 : vector<1x16xf32> to vector<16xf32>
        %swap3A_947 = arith.index_cast %sub3A_921 : i32 to index
        %swap3A_948 = arith.constant 32 : index
        %swap3A_949 = tpu.vector_load %arg7[%swap3A_947, %swap3A_948] {strides = array<i32>} : memref<168x256xf32, #tpu.memory_space<vmem>>, vector<1x16xf32>,
        %swap3A_950 = vector.shape_cast %swap3A_949 : vector<1x16xf32> to vector<16xf32>
        %swap3A_951 = vector.shape_cast %get3A_946 : vector<16xf32> to vector<1x16xf32>
        tpu.vector_store %arg7[%swap3A_947, %swap3A_948], %swap3A_951 {strides = array<i32>} : memref<168x256xf32, #tpu.memory_space<vmem>>, vector<1x16xf32>,
        %get3A_952 = arith.constant 6 : i32
        %get3A_953 = arith.index_cast %get3A_952 : i32 to index
        %get3A_954 = arith.constant 48 : index
        %get3A_955 = tpu.vector_load %arg6[%get3A_953, %get3A_954] {strides = array<i32>} : memref<8x256xf32, #tpu.memory_space<vmem>>, vector<1x16xf32>,
        %get3A_956 = vector.shape_cast %get3A_955 : vector<1x16xf32> to vector<16xf32>
        %swap3A_957 = arith.index_cast %sub3A_921 : i32 to index
        %swap3A_958 = arith.constant 48 : index
        %swap3A_959 = tpu.vector_load %arg7[%swap3A_957, %swap3A_958] {strides = array<i32>} : memref<168x256xf32, #tpu.memory_space<vmem>>, vector<1x16xf32>,
        %swap3A_960 = vector.shape_cast %swap3A_959 : vector<1x16xf32> to vector<16xf32>
        %swap3A_961 = vector.shape_cast %get3A_956 : vector<16xf32> to vector<1x16xf32>
        tpu.vector_store %arg7[%swap3A_957, %swap3A_958], %swap3A_961 {strides = array<i32>} : memref<168x256xf32, #tpu.memory_space<vmem>>, vector<1x16xf32>,
        %get3A_962 = arith.constant 6 : i32
        %get3A_963 = arith.index_cast %get3A_962 : i32 to index
        %get3A_964 = arith.constant 64 : index
        %get3A_965 = tpu.vector_load %arg6[%get3A_963, %get3A_964] {strides = array<i32>} : memref<8x256xf32, #tpu.memory_space<vmem>>, vector<1x16xf32>,
        %get3A_966 = vector.shape_cast %get3A_965 : vector<1x16xf32> to vector<16xf32>
        %swap3A_967 = arith.index_cast %sub3A_921 : i32 to index
        %swap3A_968 = arith.constant 64 : index
        %swap3A_969 = tpu.vector_load %arg7[%swap3A_967, %swap3A_968] {strides = array<i32>} : memref<168x256xf32, #tpu.memory_space<vmem>>, vector<1x16xf32>,
        %swap3A_970 = vector.shape_cast %swap3A_969 : vector<1x16xf32> to vector<16xf32>
        %swap3A_971 = vector.shape_cast %get3A_966 : vector<16xf32> to vector<1x16xf32>
        tpu.vector_store %arg7[%swap3A_967, %swap3A_968], %swap3A_971 {strides = array<i32>} : memref<168x256xf32, #tpu.memory_space<vmem>>, vector<1x16xf32>,
        %get3A_972 = arith.constant 6 : i32
        %get3A_973 = arith.index_cast %get3A_972 : i32 to index
        %get3A_974 = arith.constant 80 : index
        %get3A_975 = tpu.vector_load %arg6[%get3A_973, %get3A_974] {strides = array<i32>} : memref<8x256xf32, #tpu.memory_space<vmem>>, vector<1x16xf32>,
        %get3A_976 = vector.shape_cast %get3A_975 : vector<1x16xf32> to vector<16xf32>
        %swap3A_977 = arith.index_cast %sub3A_921 : i32 to index
        %swap3A_978 = arith.constant 80 : index
        %swap3A_979 = tpu.vector_load %arg7[%swap3A_977, %swap3A_978] {strides = array<i32>} : memref<168x256xf32, #tpu.memory_space<vmem>>, vector<1x16xf32>,
        %swap3A_980 = vector.shape_cast %swap3A_979 : vector<1x16xf32> to vector<16xf32>
        %swap3A_981 = vector.shape_cast %get3A_976 : vector<16xf32> to vector<1x16xf32>
        tpu.vector_store %arg7[%swap3A_977, %swap3A_978], %swap3A_981 {strides = array<i32>} : memref<168x256xf32, #tpu.memory_space<vmem>>, vector<1x16xf32>,
        %get3A_982 = arith.constant 6 : i32
        %get3A_983 = arith.index_cast %get3A_982 : i32 to index
        %get3A_984 = arith.constant 96 : index
        %get3A_985 = tpu.vector_load %arg6[%get3A_983, %get3A_984] {strides = array<i32>} : memref<8x256xf32, #tpu.memory_space<vmem>>, vector<1x16xf32>,
        %get3A_986 = vector.shape_cast %get3A_985 : vector<1x16xf32> to vector<16xf32>
        %swap3A_987 = arith.index_cast %sub3A_921 : i32 to index
        %swap3A_988 = arith.constant 96 : index
        %swap3A_989 = tpu.vector_load %arg7[%swap3A_987, %swap3A_988] {strides = array<i32>} : memref<168x256xf32, #tpu.memory_space<vmem>>, vector<1x16xf32>,
        %swap3A_990 = vector.shape_cast %swap3A_989 : vector<1x16xf32> to vector<16xf32>
        %swap3A_991 = vector.shape_cast %get3A_986 : vector<16xf32> to vector<1x16xf32>
        tpu.vector_store %arg7[%swap3A_987, %swap3A_988], %swap3A_991 {strides = array<i32>} : memref<168x256xf32, #tpu.memory_space<vmem>>, vector<1x16xf32>,
        %get3A_992 = arith.constant 6 : i32
        %get3A_993 = arith.index_cast %get3A_992 : i32 to index
        %get3A_994 = arith.constant 112 : index
        %get3A_995 = tpu.vector_load %arg6[%get3A_993, %get3A_994] {strides = array<i32>} : memref<8x256xf32, #tpu.memory_space<vmem>>, vector<1x16xf32>,
        %get3A_996 = vector.shape_cast %get3A_995 : vector<1x16xf32> to vector<16xf32>
        %swap3A_997 = arith.index_cast %sub3A_921 : i32 to index
        %swap3A_998 = arith.constant 112 : index
        %swap3A_999 = tpu.vector_load %arg7[%swap3A_997, %swap3A_998] {strides = array<i32>} : memref<168x256xf32, #tpu.memory_space<vmem>>, vector<1x16xf32>,
        %swap3A_1000 = vector.shape_cast %swap3A_999 : vector<1x16xf32> to vector<16xf32>
        %swap3A_1001 = vector.shape_cast %get3A_996 : vector<16xf32> to vector<1x16xf32>
        tpu.vector_store %arg7[%swap3A_997, %swap3A_998], %swap3A_1001 {strides = array<i32>} : memref<168x256xf32, #tpu.memory_space<vmem>>, vector<1x16xf32>,
        %get3A_1002 = arith.constant 6 : i32
        %get3A_1003 = arith.index_cast %get3A_1002 : i32 to index
        %get3A_1004 = arith.constant 128 : index
        %get3A_1005 = tpu.vector_load %arg6[%get3A_1003, %get3A_1004] {strides = array<i32>} : memref<8x256xf32, #tpu.memory_space<vmem>>, vector<1x16xf32>,
        %get3A_1006 = vector.shape_cast %get3A_1005 : vector<1x16xf32> to vector<16xf32>
        %swap3A_1007 = arith.index_cast %sub3A_921 : i32 to index
        %swap3A_1008 = arith.constant 128 : index
        %swap3A_1009 = tpu.vector_load %arg7[%swap3A_1007, %swap3A_1008] {strides = array<i32>} : memref<168x256xf32, #tpu.memory_space<vmem>>, vector<1x16xf32>,
        %swap3A_1010 = vector.shape_cast %swap3A_1009 : vector<1x16xf32> to vector<16xf32>
        %swap3A_1011 = vector.shape_cast %get3A_1006 : vector<16xf32> to vector<1x16xf32>
        tpu.vector_store %arg7[%swap3A_1007, %swap3A_1008], %swap3A_1011 {strides = array<i32>} : memref<168x256xf32, #tpu.memory_space<vmem>>, vector<1x16xf32>,
        %get3A_1012 = arith.constant 6 : i32
        %get3A_1013 = arith.index_cast %get3A_1012 : i32 to index
        %get3A_1014 = arith.constant 144 : index
        %get3A_1015 = tpu.vector_load %arg6[%get3A_1013, %get3A_1014] {strides = array<i32>} : memref<8x256xf32, #tpu.memory_space<vmem>>, vector<1x16xf32>,
        %get3A_1016 = vector.shape_cast %get3A_1015 : vector<1x16xf32> to vector<16xf32>
        %swap3A_1017 = arith.index_cast %sub3A_921 : i32 to index
        %swap3A_1018 = arith.constant 144 : index
        %swap3A_1019 = tpu.vector_load %arg7[%swap3A_1017, %swap3A_1018] {strides = array<i32>} : memref<168x256xf32, #tpu.memory_space<vmem>>, vector<1x16xf32>,
        %swap3A_1020 = vector.shape_cast %swap3A_1019 : vector<1x16xf32> to vector<16xf32>
        %swap3A_1021 = vector.shape_cast %get3A_1016 : vector<16xf32> to vector<1x16xf32>
        tpu.vector_store %arg7[%swap3A_1017, %swap3A_1018], %swap3A_1021 {strides = array<i32>} : memref<168x256xf32, #tpu.memory_space<vmem>>, vector<1x16xf32>,
        %get3A_1022 = arith.constant 6 : i32
        %get3A_1023 = arith.index_cast %get3A_1022 : i32 to index
        %get3A_1024 = arith.constant 160 : index
        %get3A_1025 = tpu.vector_load %arg6[%get3A_1023, %get3A_1024] {strides = array<i32>} : memref<8x256xf32, #tpu.memory_space<vmem>>, vector<1x16xf32>,
        %get3A_1026 = vector.shape_cast %get3A_1025 : vector<1x16xf32> to vector<16xf32>
        %swap3A_1027 = arith.index_cast %sub3A_921 : i32 to index
        %swap3A_1028 = arith.constant 160 : index
        %swap3A_1029 = tpu.vector_load %arg7[%swap3A_1027, %swap3A_1028] {strides = array<i32>} : memref<168x256xf32, #tpu.memory_space<vmem>>, vector<1x16xf32>,
        %swap3A_1030 = vector.shape_cast %swap3A_1029 : vector<1x16xf32> to vector<16xf32>
        %swap3A_1031 = vector.shape_cast %get3A_1026 : vector<16xf32> to vector<1x16xf32>
        tpu.vector_store %arg7[%swap3A_1027, %swap3A_1028], %swap3A_1031 {strides = array<i32>} : memref<168x256xf32, #tpu.memory_space<vmem>>, vector<1x16xf32>,
        %get3A_1032 = arith.constant 6 : i32
        %get3A_1033 = arith.index_cast %get3A_1032 : i32 to index
        %get3A_1034 = arith.constant 176 : index
        %get3A_1035 = tpu.vector_load %arg6[%get3A_1033, %get3A_1034] {strides = array<i32>} : memref<8x256xf32, #tpu.memory_space<vmem>>, vector<1x16xf32>,
        %get3A_1036 = vector.shape_cast %get3A_1035 : vector<1x16xf32> to vector<16xf32>
        %swap3A_1037 = arith.index_cast %sub3A_921 : i32 to index
        %swap3A_1038 = arith.constant 176 : index
        %swap3A_1039 = tpu.vector_load %arg7[%swap3A_1037, %swap3A_1038] {strides = array<i32>} : memref<168x256xf32, #tpu.memory_space<vmem>>, vector<1x16xf32>,
        %swap3A_1040 = vector.shape_cast %swap3A_1039 : vector<1x16xf32> to vector<16xf32>
        %swap3A_1041 = vector.shape_cast %get3A_1036 : vector<16xf32> to vector<1x16xf32>
        tpu.vector_store %arg7[%swap3A_1037, %swap3A_1038], %swap3A_1041 {strides = array<i32>} : memref<168x256xf32, #tpu.memory_space<vmem>>, vector<1x16xf32>,
        %get3A_1042 = arith.constant 6 : i32
        %get3A_1043 = arith.index_cast %get3A_1042 : i32 to index
        %get3A_1044 = arith.constant 192 : index
        %get3A_1045 = tpu.vector_load %arg6[%get3A_1043, %get3A_1044] {strides = array<i32>} : memref<8x256xf32, #tpu.memory_space<vmem>>, vector<1x16xf32>,
        %get3A_1046 = vector.shape_cast %get3A_1045 : vector<1x16xf32> to vector<16xf32>
        %swap3A_1047 = arith.index_cast %sub3A_921 : i32 to index
        %swap3A_1048 = arith.constant 192 : index
        %swap3A_1049 = tpu.vector_load %arg7[%swap3A_1047, %swap3A_1048] {strides = array<i32>} : memref<168x256xf32, #tpu.memory_space<vmem>>, vector<1x16xf32>,
        %swap3A_1050 = vector.shape_cast %swap3A_1049 : vector<1x16xf32> to vector<16xf32>
        %swap3A_1051 = vector.shape_cast %get3A_1046 : vector<16xf32> to vector<1x16xf32>
        tpu.vector_store %arg7[%swap3A_1047, %swap3A_1048], %swap3A_1051 {strides = array<i32>} : memref<168x256xf32, #tpu.memory_space<vmem>>, vector<1x16xf32>,
        %get3A_1052 = arith.constant 6 : i32
        %get3A_1053 = arith.index_cast %get3A_1052 : i32 to index
        %get3A_1054 = arith.constant 208 : index
        %get3A_1055 = tpu.vector_load %arg6[%get3A_1053, %get3A_1054] {strides = array<i32>} : memref<8x256xf32, #tpu.memory_space<vmem>>, vector<1x16xf32>,
        %get3A_1056 = vector.shape_cast %get3A_1055 : vector<1x16xf32> to vector<16xf32>
        %swap3A_1057 = arith.index_cast %sub3A_921 : i32 to index
        %swap3A_1058 = arith.constant 208 : index
        %swap3A_1059 = tpu.vector_load %arg7[%swap3A_1057, %swap3A_1058] {strides = array<i32>} : memref<168x256xf32, #tpu.memory_space<vmem>>, vector<1x16xf32>,
        %swap3A_1060 = vector.shape_cast %swap3A_1059 : vector<1x16xf32> to vector<16xf32>
        %swap3A_1061 = vector.shape_cast %get3A_1056 : vector<16xf32> to vector<1x16xf32>
        tpu.vector_store %arg7[%swap3A_1057, %swap3A_1058], %swap3A_1061 {strides = array<i32>} : memref<168x256xf32, #tpu.memory_space<vmem>>, vector<1x16xf32>,
        %get3A_1062 = arith.constant 6 : i32
        %get3A_1063 = arith.index_cast %get3A_1062 : i32 to index
        %get3A_1064 = arith.constant 224 : index
        %get3A_1065 = tpu.vector_load %arg6[%get3A_1063, %get3A_1064] {strides = array<i32>} : memref<8x256xf32, #tpu.memory_space<vmem>>, vector<1x16xf32>,
        %get3A_1066 = vector.shape_cast %get3A_1065 : vector<1x16xf32> to vector<16xf32>
        %swap3A_1067 = arith.index_cast %sub3A_921 : i32 to index
        %swap3A_1068 = arith.constant 224 : index
        %swap3A_1069 = tpu.vector_load %arg7[%swap3A_1067, %swap3A_1068] {strides = array<i32>} : memref<168x256xf32, #tpu.memory_space<vmem>>, vector<1x16xf32>,
        %swap3A_1070 = vector.shape_cast %swap3A_1069 : vector<1x16xf32> to vector<16xf32>
        %swap3A_1071 = vector.shape_cast %get3A_1066 : vector<16xf32> to vector<1x16xf32>
        tpu.vector_store %arg7[%swap3A_1067, %swap3A_1068], %swap3A_1071 {strides = array<i32>} : memref<168x256xf32, #tpu.memory_space<vmem>>, vector<1x16xf32>,
        %get3A_1072 = arith.constant 6 : i32
        %get3A_1073 = arith.index_cast %get3A_1072 : i32 to index
        %get3A_1074 = arith.constant 240 : index
        %get3A_1075 = tpu.vector_load %arg6[%get3A_1073, %get3A_1074] {strides = array<i32>} : memref<8x256xf32, #tpu.memory_space<vmem>>, vector<1x16xf32>,
        %get3A_1076 = vector.shape_cast %get3A_1075 : vector<1x16xf32> to vector<16xf32>
        %swap3A_1077 = arith.index_cast %sub3A_921 : i32 to index
        %swap3A_1078 = arith.constant 240 : index
        %swap3A_1079 = tpu.vector_load %arg7[%swap3A_1077, %swap3A_1078] {strides = array<i32>} : memref<168x256xf32, #tpu.memory_space<vmem>>, vector<1x16xf32>,
        %swap3A_1080 = vector.shape_cast %swap3A_1079 : vector<1x16xf32> to vector<16xf32>
        %swap3A_1081 = vector.shape_cast %get3A_1076 : vector<16xf32> to vector<1x16xf32>
        tpu.vector_store %arg7[%swap3A_1077, %swap3A_1078], %swap3A_1081 {strides = array<i32>} : memref<168x256xf32, #tpu.memory_space<vmem>>, vector<1x16xf32>,
        %scan3A_1082 = arith.constant 0 : i32
        scf.yield %scan3A_1082 : i32
      }
      %scan3A_540 = arith.constant 14 : i32
      %get3A_541 = arith.constant 7 : i32
      %get3A_542 = arith.index_cast %get3A_541 : i32 to index
      %get3A_543 = arith.constant 0 : index
      %get3A_544 = tpu.vector_load %arg6[%get3A_542, %get3A_543] {strides = array<i32>} : memref<8x256xf32, #tpu.memory_space<vmem>>, vector<1x16xf32>,
      %get3A_545 = vector.shape_cast %get3A_544 : vector<1x16xf32> to vector<16xf32>
      %swap3A_546 = arith.constant 134 : i32
      %swap3A_547 = arith.index_cast %swap3A_546 : i32 to index
      %swap3A_548 = arith.constant 0 : index
      %swap3A_549 = tpu.vector_load %arg7[%swap3A_547, %swap3A_548] {strides = array<i32>} : memref<168x256xf32, #tpu.memory_space<vmem>>, vector<1x16xf32>,
      %swap3A_550 = vector.shape_cast %swap3A_549 : vector<1x16xf32> to vector<16xf32>
      %swap3A_551 = vector.shape_cast %get3A_545 : vector<16xf32> to vector<1x16xf32>
      tpu.vector_store %arg7[%swap3A_547, %swap3A_548], %swap3A_551 {strides = array<i32>} : memref<168x256xf32, #tpu.memory_space<vmem>>, vector<1x16xf32>,
      %get3A_552 = arith.constant 7 : i32
      %get3A_553 = arith.index_cast %get3A_552 : i32 to index
      %get3A_554 = arith.constant 16 : index
      %get3A_555 = tpu.vector_load %arg6[%get3A_553, %get3A_554] {strides = array<i32>} : memref<8x256xf32, #tpu.memory_space<vmem>>, vector<1x16xf32>,
      %get3A_556 = vector.shape_cast %get3A_555 : vector<1x16xf32> to vector<16xf32>
      %swap3A_557 = arith.constant 134 : i32
      %swap3A_558 = arith.index_cast %swap3A_557 : i32 to index
      %swap3A_559 = arith.constant 16 : index
      %swap3A_560 = tpu.vector_load %arg7[%swap3A_558, %swap3A_559] {strides = array<i32>} : memref<168x256xf32, #tpu.memory_space<vmem>>, vector<1x16xf32>,
      %swap3A_561 = vector.shape_cast %swap3A_560 : vector<1x16xf32> to vector<16xf32>
      %swap3A_562 = vector.shape_cast %get3A_556 : vector<16xf32> to vector<1x16xf32>
      tpu.vector_store %arg7[%swap3A_558, %swap3A_559], %swap3A_562 {strides = array<i32>} : memref<168x256xf32, #tpu.memory_space<vmem>>, vector<1x16xf32>,
      %get3A_563 = arith.constant 7 : i32
      %get3A_564 = arith.index_cast %get3A_563 : i32 to index
      %get3A_565 = arith.constant 32 : index
      %get3A_566 = tpu.vector_load %arg6[%get3A_564, %get3A_565] {strides = array<i32>} : memref<8x256xf32, #tpu.memory_space<vmem>>, vector<1x16xf32>,
      %get3A_567 = vector.shape_cast %get3A_566 : vector<1x16xf32> to vector<16xf32>
      %swap3A_568 = arith.constant 134 : i32
      %swap3A_569 = arith.index_cast %swap3A_568 : i32 to index
      %swap3A_570 = arith.constant 32 : index
      %swap3A_571 = tpu.vector_load %arg7[%swap3A_569, %swap3A_570] {strides = array<i32>} : memref<168x256xf32, #tpu.memory_space<vmem>>, vector<1x16xf32>,
      %swap3A_572 = vector.shape_cast %swap3A_571 : vector<1x16xf32> to vector<16xf32>
      %swap3A_573 = vector.shape_cast %get3A_567 : vector<16xf32> to vector<1x16xf32>
      tpu.vector_store %arg7[%swap3A_569, %swap3A_570], %swap3A_573 {strides = array<i32>} : memref<168x256xf32, #tpu.memory_space<vmem>>, vector<1x16xf32>,
      %get3A_574 = arith.constant 7 : i32
      %get3A_575 = arith.index_cast %get3A_574 : i32 to index
      %get3A_576 = arith.constant 48 : index
      %get3A_577 = tpu.vector_load %arg6[%get3A_575, %get3A_576] {strides = array<i32>} : memref<8x256xf32, #tpu.memory_space<vmem>>, vector<1x16xf32>,
      %get3A_578 = vector.shape_cast %get3A_577 : vector<1x16xf32> to vector<16xf32>
      %swap3A_579 = arith.constant 134 : i32
      %swap3A_580 = arith.index_cast %swap3A_579 : i32 to index
      %swap3A_581 = arith.constant 48 : index
      %swap3A_582 = tpu.vector_load %arg7[%swap3A_580, %swap3A_581] {strides = array<i32>} : memref<168x256xf32, #tpu.memory_space<vmem>>, vector<1x16xf32>,
      %swap3A_583 = vector.shape_cast %swap3A_582 : vector<1x16xf32> to vector<16xf32>
      %swap3A_584 = vector.shape_cast %get3A_578 : vector<16xf32> to vector<1x16xf32>
      tpu.vector_store %arg7[%swap3A_580, %swap3A_581], %swap3A_584 {strides = array<i32>} : memref<168x256xf32, #tpu.memory_space<vmem>>, vector<1x16xf32>,
      %get3A_585 = arith.constant 7 : i32
      %get3A_586 = arith.index_cast %get3A_585 : i32 to index
      %get3A_587 = arith.constant 64 : index
      %get3A_588 = tpu.vector_load %arg6[%get3A_586, %get3A_587] {strides = array<i32>} : memref<8x256xf32, #tpu.memory_space<vmem>>, vector<1x16xf32>,
      %get3A_589 = vector.shape_cast %get3A_588 : vector<1x16xf32> to vector<16xf32>
      %swap3A_590 = arith.constant 134 : i32
      %swap3A_591 = arith.index_cast %swap3A_590 : i32 to index
      %swap3A_592 = arith.constant 64 : index
      %swap3A_593 = tpu.vector_load %arg7[%swap3A_591, %swap3A_592] {strides = array<i32>} : memref<168x256xf32, #tpu.memory_space<vmem>>, vector<1x16xf32>,
      %swap3A_594 = vector.shape_cast %swap3A_593 : vector<1x16xf32> to vector<16xf32>
      %swap3A_595 = vector.shape_cast %get3A_589 : vector<16xf32> to vector<1x16xf32>
      tpu.vector_store %arg7[%swap3A_591, %swap3A_592], %swap3A_595 {strides = array<i32>} : memref<168x256xf32, #tpu.memory_space<vmem>>, vector<1x16xf32>,
      %get3A_596 = arith.constant 7 : i32
      %get3A_597 = arith.index_cast %get3A_596 : i32 to index
      %get3A_598 = arith.constant 80 : index
      %get3A_599 = tpu.vector_load %arg6[%get3A_597, %get3A_598] {strides = array<i32>} : memref<8x256xf32, #tpu.memory_space<vmem>>, vector<1x16xf32>,
      %get3A_600 = vector.shape_cast %get3A_599 : vector<1x16xf32> to vector<16xf32>
      %swap3A_601 = arith.constant 134 : i32
      %swap3A_602 = arith.index_cast %swap3A_601 : i32 to index
      %swap3A_603 = arith.constant 80 : index
      %swap3A_604 = tpu.vector_load %arg7[%swap3A_602, %swap3A_603] {strides = array<i32>} : memref<168x256xf32, #tpu.memory_space<vmem>>, vector<1x16xf32>,
      %swap3A_605 = vector.shape_cast %swap3A_604 : vector<1x16xf32> to vector<16xf32>
      %swap3A_606 = vector.shape_cast %get3A_600 : vector<16xf32> to vector<1x16xf32>
      tpu.vector_store %arg7[%swap3A_602, %swap3A_603], %swap3A_606 {strides = array<i32>} : memref<168x256xf32, #tpu.memory_space<vmem>>, vector<1x16xf32>,
      %get3A_607 = arith.constant 7 : i32
      %get3A_608 = arith.index_cast %get3A_607 : i32 to index
      %get3A_609 = arith.constant 96 : index
      %get3A_610 = tpu.vector_load %arg6[%get3A_608, %get3A_609] {strides = array<i32>} : memref<8x256xf32, #tpu.memory_space<vmem>>, vector<1x16xf32>,
      %get3A_611 = vector.shape_cast %get3A_610 : vector<1x16xf32> to vector<16xf32>
      %swap3A_612 = arith.constant 134 : i32
      %swap3A_613 = arith.index_cast %swap3A_612 : i32 to index
      %swap3A_614 = arith.constant 96 : index
      %swap3A_615 = tpu.vector_load %arg7[%swap3A_613, %swap3A_614] {strides = array<i32>} : memref<168x256xf32, #tpu.memory_space<vmem>>, vector<1x16xf32>,
      %swap3A_616 = vector.shape_cast %swap3A_615 : vector<1x16xf32> to vector<16xf32>
      %swap3A_617 = vector.shape_cast %get3A_611 : vector<16xf32> to vector<1x16xf32>
      tpu.vector_store %arg7[%swap3A_613, %swap3A_614], %swap3A_617 {strides = array<i32>} : memref<168x256xf32, #tpu.memory_space<vmem>>, vector<1x16xf32>,
      %get3A_618 = arith.constant 7 : i32
      %get3A_619 = arith.index_cast %get3A_618 : i32 to index
      %get3A_620 = arith.constant 112 : index
      %get3A_621 = tpu.vector_load %arg6[%get3A_619, %get3A_620] {strides = array<i32>} : memref<8x256xf32, #tpu.memory_space<vmem>>, vector<1x16xf32>,
      %get3A_622 = vector.shape_cast %get3A_621 : vector<1x16xf32> to vector<16xf32>
      %swap3A_623 = arith.constant 134 : i32
      %swap3A_624 = arith.index_cast %swap3A_623 : i32 to index
      %swap3A_625 = arith.constant 112 : index
      %swap3A_626 = tpu.vector_load %arg7[%swap3A_624, %swap3A_625] {strides = array<i32>} : memref<168x256xf32, #tpu.memory_space<vmem>>, vector<1x16xf32>,
      %swap3A_627 = vector.shape_cast %swap3A_626 : vector<1x16xf32> to vector<16xf32>
      %swap3A_628 = vector.shape_cast %get3A_622 : vector<16xf32> to vector<1x16xf32>
      tpu.vector_store %arg7[%swap3A_624, %swap3A_625], %swap3A_628 {strides = array<i32>} : memref<168x256xf32, #tpu.memory_space<vmem>>, vector<1x16xf32>,
      %get3A_629 = arith.constant 7 : i32
      %get3A_630 = arith.index_cast %get3A_629 : i32 to index
      %get3A_631 = arith.constant 128 : index
      %get3A_632 = tpu.vector_load %arg6[%get3A_630, %get3A_631] {strides = array<i32>} : memref<8x256xf32, #tpu.memory_space<vmem>>, vector<1x16xf32>,
      %get3A_633 = vector.shape_cast %get3A_632 : vector<1x16xf32> to vector<16xf32>
      %swap3A_634 = arith.constant 134 : i32
      %swap3A_635 = arith.index_cast %swap3A_634 : i32 to index
      %swap3A_636 = arith.constant 128 : index
      %swap3A_637 = tpu.vector_load %arg7[%swap3A_635, %swap3A_636] {strides = array<i32>} : memref<168x256xf32, #tpu.memory_space<vmem>>, vector<1x16xf32>,
      %swap3A_638 = vector.shape_cast %swap3A_637 : vector<1x16xf32> to vector<16xf32>
      %swap3A_639 = vector.shape_cast %get3A_633 : vector<16xf32> to vector<1x16xf32>
      tpu.vector_store %arg7[%swap3A_635, %swap3A_636], %swap3A_639 {strides = array<i32>} : memref<168x256xf32, #tpu.memory_space<vmem>>, vector<1x16xf32>,
      %get3A_640 = arith.constant 7 : i32
      %get3A_641 = arith.index_cast %get3A_640 : i32 to index
      %get3A_642 = arith.constant 144 : index
      %get3A_643 = tpu.vector_load %arg6[%get3A_641, %get3A_642] {strides = array<i32>} : memref<8x256xf32, #tpu.memory_space<vmem>>, vector<1x16xf32>,
      %get3A_644 = vector.shape_cast %get3A_643 : vector<1x16xf32> to vector<16xf32>
      %swap3A_645 = arith.constant 134 : i32
      %swap3A_646 = arith.index_cast %swap3A_645 : i32 to index
      %swap3A_647 = arith.constant 144 : index
      %swap3A_648 = tpu.vector_load %arg7[%swap3A_646, %swap3A_647] {strides = array<i32>} : memref<168x256xf32, #tpu.memory_space<vmem>>, vector<1x16xf32>,
      %swap3A_649 = vector.shape_cast %swap3A_648 : vector<1x16xf32> to vector<16xf32>
      %swap3A_650 = vector.shape_cast %get3A_644 : vector<16xf32> to vector<1x16xf32>
      tpu.vector_store %arg7[%swap3A_646, %swap3A_647], %swap3A_650 {strides = array<i32>} : memref<168x256xf32, #tpu.memory_space<vmem>>, vector<1x16xf32>,
      %get3A_651 = arith.constant 7 : i32
      %get3A_652 = arith.index_cast %get3A_651 : i32 to index
      %get3A_653 = arith.constant 160 : index
      %get3A_654 = tpu.vector_load %arg6[%get3A_652, %get3A_653] {strides = array<i32>} : memref<8x256xf32, #tpu.memory_space<vmem>>, vector<1x16xf32>,
      %get3A_655 = vector.shape_cast %get3A_654 : vector<1x16xf32> to vector<16xf32>
      %swap3A_656 = arith.constant 134 : i32
      %swap3A_657 = arith.index_cast %swap3A_656 : i32 to index
      %swap3A_658 = arith.constant 160 : index
      %swap3A_659 = tpu.vector_load %arg7[%swap3A_657, %swap3A_658] {strides = array<i32>} : memref<168x256xf32, #tpu.memory_space<vmem>>, vector<1x16xf32>,
      %swap3A_660 = vector.shape_cast %swap3A_659 : vector<1x16xf32> to vector<16xf32>
      %swap3A_661 = vector.shape_cast %get3A_655 : vector<16xf32> to vector<1x16xf32>
      tpu.vector_store %arg7[%swap3A_657, %swap3A_658], %swap3A_661 {strides = array<i32>} : memref<168x256xf32, #tpu.memory_space<vmem>>, vector<1x16xf32>,
      %get3A_662 = arith.constant 7 : i32
      %get3A_663 = arith.index_cast %get3A_662 : i32 to index
      %get3A_664 = arith.constant 176 : index
      %get3A_665 = tpu.vector_load %arg6[%get3A_663, %get3A_664] {strides = array<i32>} : memref<8x256xf32, #tpu.memory_space<vmem>>, vector<1x16xf32>,
      %get3A_666 = vector.shape_cast %get3A_665 : vector<1x16xf32> to vector<16xf32>
      %swap3A_667 = arith.constant 134 : i32
      %swap3A_668 = arith.index_cast %swap3A_667 : i32 to index
      %swap3A_669 = arith.constant 176 : index
      %swap3A_670 = tpu.vector_load %arg7[%swap3A_668, %swap3A_669] {strides = array<i32>} : memref<168x256xf32, #tpu.memory_space<vmem>>, vector<1x16xf32>,
      %swap3A_671 = vector.shape_cast %swap3A_670 : vector<1x16xf32> to vector<16xf32>
      %swap3A_672 = vector.shape_cast %get3A_666 : vector<16xf32> to vector<1x16xf32>
      tpu.vector_store %arg7[%swap3A_668, %swap3A_669], %swap3A_672 {strides = array<i32>} : memref<168x256xf32, #tpu.memory_space<vmem>>, vector<1x16xf32>,
      %get3A_673 = arith.constant 7 : i32
      %get3A_674 = arith.index_cast %get3A_673 : i32 to index
      %get3A_675 = arith.constant 192 : index
      %get3A_676 = tpu.vector_load %arg6[%get3A_674, %get3A_675] {strides = array<i32>} : memref<8x256xf32, #tpu.memory_space<vmem>>, vector<1x16xf32>,
      %get3A_677 = vector.shape_cast %get3A_676 : vector<1x16xf32> to vector<16xf32>
      %swap3A_678 = arith.constant 134 : i32
      %swap3A_679 = arith.index_cast %swap3A_678 : i32 to index
      %swap3A_680 = arith.constant 192 : index
      %swap3A_681 = tpu.vector_load %arg7[%swap3A_679, %swap3A_680] {strides = array<i32>} : memref<168x256xf32, #tpu.memory_space<vmem>>, vector<1x16xf32>,
      %swap3A_682 = vector.shape_cast %swap3A_681 : vector<1x16xf32> to vector<16xf32>
      %swap3A_683 = vector.shape_cast %get3A_677 : vector<16xf32> to vector<1x16xf32>
      tpu.vector_store %arg7[%swap3A_679, %swap3A_680], %swap3A_683 {strides = array<i32>} : memref<168x256xf32, #tpu.memory_space<vmem>>, vector<1x16xf32>,
      %get3A_684 = arith.constant 7 : i32
      %get3A_685 = arith.index_cast %get3A_684 : i32 to index
      %get3A_686 = arith.constant 208 : index
      %get3A_687 = tpu.vector_load %arg6[%get3A_685, %get3A_686] {strides = array<i32>} : memref<8x256xf32, #tpu.memory_space<vmem>>, vector<1x16xf32>,
      %get3A_688 = vector.shape_cast %get3A_687 : vector<1x16xf32> to vector<16xf32>
      %swap3A_689 = arith.constant 134 : i32
      %swap3A_690 = arith.index_cast %swap3A_689 : i32 to index
      %swap3A_691 = arith.constant 208 : index
      %swap3A_692 = tpu.vector_load %arg7[%swap3A_690, %swap3A_691] {strides = array<i32>} : memref<168x256xf32, #tpu.memory_space<vmem>>, vector<1x16xf32>,
      %swap3A_693 = vector.shape_cast %swap3A_692 : vector<1x16xf32> to vector<16xf32>
      %swap3A_694 = vector.shape_cast %get3A_688 : vector<16xf32> to vector<1x16xf32>
      tpu.vector_store %arg7[%swap3A_690, %swap3A_691], %swap3A_694 {strides = array<i32>} : memref<168x256xf32, #tpu.memory_space<vmem>>, vector<1x16xf32>,
      %get3A_695 = arith.constant 7 : i32
      %get3A_696 = arith.index_cast %get3A_695 : i32 to index
      %get3A_697 = arith.constant 224 : index
      %get3A_698 = tpu.vector_load %arg6[%get3A_696, %get3A_697] {strides = array<i32>} : memref<8x256xf32, #tpu.memory_space<vmem>>, vector<1x16xf32>,
      %get3A_699 = vector.shape_cast %get3A_698 : vector<1x16xf32> to vector<16xf32>
      %swap3A_700 = arith.constant 134 : i32
      %swap3A_701 = arith.index_cast %swap3A_700 : i32 to index
      %swap3A_702 = arith.constant 224 : index
      %swap3A_703 = tpu.vector_load %arg7[%swap3A_701, %swap3A_702] {strides = array<i32>} : memref<168x256xf32, #tpu.memory_space<vmem>>, vector<1x16xf32>,
      %swap3A_704 = vector.shape_cast %swap3A_703 : vector<1x16xf32> to vector<16xf32>
      %swap3A_705 = vector.shape_cast %get3A_699 : vector<16xf32> to vector<1x16xf32>
      tpu.vector_store %arg7[%swap3A_701, %swap3A_702], %swap3A_705 {strides = array<i32>} : memref<168x256xf32, #tpu.memory_space<vmem>>, vector<1x16xf32>,
      %get3A_706 = arith.constant 7 : i32
      %get3A_707 = arith.index_cast %get3A_706 : i32 to index
      %get3A_708 = arith.constant 240 : index
      %get3A_709 = tpu.vector_load %arg6[%get3A_707, %get3A_708] {strides = array<i32>} : memref<8x256xf32, #tpu.memory_space<vmem>>, vector<1x16xf32>,
      %get3A_710 = vector.shape_cast %get3A_709 : vector<1x16xf32> to vector<16xf32>
      %swap3A_711 = arith.constant 134 : i32
      %swap3A_712 = arith.index_cast %swap3A_711 : i32 to index
      %swap3A_713 = arith.constant 240 : index
      %swap3A_714 = tpu.vector_load %arg7[%swap3A_712, %swap3A_713] {strides = array<i32>} : memref<168x256xf32, #tpu.memory_space<vmem>>, vector<1x16xf32>,
      %swap3A_715 = vector.shape_cast %swap3A_714 : vector<1x16xf32> to vector<16xf32>
      %swap3A_716 = vector.shape_cast %get3A_710 : vector<16xf32> to vector<1x16xf32>
      tpu.vector_store %arg7[%swap3A_712, %swap3A_713], %swap3A_716 {strides = array<i32>} : memref<168x256xf32, #tpu.memory_space<vmem>>, vector<1x16xf32>,
      %get3A_717 = arith.constant 7 : i32
      %get3A_718 = arith.index_cast %get3A_717 : i32 to index
      %get3A_719 = arith.constant 0 : index
      %get3A_720 = tpu.vector_load %arg6[%get3A_718, %get3A_719] {strides = array<i32>} : memref<8x256xf32, #tpu.memory_space<vmem>>, vector<1x16xf32>,
      %get3A_721 = vector.shape_cast %get3A_720 : vector<1x16xf32> to vector<16xf32>
      %swap3A_722 = arith.constant 135 : i32
      %swap3A_723 = arith.index_cast %swap3A_722 : i32 to index
      %swap3A_724 = arith.constant 0 : index
      %swap3A_725 = tpu.vector_load %arg7[%swap3A_723, %swap3A_724] {strides = array<i32>} : memref<168x256xf32, #tpu.memory_space<vmem>>, vector<1x16xf32>,
      %swap3A_726 = vector.shape_cast %swap3A_725 : vector<1x16xf32> to vector<16xf32>
      %swap3A_727 = vector.shape_cast %get3A_721 : vector<16xf32> to vector<1x16xf32>
      tpu.vector_store %arg7[%swap3A_723, %swap3A_724], %swap3A_727 {strides = array<i32>} : memref<168x256xf32, #tpu.memory_space<vmem>>, vector<1x16xf32>,
      %get3A_728 = arith.constant 7 : i32
      %get3A_729 = arith.index_cast %get3A_728 : i32 to index
      %get3A_730 = arith.constant 16 : index
      %get3A_731 = tpu.vector_load %arg6[%get3A_729, %get3A_730] {strides = array<i32>} : memref<8x256xf32, #tpu.memory_space<vmem>>, vector<1x16xf32>,
      %get3A_732 = vector.shape_cast %get3A_731 : vector<1x16xf32> to vector<16xf32>
      %swap3A_733 = arith.constant 135 : i32
      %swap3A_734 = arith.index_cast %swap3A_733 : i32 to index
      %swap3A_735 = arith.constant 16 : index
      %swap3A_736 = tpu.vector_load %arg7[%swap3A_734, %swap3A_735] {strides = array<i32>} : memref<168x256xf32, #tpu.memory_space<vmem>>, vector<1x16xf32>,
      %swap3A_737 = vector.shape_cast %swap3A_736 : vector<1x16xf32> to vector<16xf32>
      %swap3A_738 = vector.shape_cast %get3A_732 : vector<16xf32> to vector<1x16xf32>
      tpu.vector_store %arg7[%swap3A_734, %swap3A_735], %swap3A_738 {strides = array<i32>} : memref<168x256xf32, #tpu.memory_space<vmem>>, vector<1x16xf32>,
      %get3A_739 = arith.constant 7 : i32
      %get3A_740 = arith.index_cast %get3A_739 : i32 to index
      %get3A_741 = arith.constant 32 : index
      %get3A_742 = tpu.vector_load %arg6[%get3A_740, %get3A_741] {strides = array<i32>} : memref<8x256xf32, #tpu.memory_space<vmem>>, vector<1x16xf32>,
      %get3A_743 = vector.shape_cast %get3A_742 : vector<1x16xf32> to vector<16xf32>
      %swap3A_744 = arith.constant 135 : i32
      %swap3A_745 = arith.index_cast %swap3A_744 : i32 to index
      %swap3A_746 = arith.constant 32 : index
      %swap3A_747 = tpu.vector_load %arg7[%swap3A_745, %swap3A_746] {strides = array<i32>} : memref<168x256xf32, #tpu.memory_space<vmem>>, vector<1x16xf32>,
      %swap3A_748 = vector.shape_cast %swap3A_747 : vector<1x16xf32> to vector<16xf32>
      %swap3A_749 = vector.shape_cast %get3A_743 : vector<16xf32> to vector<1x16xf32>
      tpu.vector_store %arg7[%swap3A_745, %swap3A_746], %swap3A_749 {strides = array<i32>} : memref<168x256xf32, #tpu.memory_space<vmem>>, vector<1x16xf32>,
      %get3A_750 = arith.constant 7 : i32
      %get3A_751 = arith.index_cast %get3A_750 : i32 to index
      %get3A_752 = arith.constant 48 : index
      %get3A_753 = tpu.vector_load %arg6[%get3A_751, %get3A_752] {strides = array<i32>} : memref<8x256xf32, #tpu.memory_space<vmem>>, vector<1x16xf32>,
      %get3A_754 = vector.shape_cast %get3A_753 : vector<1x16xf32> to vector<16xf32>
      %swap3A_755 = arith.constant 135 : i32
      %swap3A_756 = arith.index_cast %swap3A_755 : i32 to index
      %swap3A_757 = arith.constant 48 : index
      %swap3A_758 = tpu.vector_load %arg7[%swap3A_756, %swap3A_757] {strides = array<i32>} : memref<168x256xf32, #tpu.memory_space<vmem>>, vector<1x16xf32>,
      %swap3A_759 = vector.shape_cast %swap3A_758 : vector<1x16xf32> to vector<16xf32>
      %swap3A_760 = vector.shape_cast %get3A_754 : vector<16xf32> to vector<1x16xf32>
      tpu.vector_store %arg7[%swap3A_756, %swap3A_757], %swap3A_760 {strides = array<i32>} : memref<168x256xf32, #tpu.memory_space<vmem>>, vector<1x16xf32>,
      %get3A_761 = arith.constant 7 : i32
      %get3A_762 = arith.index_cast %get3A_761 : i32 to index
      %get3A_763 = arith.constant 64 : index
      %get3A_764 = tpu.vector_load %arg6[%get3A_762, %get3A_763] {strides = array<i32>} : memref<8x256xf32, #tpu.memory_space<vmem>>, vector<1x16xf32>,
      %get3A_765 = vector.shape_cast %get3A_764 : vector<1x16xf32> to vector<16xf32>
      %swap3A_766 = arith.constant 135 : i32
      %swap3A_767 = arith.index_cast %swap3A_766 : i32 to index
      %swap3A_768 = arith.constant 64 : index
      %swap3A_769 = tpu.vector_load %arg7[%swap3A_767, %swap3A_768] {strides = array<i32>} : memref<168x256xf32, #tpu.memory_space<vmem>>, vector<1x16xf32>,
      %swap3A_770 = vector.shape_cast %swap3A_769 : vector<1x16xf32> to vector<16xf32>
      %swap3A_771 = vector.shape_cast %get3A_765 : vector<16xf32> to vector<1x16xf32>
      tpu.vector_store %arg7[%swap3A_767, %swap3A_768], %swap3A_771 {strides = array<i32>} : memref<168x256xf32, #tpu.memory_space<vmem>>, vector<1x16xf32>,
      %get3A_772 = arith.constant 7 : i32
      %get3A_773 = arith.index_cast %get3A_772 : i32 to index
      %get3A_774 = arith.constant 80 : index
      %get3A_775 = tpu.vector_load %arg6[%get3A_773, %get3A_774] {strides = array<i32>} : memref<8x256xf32, #tpu.memory_space<vmem>>, vector<1x16xf32>,
      %get3A_776 = vector.shape_cast %get3A_775 : vector<1x16xf32> to vector<16xf32>
      %swap3A_777 = arith.constant 135 : i32
      %swap3A_778 = arith.index_cast %swap3A_777 : i32 to index
      %swap3A_779 = arith.constant 80 : index
      %swap3A_780 = tpu.vector_load %arg7[%swap3A_778, %swap3A_779] {strides = array<i32>} : memref<168x256xf32, #tpu.memory_space<vmem>>, vector<1x16xf32>,
      %swap3A_781 = vector.shape_cast %swap3A_780 : vector<1x16xf32> to vector<16xf32>
      %swap3A_782 = vector.shape_cast %get3A_776 : vector<16xf32> to vector<1x16xf32>
      tpu.vector_store %arg7[%swap3A_778, %swap3A_779], %swap3A_782 {strides = array<i32>} : memref<168x256xf32, #tpu.memory_space<vmem>>, vector<1x16xf32>,
      %get3A_783 = arith.constant 7 : i32
      %get3A_784 = arith.index_cast %get3A_783 : i32 to index
      %get3A_785 = arith.constant 96 : index
      %get3A_786 = tpu.vector_load %arg6[%get3A_784, %get3A_785] {strides = array<i32>} : memref<8x256xf32, #tpu.memory_space<vmem>>, vector<1x16xf32>,
      %get3A_787 = vector.shape_cast %get3A_786 : vector<1x16xf32> to vector<16xf32>
      %swap3A_788 = arith.constant 135 : i32
      %swap3A_789 = arith.index_cast %swap3A_788 : i32 to index
      %swap3A_790 = arith.constant 96 : index
      %swap3A_791 = tpu.vector_load %arg7[%swap3A_789, %swap3A_790] {strides = array<i32>} : memref<168x256xf32, #tpu.memory_space<vmem>>, vector<1x16xf32>,
      %swap3A_792 = vector.shape_cast %swap3A_791 : vector<1x16xf32> to vector<16xf32>
      %swap3A_793 = vector.shape_cast %get3A_787 : vector<16xf32> to vector<1x16xf32>
      tpu.vector_store %arg7[%swap3A_789, %swap3A_790], %swap3A_793 {strides = array<i32>} : memref<168x256xf32, #tpu.memory_space<vmem>>, vector<1x16xf32>,
      %get3A_794 = arith.constant 7 : i32
      %get3A_795 = arith.index_cast %get3A_794 : i32 to index
      %get3A_796 = arith.constant 112 : index
      %get3A_797 = tpu.vector_load %arg6[%get3A_795, %get3A_796] {strides = array<i32>} : memref<8x256xf32, #tpu.memory_space<vmem>>, vector<1x16xf32>,
      %get3A_798 = vector.shape_cast %get3A_797 : vector<1x16xf32> to vector<16xf32>
      %swap3A_799 = arith.constant 135 : i32
      %swap3A_800 = arith.index_cast %swap3A_799 : i32 to index
      %swap3A_801 = arith.constant 112 : index
      %swap3A_802 = tpu.vector_load %arg7[%swap3A_800, %swap3A_801] {strides = array<i32>} : memref<168x256xf32, #tpu.memory_space<vmem>>, vector<1x16xf32>,
      %swap3A_803 = vector.shape_cast %swap3A_802 : vector<1x16xf32> to vector<16xf32>
      %swap3A_804 = vector.shape_cast %get3A_798 : vector<16xf32> to vector<1x16xf32>
      tpu.vector_store %arg7[%swap3A_800, %swap3A_801], %swap3A_804 {strides = array<i32>} : memref<168x256xf32, #tpu.memory_space<vmem>>, vector<1x16xf32>,
      %get3A_805 = arith.constant 7 : i32
      %get3A_806 = arith.index_cast %get3A_805 : i32 to index
      %get3A_807 = arith.constant 128 : index
      %get3A_808 = tpu.vector_load %arg6[%get3A_806, %get3A_807] {strides = array<i32>} : memref<8x256xf32, #tpu.memory_space<vmem>>, vector<1x16xf32>,
      %get3A_809 = vector.shape_cast %get3A_808 : vector<1x16xf32> to vector<16xf32>
      %swap3A_810 = arith.constant 135 : i32
      %swap3A_811 = arith.index_cast %swap3A_810 : i32 to index
      %swap3A_812 = arith.constant 128 : index
      %swap3A_813 = tpu.vector_load %arg7[%swap3A_811, %swap3A_812] {strides = array<i32>} : memref<168x256xf32, #tpu.memory_space<vmem>>, vector<1x16xf32>,
      %swap3A_814 = vector.shape_cast %swap3A_813 : vector<1x16xf32> to vector<16xf32>
      %swap3A_815 = vector.shape_cast %get3A_809 : vector<16xf32> to vector<1x16xf32>
      tpu.vector_store %arg7[%swap3A_811, %swap3A_812], %swap3A_815 {strides = array<i32>} : memref<168x256xf32, #tpu.memory_space<vmem>>, vector<1x16xf32>,
      %get3A_816 = arith.constant 7 : i32
      %get3A_817 = arith.index_cast %get3A_816 : i32 to index
      %get3A_818 = arith.constant 144 : index
      %get3A_819 = tpu.vector_load %arg6[%get3A_817, %get3A_818] {strides = array<i32>} : memref<8x256xf32, #tpu.memory_space<vmem>>, vector<1x16xf32>,
      %get3A_820 = vector.shape_cast %get3A_819 : vector<1x16xf32> to vector<16xf32>
      %swap3A_821 = arith.constant 135 : i32
      %swap3A_822 = arith.index_cast %swap3A_821 : i32 to index
      %swap3A_823 = arith.constant 144 : index
      %swap3A_824 = tpu.vector_load %arg7[%swap3A_822, %swap3A_823] {strides = array<i32>} : memref<168x256xf32, #tpu.memory_space<vmem>>, vector<1x16xf32>,
      %swap3A_825 = vector.shape_cast %swap3A_824 : vector<1x16xf32> to vector<16xf32>
      %swap3A_826 = vector.shape_cast %get3A_820 : vector<16xf32> to vector<1x16xf32>
      tpu.vector_store %arg7[%swap3A_822, %swap3A_823], %swap3A_826 {strides = array<i32>} : memref<168x256xf32, #tpu.memory_space<vmem>>, vector<1x16xf32>,
      %get3A_827 = arith.constant 7 : i32
      %get3A_828 = arith.index_cast %get3A_827 : i32 to index
      %get3A_829 = arith.constant 160 : index
      %get3A_830 = tpu.vector_load %arg6[%get3A_828, %get3A_829] {strides = array<i32>} : memref<8x256xf32, #tpu.memory_space<vmem>>, vector<1x16xf32>,
      %get3A_831 = vector.shape_cast %get3A_830 : vector<1x16xf32> to vector<16xf32>
      %swap3A_832 = arith.constant 135 : i32
      %swap3A_833 = arith.index_cast %swap3A_832 : i32 to index
      %swap3A_834 = arith.constant 160 : index
      %swap3A_835 = tpu.vector_load %arg7[%swap3A_833, %swap3A_834] {strides = array<i32>} : memref<168x256xf32, #tpu.memory_space<vmem>>, vector<1x16xf32>,
      %swap3A_836 = vector.shape_cast %swap3A_835 : vector<1x16xf32> to vector<16xf32>
      %swap3A_837 = vector.shape_cast %get3A_831 : vector<16xf32> to vector<1x16xf32>
      tpu.vector_store %arg7[%swap3A_833, %swap3A_834], %swap3A_837 {strides = array<i32>} : memref<168x256xf32, #tpu.memory_space<vmem>>, vector<1x16xf32>,
      %get3A_838 = arith.constant 7 : i32
      %get3A_839 = arith.index_cast %get3A_838 : i32 to index
      %get3A_840 = arith.constant 176 : index
      %get3A_841 = tpu.vector_load %arg6[%get3A_839, %get3A_840] {strides = array<i32>} : memref<8x256xf32, #tpu.memory_space<vmem>>, vector<1x16xf32>,
      %get3A_842 = vector.shape_cast %get3A_841 : vector<1x16xf32> to vector<16xf32>
      %swap3A_843 = arith.constant 135 : i32
      %swap3A_844 = arith.index_cast %swap3A_843 : i32 to index
      %swap3A_845 = arith.constant 176 : index
      %swap3A_846 = tpu.vector_load %arg7[%swap3A_844, %swap3A_845] {strides = array<i32>} : memref<168x256xf32, #tpu.memory_space<vmem>>, vector<1x16xf32>,
      %swap3A_847 = vector.shape_cast %swap3A_846 : vector<1x16xf32> to vector<16xf32>
      %swap3A_848 = vector.shape_cast %get3A_842 : vector<16xf32> to vector<1x16xf32>
      tpu.vector_store %arg7[%swap3A_844, %swap3A_845], %swap3A_848 {strides = array<i32>} : memref<168x256xf32, #tpu.memory_space<vmem>>, vector<1x16xf32>,
      %get3A_849 = arith.constant 7 : i32
      %get3A_850 = arith.index_cast %get3A_849 : i32 to index
      %get3A_851 = arith.constant 192 : index
      %get3A_852 = tpu.vector_load %arg6[%get3A_850, %get3A_851] {strides = array<i32>} : memref<8x256xf32, #tpu.memory_space<vmem>>, vector<1x16xf32>,
      %get3A_853 = vector.shape_cast %get3A_852 : vector<1x16xf32> to vector<16xf32>
      %swap3A_854 = arith.constant 135 : i32
      %swap3A_855 = arith.index_cast %swap3A_854 : i32 to index
      %swap3A_856 = arith.constant 192 : index
      %swap3A_857 = tpu.vector_load %arg7[%swap3A_855, %swap3A_856] {strides = array<i32>} : memref<168x256xf32, #tpu.memory_space<vmem>>, vector<1x16xf32>,
      %swap3A_858 = vector.shape_cast %swap3A_857 : vector<1x16xf32> to vector<16xf32>
      %swap3A_859 = vector.shape_cast %get3A_853 : vector<16xf32> to vector<1x16xf32>
      tpu.vector_store %arg7[%swap3A_855, %swap3A_856], %swap3A_859 {strides = array<i32>} : memref<168x256xf32, #tpu.memory_space<vmem>>, vector<1x16xf32>,
      %get3A_860 = arith.constant 7 : i32
      %get3A_861 = arith.index_cast %get3A_860 : i32 to index
      %get3A_862 = arith.constant 208 : index
      %get3A_863 = tpu.vector_load %arg6[%get3A_861, %get3A_862] {strides = array<i32>} : memref<8x256xf32, #tpu.memory_space<vmem>>, vector<1x16xf32>,
      %get3A_864 = vector.shape_cast %get3A_863 : vector<1x16xf32> to vector<16xf32>
      %swap3A_865 = arith.constant 135 : i32
      %swap3A_866 = arith.index_cast %swap3A_865 : i32 to index
      %swap3A_867 = arith.constant 208 : index
      %swap3A_868 = tpu.vector_load %arg7[%swap3A_866, %swap3A_867] {strides = array<i32>} : memref<168x256xf32, #tpu.memory_space<vmem>>, vector<1x16xf32>,
      %swap3A_869 = vector.shape_cast %swap3A_868 : vector<1x16xf32> to vector<16xf32>
      %swap3A_870 = vector.shape_cast %get3A_864 : vector<16xf32> to vector<1x16xf32>
      tpu.vector_store %arg7[%swap3A_866, %swap3A_867], %swap3A_870 {strides = array<i32>} : memref<168x256xf32, #tpu.memory_space<vmem>>, vector<1x16xf32>,
      %get3A_871 = arith.constant 7 : i32
      %get3A_872 = arith.index_cast %get3A_871 : i32 to index
      %get3A_873 = arith.constant 224 : index
      %get3A_874 = tpu.vector_load %arg6[%get3A_872, %get3A_873] {strides = array<i32>} : memref<8x256xf32, #tpu.memory_space<vmem>>, vector<1x16xf32>,
      %get3A_875 = vector.shape_cast %get3A_874 : vector<1x16xf32> to vector<16xf32>
      %swap3A_876 = arith.constant 135 : i32
      %swap3A_877 = arith.index_cast %swap3A_876 : i32 to index
      %swap3A_878 = arith.constant 224 : index
      %swap3A_879 = tpu.vector_load %arg7[%swap3A_877, %swap3A_878] {strides = array<i32>} : memref<168x256xf32, #tpu.memory_space<vmem>>, vector<1x16xf32>,
      %swap3A_880 = vector.shape_cast %swap3A_879 : vector<1x16xf32> to vector<16xf32>
      %swap3A_881 = vector.shape_cast %get3A_875 : vector<16xf32> to vector<1x16xf32>
      tpu.vector_store %arg7[%swap3A_877, %swap3A_878], %swap3A_881 {strides = array<i32>} : memref<168x256xf32, #tpu.memory_space<vmem>>, vector<1x16xf32>,
      %get3A_882 = arith.constant 7 : i32
      %get3A_883 = arith.index_cast %get3A_882 : i32 to index
      %get3A_884 = arith.constant 240 : index
      %get3A_885 = tpu.vector_load %arg6[%get3A_883, %get3A_884] {strides = array<i32>} : memref<8x256xf32, #tpu.memory_space<vmem>>, vector<1x16xf32>,
      %get3A_886 = vector.shape_cast %get3A_885 : vector<1x16xf32> to vector<16xf32>
      %swap3A_887 = arith.constant 135 : i32
      %swap3A_888 = arith.index_cast %swap3A_887 : i32 to index
      %swap3A_889 = arith.constant 240 : index
      %swap3A_890 = tpu.vector_load %arg7[%swap3A_888, %swap3A_889] {strides = array<i32>} : memref<168x256xf32, #tpu.memory_space<vmem>>, vector<1x16xf32>,
      %swap3A_891 = vector.shape_cast %swap3A_890 : vector<1x16xf32> to vector<16xf32>
      %swap3A_892 = vector.shape_cast %get3A_886 : vector<16xf32> to vector<1x16xf32>
      tpu.vector_store %arg7[%swap3A_888, %swap3A_889], %swap3A_892 {strides = array<i32>} : memref<168x256xf32, #tpu.memory_space<vmem>>, vector<1x16xf32>,
      "tpu.region"() ({
        %run_scoped3A = tpu.sem_alloc : memref<!tpu.dma_semaphore, #tpu.memory_space<semaphore_mem>>
        %dma_start3A = arith.constant 0 : i32
        %dma_start3A_894 = arith.constant 0 : i32
        %dma_start3A_895 = tpu.memref_slice %arg7[%dma_start3A, %dma_start3A_894] : memref<168x256xf32, #tpu.memory_space<vmem>> -> memref<136x256xf32, #tpu.memory_space<vmem>>
        %dma_start3A_896 = arith.constant 504 : i32
        %dma_start3A_897 = arith.constant 0 : i32
        %dma_start3A_898 = tpu.memref_slice %arg4[%add3A_330, %dma_start3A_896, %dma_start3A_897] : memref<128x640x256xf32, #tpu.memory_space<hbm>> -> memref<1x136x256xf32, #tpu.memory_space<hbm>>
        %dma_start3A_899 = tpu.memref_squeeze %dma_start3A_898 : memref<1x136x256xf32, #tpu.memory_space<hbm>> -> memref<136x256xf32, #tpu.memory_space<hbm>>
        %dma_start3A_900 = arith.constant 504 : i32
        %dma_start3A_901 = arith.constant 0 : i32
        %dma_start3A_902 = tpu.memref_slice %arg4[%add3A_330, %dma_start3A_900, %dma_start3A_901] : memref<128x640x256xf32, #tpu.memory_space<hbm>> -> memref<1x136x256xf32, #tpu.memory_space<hbm>>
        %dma_start3A_903 = tpu.memref_squeeze %dma_start3A_902 : memref<1x136x256xf32, #tpu.memory_space<hbm>> -> memref<136x256xf32, #tpu.memory_space<hbm>>
        %dma_start3A_904 = arith.constant 0 : i32
        %dma_start3A_905 = arith.constant 0 : i32
        %dma_start3A_906 = tpu.memref_slice %arg7[%dma_start3A_904, %dma_start3A_905] : memref<168x256xf32, #tpu.memory_space<vmem>> -> memref<136x256xf32, #tpu.memory_space<vmem>>
        tpu.enqueue_dma source(%dma_start3A_906 : memref<136x256xf32, #tpu.memory_space<vmem>>) target(%dma_start3A_903 : memref<136x256xf32, #tpu.memory_space<hbm>>) target_semaphore(%run_scoped3A : memref<!tpu.dma_semaphore, #tpu.memory_space<semaphore_mem>>)
        %dma_wait3A = arith.constant 0 : i32
        %dma_wait3A_907 = arith.constant 0 : i32
        %dma_wait3A_908 = tpu.memref_slice %arg7[%dma_wait3A, %dma_wait3A_907] : memref<168x256xf32, #tpu.memory_space<vmem>> -> memref<136x256xf32, #tpu.memory_space<vmem>>
        %dma_wait3A_909 = arith.constant 504 : i32
        %dma_wait3A_910 = arith.constant 0 : i32
        %dma_wait3A_911 = tpu.memref_slice %arg4[%add3A_330, %dma_wait3A_909, %dma_wait3A_910] : memref<128x640x256xf32, #tpu.memory_space<hbm>> -> memref<1x136x256xf32, #tpu.memory_space<hbm>>
        %dma_wait3A_912 = tpu.memref_squeeze %dma_wait3A_911 : memref<1x136x256xf32, #tpu.memory_space<hbm>> -> memref<136x256xf32, #tpu.memory_space<hbm>>
        %dma_wait3A_913 = arith.constant 504 : i32
        %dma_wait3A_914 = arith.constant 0 : i32
        %dma_wait3A_915 = tpu.memref_slice %arg4[%add3A_330, %dma_wait3A_913, %dma_wait3A_914] : memref<128x640x256xf32, #tpu.memory_space<hbm>> -> memref<1x136x256xf32, #tpu.memory_space<hbm>>
        %dma_wait3A_916 = tpu.memref_squeeze %dma_wait3A_915 : memref<1x136x256xf32, #tpu.memory_space<hbm>> -> memref<136x256xf32, #tpu.memory_space<hbm>>
        %dma_wait3A_917 = arith.constant 0 : i32
        %dma_wait3A_918 = arith.constant 0 : i32
        %dma_wait3A_919 = tpu.memref_slice %arg7[%dma_wait3A_917, %dma_wait3A_918] : memref<168x256xf32, #tpu.memory_space<vmem>> -> memref<136x256xf32, #tpu.memory_space<vmem>>
        tpu.wait_dma2 semaphore(%run_scoped3A : memref<!tpu.dma_semaphore, #tpu.memory_space<semaphore_mem>>) src(%dma_wait3A_919 : memref<136x256xf32, #tpu.memory_space<vmem>>) dst(%dma_wait3A_916 : memref<136x256xf32, #tpu.memory_space<hbm>>)
        tpu.yield
      }) : () -> ()
      %scan3A_893 = arith.constant 0 : i32
      scf.yield %scan3A_893 : i32
    }
    %scan3A_325 = arith.constant 4 : i32
    return
  }
}

</mosaic_0001>

<sc_bundles>
// kernel: kernel.3.cloned.1.call-start
scs
__scs_entry_jumppad:
0x0: {  	(pc) =	sbr.rel $0x88, $3  }
0x1: {  	(tag) =	ssettag $0x0;
	lr =	simm.s32 $0x1  }
0x2: {  	[smem:$0x3F9A] =	sst lr;
	_ =	strace $0xD0000000  }
0x3: {  	_ = 	snop  }
0x4: {  	_ = 	snop  }
0x5: {  	_ = 	snop  }
0x6: {  	_ = 	snop  }
0x7: {  	_ = 	snop  }
__scs_overlays_trampoline_lowered:
0x8: {  	[smem:$0x3FA9] =	sst s0  }
0x9: {  	[smem:$0x3FAA] =	sst s1  }
0xa: {  	[smem:$0x3FAB] =	sst s2  }
0xb: {  	[smem:$0x3FAC] =	sst s3  }
0xc: {  	[smem:$0x3FAD] =	sst s4  }
0xd: {  	[smem:$0x3FAE] =	sst s5  }
0xe: {  	[smem:$0x3FAF] =	sst s6  }
0xf: {  	[smem:$0x3FB0] =	sst s7  }
0x10: {  	[smem:$0x3FB1] =	sst s8  }
0x11: {  	[smem:$0x3FB2] =	sst s9;
	s0 =	simm.s32 @!p0 $0x0  }
0x12: {  	s1 =	sld [smem:$0x3F98];
	s0 =	simm.s32 @p0 $0x1  }
0x13: {  	[smem:$0x3FB3] =	sst s0;
	s0 =	simm.s32 @!p1 $0x0  }
0x14: {  	s2 =	sld [smem:$0x3F97];
	s0 =	simm.s32 @p1 $0x1  }
0x15: {  	[smem:$0x3FB4] =	sst s0;
	s0 =	simm.s32 @!p2 $0x0  }
0x16: {  	s3 =	sld [smem:$0x3FDB];
	s0 =	simm.s32 @p2 $0x1  }
0x17: {  	s4 =	simm.s32 $0x1BF5;
	[smem:$0x3FB6] =	sst s0  }
0x18: {  	s0 =	sld [smem:$0x3F99];
	_ =	swait.ge [sflag:s4], $0x0  }
0x19: {  	s7 =	sld [smem:$0x3F9A]  }
0x1a: {  	s8 =	sadd.s32 $0xFFFFE003, lr  }
0x1b: {  	s9 =	sadd.s32 $0xFFFFFEF7, lr;
	s5 =	simm.s32 $0xFFFFFFFF;
	p2 =	slt.u32 s8, $0xFFFFF086  }
0x1c: {  	p1 =	slt.u32 s9, $0xF7A;
	s5 =	simm.s32 @!p2 $0x0  }
0x1d: {  	s5 =	simm.s32 @p1 $0x1;
	p0 =	seq.s32 s7, s2  }
0x1e: {  	s7 =	smul.u32 @!p0 $0xF7A, s2;
	p2 =	seq.s32 @!p0 s5, $0x0  }
0x1f: {  	s9 =	smul.u32 $0xF7A, s1;
	s8 =	simm.s32 @!p0 $0x1BF5;
	p2 =	por !p2, p0  }
0x20: {  	[sflag:s8] =	ssyncset.s32 @!p0 $0xFFFFF086;
	s6 =	sadd.s32 @!p0 s3, s7;
	s7 =	simm.s32 @!p0 $0x108  }
0x21: {  	s3 =	sadd.s32 s3, s9;
	s6 =	sadd.s32 @!p0 $0x88, s6;
	s7 =	simm.s32 @p2 $0x1082  }
0x22: {  	[simem:s7], [sflag:s8] =	dma.local @!p0 [hbm:s6], $0xF7A  }
0x23: {  	s9 =	sor.u32 $0xD0000000, s2;
	s6 =	simm.s32 $0x108;
	_ =	swait.ge @!p0 [sflag:s8], $0x0  }
0x24: {  	s3 =	sadd.s32 $0x88, s3;
	s6 =	simm.s32 @!p1 $0x1082;
	[sflag:s4] =	ssyncset.s32 $0xFFFFF086  }
0x25: {  	[simem:s6], [sflag:s4] =	dma.local [hbm:s3], $0xF7A  }
0x26: {  	[smem:$0x3F9A] =	sst s1;
	(tag) =	ssettag s2;
	_ =	strace s9  }
0x27: {  	s1 =	sld [smem:$0x3FAA]  }
0x28: {  	s2 =	sld [smem:$0x3FAB]  }
0x29: {  	s4 =	sld [smem:$0x3FAD]  }
0x2a: {  	p0 =	seq.s32 s5, $0x0;
	s5 =	sld [smem:$0x3FAE]  }
0x2b: {  	s6 =	sld [smem:$0x3FAF]  }
0x2c: {  	s7 =	sld [smem:$0x3FB0]  }
0x2d: {  	s3 =	simm.s32 $0x108;
	s8 =	sld [smem:$0x3FB1]  }
0x2e: {  	s3 =	simm.s32 @!p0 $0x1082;
	s9 =	sld [smem:$0x3FB2]  }
0x2f: {  	lr =	sadd.s32 s0, s3;
	s0 =	sld [smem:$0x3FA9]  }
0x30: {  	s3 =	sld [smem:$0x3FAC]  }
0x31: {  	[smem:$0x3FB5] =	sst s10  }
0x32: {  	s10 =	sld [smem:$0x3FB3];
	_ =	sdelay $0x3  }
0x33: {  	p0 =	seq.s32 s10, $0x1;
	s10 =	sld [smem:$0x3FB5];
	_ =	sdelay $0x3  }
0x34: {  	[smem:$0x3FB5] =	sst s10  }
0x35: {  	s10 =	sld [smem:$0x3FB4];
	_ =	sdelay $0x3  }
0x36: {  	p1 =	seq.s32 s10, $0x1;
	s10 =	sld [smem:$0x3FB5];
	_ =	sdelay $0x3  }
0x37: {  	[smem:$0x3FB5] =	sst s10  }
0x38: {  	s10 =	sld [smem:$0x3FB6]  }
0x39: {  	_ = 	snop;
	(pc) =	sbr.ind lr, $3  }
0x3a: {  	_ = 	snop  }
0x3b: {  	_ = 	snop  }
0x3c: {  	p2 =	seq.s32 s10, $0x1;
	s10 =	sld [smem:$0x3FB5]  }
0x3d: {  	_ =	shalt  }
0x3e: {  	_ =	shalt  }
0x3f: {  	_ =	shalt  }
0x40: {  	_ =	shalt  }
0x41: {  	_ =	shalt  }
0x42: {  	_ =	shalt  }
0x43: {  	_ =	shalt  }
0x44: {  	_ =	shalt  }
0x45: {  	_ =	shalt  }
0x46: {  	_ =	shalt  }
0x47: {  	_ =	shalt  }
0x48: {  	_ =	shalt  }
0x49: {  	_ =	shalt  }
0x4a: {  	_ =	shalt  }
0x4b: {  	_ =	shalt  }
0x4c: {  	_ =	shalt  }
0x4d: {  	_ =	shalt  }
0x4e: {  	_ =	shalt  }
0x4f: {  	_ =	shalt  }
0x50: {  	_ =	shalt  }
0x51: {  	_ =	shalt  }
0x52: {  	_ =	shalt  }
0x53: {  	_ =	shalt  }
0x54: {  	_ =	shalt  }
0x55: {  	_ =	shalt  }
0x56: {  	_ =	shalt  }
0x57: {  	_ =	shalt  }
0x58: {  	_ =	shalt  }
0x59: {  	_ =	shalt  }
0x5a: {  	_ =	shalt  }
0x5b: {  	_ =	shalt  }
0x5c: {  	_ =	shalt  }
0x5d: {  	_ =	shalt  }
0x5e: {  	_ =	shalt  }
0x5f: {  	_ =	shalt  }
0x60: {  	_ =	shalt  }
0x61: {  	_ =	shalt  }
0x62: {  	_ =	shalt  }
0x63: {  	_ =	shalt  }
0x64: {  	_ =	shalt  }
0x65: {  	_ =	shalt  }
0x66: {  	_ =	shalt  }
0x67: {  	_ =	shalt  }
0x68: {  	_ =	shalt  }
0x69: {  	_ =	shalt  }
0x6a: {  	_ =	shalt  }
0x6b: {  	_ =	shalt  }
0x6c: {  	_ =	shalt  }
0x6d: {  	_ =	shalt  }
0x6e: {  	_ =	shalt  }
0x6f: {  	_ =	shalt  }
0x70: {  	_ =	shalt  }
0x71: {  	_ =	shalt  }
0x72: {  	_ =	shalt  }
0x73: {  	_ =	shalt  }
0x74: {  	_ =	shalt  }
0x75: {  	_ =	shalt  }
0x76: {  	_ =	shalt  }
0x77: {  	_ =	shalt  }
0x78: {  	_ =	shalt  }
0x79: {  	_ =	shalt  }
0x7a: {  	_ =	shalt  }
0x7b: {  	_ =	shalt  }
0x7c: {  	_ =	shalt  }
0x7d: {  	_ =	shalt  }
0x7e: {  	_ =	shalt  }
0x7f: {  	_ =	shalt  }
0x80: {  	_ =	shalt  }
0x81: {  	_ =	shalt  }
0x82: {  	_ =	shalt  }
0x83: {  	_ =	shalt  }
0x84: {  	_ =	shalt  }
0x85: {  	_ =	shalt  }
0x86: {  	_ =	shalt  }
0x87: {  	_ =	shalt  }
.Lfunc_end0:
.L_simem_size_0:
called_computation.1_lowered:
.L_overlay_start_0:
0x88: {  	s2 =	sld [smem:$0x3FD9]  }
0x89: {  	s3 =	sld [smem:$0x3FFE];
	_ =	sdelay $0x1  }
0x8a: {  	s1 =	srdreg.scid  }
0x8b: {  	s0 =	sand.u32 $0x1, s1  }
0x8c: {  	s17 =	sshll.u32 s0, $0xA;
	s2 =	sadd.s32 s3, s2  }
0x8d: {  	s2 =	sadd.s32 s2, s17  }
0x8e: {  	[smem:$0x3FC1] =	sst s2  }
0x8f: {  	_ = 	snop  }
0x90: {  	s2 =	sld [smem:$0x3FD0];
	(tm) =	ssettm $0x1  }
0x91: {  	s18 =	sld [smem:$0x3FFB];
	_ =	sdelay $0x3  }
0x92: {  	_ =	strace s18  }
0x93: {  	s3 =	sld [smem:$0x3FFC];
	_ =	sdelay $0x3  }
0x94: {  	_ =	strace s3  }
0x95: {  	s3 =	sld [smem:$0x3FFD];
	_ =	sdelay $0x3  }
0x96: {  	_ =	strace s3  }
0x97: {  	_ =	strace $0x8FFFFFFF  }
0x98: {  	s19 =	sld [smem:$0x3FDB];
	_ =	sdelay $0x1  }
0x99: {  	s4 =	simm.s32 $_scs_section_size  }
0x9a: {  	s5 =	simm.s32 $_size__tile_overlayer_lowered;
	s6 =	simm.s32 $_tile_overlayer_lowered  }
0x9b: {  	s22 =	simm.s32 $0x1BFF;
	s21 =	sshll.u32 s6, $0x1;
	s3 =	sadd.s32 s4, s19  }
0x9c: {  	s7 =	simm.s32 $0x0;
	s20 =	sshll.u32 s5, $0x1;
	s5 =	sadd.s32 s21, s3  }
0x9d: {  	[timem:s7], [sflag:s22] =	dma.local [hbm:s5], s20  }
0x9e: {  	_ =	swait.ge [sflag:s22], s20  }
0x9f: {  	s4 =	ssub.s32 $0x0, s20;
	[sflag:s22] =	ssyncset.done $0x0  }
0xa0: {  	[sflag:s22] =	ssyncadd.s32 s4;
	_ =	sdelay $0x1  }
0xa1: {  	s23 =	simm.s32 $0x1B8B  }
0xa2: {  	_ =	swait.ge [sflag:s23], $0x1  }
0xa3: {  	[sflag:s23] =	ssyncset.done $0x0  }
0xa4: {  	s25 =	simm.s32 $0x1B8E;
	s24 =	sld [smem:$0x3FFE];
	[sflag:s23] =	ssyncadd.s32 $0xFFFFFFFF  }
0xa5: {  	s26 =	simm.s32 $execute0_lowered;
	[smem:$0x3FD2] =	sst s25  }
0xa6: {  	s5 =	sshll.u32 s26, $0x1;
	_ =	strace $0x80000046;
	[dreg:$0x1] =	wrdreg $0xFFFFFFFF  }
0xa7: {  	s28 =	simm.s32 $_size_execute0_lowered;
	s3 =	sadd.s32 s3, s5;
	[dreg:$0x0] =	wrdreg $0x0  }
0xa8: {  	s5 =	sshll.u32 s28, $0x1;
	[dreg:$0x2] =	wrdreg s3  }
0xa9: {  	[dreg:$0x3] =	wrdreg s5  }
0xaa: {  	[dreg:$0x4] =	wrdreg $0xC0  }
0xab: {  	_ =	task [dreg:s7], $0x5FFFF  }
0xac: {  	[dreg:$0x1] =	wrdreg $0xFFFFFFFF  }
0xad: {  	[dreg:$0x0] =	wrdreg $0x60  }
0xae: {  	[dreg:$0x2] =	wrdreg s2  }
0xaf: {  	[dreg:$0x3] =	wrdreg s24  }
0xb0: {  	[dreg:$0x4] =	wrdreg $0x9  }
0xb1: {  	_ =	task.clear_ibuf [dreg:s7], $0x5FFFF;
	_ =	strace $0x90000046  }
0xb2: {  	s29 =	simm.s32 $0x9;
	_ =	strace $0x80000048  }
0xb3: {  	_ =	swait.ge [sflag:s29], $0x1  }
0xb4: {  	[sflag:s29] =	ssyncadd.s32 $0xFFFFFFFF  }
0xb5: {  	_ =	strace $0x90000048  }
0xb6: {  	_ =	sfence  }
0xb7: {  	s30 =	sld [smem:$0x0];
	_ =	sdelay $0x2  }
0xb8: {  	s31 =	sshll.u32 s1, $0xD;
	s1 =	sshrl.u32 s1, $0x2  }
0xb9: {  	s3 =	sand.u32 $0x4000, s31;
	s1 =	sadd.s32 s1, s30  }
0xba: {  	s0 =	sor.u32 s3, s0;
	s1 =	sshll.u32 s1, $0x11  }
0xbb: {  	s0 =	sor.u32 s1, s0  }
0xbc: {  	s0 =	sadd.s32 $0x8F2B, s0  }
0xbd: {  	[sflag:s0] =	ssyncadd.remote.s32 $0x1  }
0xbe: {  	_ =	sfence.sel $0xFFFF  }
0xbf: {  	[dreg:$0x0] =	wrdreg $0xFFFFFFFF;
	(pc) =	sbr.abs _section_cstart, $3  }
0xc0: {  	[dreg:$0x1] =	wrdreg $0xFFFFFFFF  }
0xc1: {  	_ =	task.clear_ibuf [dreg:s7], $0x2FFFF;
	_ =	strace $0x9FFFFFFF  }
0xc2: {  	(tm) =	ssettm $0x7FFFFFFF  }
0xc3: {  	_ =	shalt  }
tec
execute0_lowered:
.L_overlay_start_1:
0x0: {  	(tag) =	ssettag $0x1  }
0x1: {  	s1 =	rddreg [dreg:$0x0]  }
0x2: {  	s3 =	rddreg [dreg:$0x1]  }
0x3: {  	s0 =	rddreg [dreg:$0x2];
	s2 =	simm.s32 $0x0  }
0x4: {  	s4 =	srdreg.scid;
	s9 =	simm.s32 $0x280;
	s10 =	simm.s32 $0x1  }
0x5: {  	s11 =	simm.s32 $0x80;
	s12 =	simm.s32 $0x400;
	s13 =	simm.s32 $0xA80  }
0x6: {  	s14 =	simm.s32 $0x0;
	[smem:$0x7FF] =	sst s2;
	s6 =	sand.u32 $0x1, s4  }
0x7: {  	s4 =	sadd.s32 $0x800, s3;
	s5 =	sadd.s32 $0xA00, s3;
	s7 =	ssub.s32 $0x2, s6  }
0x8: {  	s3 =	stileid.u32;
	_ =	strace $0x80000047;
	s8 =	sshrl.u32 s7, $0x1  }
0x9: {  	s31 =	sshll.u32 s3, $0x3;
	s6 =	sshll.u32 s6, $0x2;
	s8 =	ssub.s32 s7, s8  }
0xa: {  	s6 =	sor.u32 s6, s31;
	s7 =	smul.u32 $0x1400, s3;
	s8 =	smax.u32 s8, $0x1  }
.LBB2_1:
0xb: {  	[tilespmem:s9], [sflag:$0x1] =	stream.linear.gather [hbm4b:s4+s2], $0x800, $0x38;
	[tilespmem:$0xB280] =	vst v63  }
0xc: {  	_ =	swait.ge [sflag:s10], $0x800  }
0xd: {  	[sflag:s10] =	ssyncset.done $0x0  }
0xe: {  	[sflag:s10] =	ssyncadd.s32 $0xFFFFF800  }
0xf: {  	v0 =	vld [tilespmem:$0x280]  }
0x10: {  	v16 =	vld [tilespmem:$0x290]  }
0x11: {  	v17 =	vld [tilespmem:$0x2A0]  }
0x12: {  	v18 =	vld [tilespmem:$0x2B0]  }
0x13: {  	v19 =	vld [tilespmem:$0x2C0]  }
0x14: {  	v20 =	vld [tilespmem:$0x2D0]  }
0x15: {  	v6 =	vld [tilespmem:$0x2E0]  }
0x16: {  	v7 =	vld [tilespmem:$0x2F0]  }
0x17: {  	v8 =	vld [tilespmem:$0x680]  }
0x18: {  	v9 =	vld [tilespmem:$0x690]  }
0x19: {  	v10 =	vld [tilespmem:$0x6A0]  }
0x1a: {  	v11 =	vld [tilespmem:$0x6B0]  }
0x1b: {  	v12 =	vld [tilespmem:$0x6C0]  }
0x1c: {  	v13 =	vld [tilespmem:$0x6D0]  }
0x1d: {  	v14 =	vld [tilespmem:$0x6E0]  }
0x1e: {  	v15 =	vld [tilespmem:$0x6F0]  }
0x1f: {  	v22 =	vld [tilespmem:$0x300]  }
0x20: {  	v23 =	vld [tilespmem:$0x310]  }
0x21: {  	v24 =	vld [tilespmem:$0x320]  }
0x22: {  	v25 =	vld [tilespmem:$0x330]  }
0x23: {  	v21 =	vld [tilespmem:$0x340]  }
0x24: {  	v30 =	vld [tilespmem:$0x350]  }
0x25: {  	v31 =	vld [tilespmem:$0x360]  }
0x26: {  	v48 =	vld [tilespmem:$0x370]  }
0x27: {  	v49 =	vld [tilespmem:$0x700]  }
0x28: {  	v50 =	vld [tilespmem:$0x710]  }
0x29: {  	v51 =	vld [tilespmem:$0x720]  }
0x2a: {  	v52 =	vld [tilespmem:$0x730]  }
0x2b: {  	v53 =	vld [tilespmem:$0x740]  }
0x2c: {  	v54 =	vld [tilespmem:$0x750]  }
0x2d: {  	v55 =	vld [tilespmem:$0x760]  }
0x2e: {  	v56 =	vld [tilespmem:$0x770]  }
0x2f: {  	v32 =	vld [tilespmem:$0x380]  }
0x30: {  	v33 =	vld [tilespmem:$0x390]  }
0x31: {  	v34 =	vld [tilespmem:$0x3A0]  }
0x32: {  	v35 =	vld [tilespmem:$0x3B0]  }
0x33: {  	v36 =	vld [tilespmem:$0x3C0]  }
0x34: {  	v37 =	vld [tilespmem:$0x3D0]  }
0x35: {  	v38 =	vld [tilespmem:$0x3E0]  }
0x36: {  	v39 =	vld [tilespmem:$0x3F0]  }
0x37: {  	v40 =	vld [tilespmem:$0x780]  }
0x38: {  	v41 =	vld [tilespmem:$0x790]  }
0x39: {  	v42 =	vld [tilespmem:$0x7A0]  }
0x3a: {  	v1 =	vld [tilespmem:$0x830]  }
0x3b: {  	v2 =	vld [tilespmem:$0x840]  }
0x3c: {  	v3 =	vld [tilespmem:$0x850]  }
0x3d: {  	v4 =	vld [tilespmem:$0x860]  }
0x3e: {  	v5 =	vld [tilespmem:$0x870]  }
0x3f: {  	v43 =	vld [tilespmem:$0x7B0];
	[tilespmem:$0x1FF00] =	vst v1  }
0x40: {  	v44 =	vld [tilespmem:$0x7C0];
	[tilespmem:$0x1FF10] =	vst v2  }
0x41: {  	v45 =	vld [tilespmem:$0x7D0];
	[tilespmem:$0x1FF20] =	vst v3  }
0x42: {  	v46 =	vld [tilespmem:$0x7E0];
	[tilespmem:$0x1FF30] =	vst v4  }
0x43: {  	v47 =	vld [tilespmem:$0x7F0];
	[tilespmem:$0x1FF40] =	vst v5  }
0x44: {  	v57 =	vld [tilespmem:$0x400];
	[tilespmem:$0x1FF50] =	vst v21  }
0x45: {  	v58 =	vld [tilespmem:$0x410];
	[tilespmem:$0x1FF60] =	vst v23  }
0x46: {  	v59 =	vld [tilespmem:$0x420];
	[tilespmem:$0x1FF70] =	vst v25  }
0x47: {  	v60 =	vld [tilespmem:$0x430];
	[tilespmem:$0x1FF80] =	vst v22  }
0x48: {  	v61 =	vld [tilespmem:$0x440];
	[tilespmem:$0x1FF90] =	vst v24  }
0x49: {  	v62 =	vld [tilespmem:$0x450];
	[tilespmem:$0x1FFA0] =	vst v0  }
0x4a: {  	v63 =	vld [tilespmem:$0x460];
	[tilespmem:$0x1FFB0] =	vst v16  }
0x4b: {  	v27 =	vld [tilespmem:$0x470];
	[tilespmem:$0x1FFC0] =	vst v17  }
0x4c: {  	v29 =	vld [tilespmem:$0x800];
	[tilespmem:$0x1FFD0] =	vst v18  }
0x4d: {  	v26 =	vld [tilespmem:$0x810];
	[tilespmem:$0x1FFE0] =	vst v19  }
0x4e: {  	s15 =	simm.s32 $0x0;
	v28 =	vld [tilespmem:$0x820];
	v1 =	vmovc v16;
	v2 =	vmovc v17;
	v3 =	vmov v18;
	v4 =	vmov v19;
	v5 =	vmov v20;
	[tilespmem:$0x1FFF0] =	vst v20  }
.LBB2_2:
0x4f: {  	s16 =	sadd.s32 s6, s15  }
0x50: {  	s17 =	sshll.u32 s16, $0x7  }
0x51: {  	s17 =	sand.u32 $0x380, s17  }
0x52: {  	s17 =	sor.u32 s7, s17  }
0x53: {  	s17 =	sshrl.u32 s17, $0x3  }
0x54: {  	s18 =	sadd.s32 s1, s17;
	s17 =	simm.s32 $0x0  }
0x55: {  	[tilespmem:s17], [sflag:$0x1] =	stream.strided.gather [hbm4b:s18+s11], $0x280, s12, s11, $0x38;
	[tilespmem:$0xB280] =	vst v63  }
0x56: {  	_ =	swait.ge [sflag:s10], $0x280  }
0x57: {  	s19 =	simm.s32 $0x0;
	[sflag:s10] =	ssyncset.done $0x0  }
0x58: {  	s20 =	simm.s32 $0x0;
	s18 =	simm.s32 $0x0;
	[sflag:s10] =	ssyncadd.s32 $0xFFFFFD80  }
.LBB2_3:
0x59: {  	s21 =	sadd.s32 $0x0, s18  }
0x5a: {  	v16 =	vld.msk [tilespmem:s21+$0x0 ss:$0x0], $0xffff;
	_ =	sdelay $0x4  }
0x5b: {  	v18 =	vmul.f32 v16, v0  }
0x5c: {  	v19 =	vmul.f32 v16, v1  }
0x5d: {  	s31 =	sand.u32 $0x1F800, s17;
	s22 =	sand.u32 $0x380, s19;
	v17 =	vmul.f32 v16, v2;
	v18 =	vadd.f32 v18, v32  }
0x5e: {  	s22 =	sor.u32 s22, s31;
	v21 =	vmul.f32 v16, v3;
	v19 =	vadd.f32 v19, v33  }
0x5f: {  	v22 =	vmul.f32 v16, v4;
	v20 =	vadd.f32 v17, v34;
	[tilespmem:s22+$0xA80] =	vst v18  }
0x60: {  	v17 =	vadd.f32 v21, v35;
	v21 =	vmul.f32 v16, v5;
	[tilespmem:s22+$0xA90] =	vst v19  }
0x61: {  	v18 =	vadd.f32 v22, v36;
	v22 =	vmul.f32 v16, v6;
	[tilespmem:s22+$0xAA0] =	vst v20  }
0x62: {  	v19 =	vmul.f32 v16, v7;
	v20 =	vadd.f32 v21, v37;
	[tilespmem:s22+$0xAB0] =	vst v17  }
0x63: {  	v17 =	vmul.f32 v16, v8;
	v21 =	vadd.f32 v22, v38;
	[tilespmem:s22+$0xAC0] =	vst v18  }
0x64: {  	v22 =	vmul.f32 v16, v9;
	v18 =	vadd.f32 v19, v39;
	[tilespmem:s22+$0xAD0] =	vst v20  }
0x65: {  	v20 =	vmul.f32 v16, v10;
	v19 =	vadd.f32 v17, v40;
	[tilespmem:s22+$0xAE0] =	vst v21  }
0x66: {  	v17 =	vadd.f32 v22, v41;
	v21 =	vmul.f32 v16, v11;
	[tilespmem:s22+$0xAF0] =	vst v18  }
0x67: {  	v18 =	vadd.f32 v20, v42;
	v20 =	vmul.f32 v16, v12;
	[tilespmem:s22+$0xE80] =	vst v19  }
0x68: {  	v19 =	vmul.f32 v16, v13;
	v21 =	vadd.f32 v21, v43;
	[tilespmem:s22+$0xE90] =	vst v17  }
0x69: {  	v17 =	vmul.f32 v16, v14;
	v20 =	vadd.f32 v20, v44;
	[tilespmem:s22+$0xEA0] =	vst v18  }
0x6a: {  	v18 =	vadd.f32 v19, v45;
	v16 =	vmul.f32 v16, v15;
	[tilespmem:s22+$0xEB0] =	vst v21  }
0x6b: {  	v17 =	vadd.f32 v17, v46;
	[tilespmem:s22+$0xEC0] =	vst v20  }
0x6c: {  	s26 =	simm.s32 $0x1;
	s25 =	simm.s32 $0x8;
	[tilespmem:s22+$0xED0] =	vst v18;
	v16 =	vadd.f32 v16, v47  }
0x6d: {  	s23 =	smov.u32 s19;
	s24 =	smov.u32 s17;
	s21 =	smul.u32 $0x15, s20;
	[tilespmem:s22+$0xEE0] =	vst v17  }
.LBB2_4:
0x6e: {  	p0 =	sne.s32 s25, $0x4C;
	s26 =	sadd.s32 s26, s18;
	[tilespmem:s22+$0xEF0] =	vst v16  }
0x6f: {  	v16 =	vld.msk [tilespmem:s26+$0x0 ss:$0x0], $0xffff;
	_ =	sdelay $0x5  }
0x70: {  	v17 =	vmul.f32 v16, v0;
	v18 =	vmul.f32 v16, v1  }
0x71: {  	s23 =	sadd.s32 $0x80, s23;
	s24 =	sadd.s32 $0x100, s24;
	v19 =	vmul.f32 v16, v2;
	v20 =	vmul.f32 v16, v3  }
0x72: {  	s22 =	sand.u32 $0x1F800, s24;
	s26 =	sand.u32 $0x380, s23;
	v21 =	vmul.f32 v16, v4;
	v17 =	vadd.f32 v17, v32;
	v18 =	vadd.f32 v18, v33  }
0x73: {  	s22 =	sor.u32 s26, s22;
	v22 =	vmul.f32 v16, v5;
	v19 =	vadd.f32 v19, v34;
	v20 =	vadd.f32 v20, v35  }
0x74: {  	v23 =	vmul.f32 v16, v7;
	[tilespmem:s22+$0xA80] =	vst v17;
	v17 =	vadd.f32 v21, v36;
	v21 =	vmul.f32 v16, v6  }
0x75: {  	v24 =	vmul.f32 v16, v9;
	[tilespmem:s22+$0xA90] =	vst v18;
	v18 =	vadd.f32 v22, v37;
	v22 =	vmul.f32 v16, v8  }
0x76: {  	[tilespmem:s22+$0xAA0] =	vst v19;
	v19 =	vadd.f32 v21, v38;
	v21 =	vadd.f32 v23, v39;
	v23 =	vmul.f32 v16, v10  }
0x77: {  	[tilespmem:s22+$0xAB0] =	vst v20;
	v20 =	vadd.f32 v22, v40;
	v22 =	vadd.f32 v24, v41;
	v24 =	vmul.f32 v16, v11  }
0x78: {  	v25 =	vmul.f32 v16, v13;
	[tilespmem:s22+$0xAC0] =	vst v17;
	v17 =	vadd.f32 v23, v42;
	v23 =	vmul.f32 v16, v12  }
0x79: {  	[tilespmem:s22+$0xAD0] =	vst v18;
	v18 =	vadd.f32 v24, v43;
	v24 =	vmul.f32 v16, v14;
	v16 =	vmul.f32 v16, v15  }
0x7a: {  	[tilespmem:s22+$0xAE0] =	vst v19;
	v19 =	vadd.f32 v23, v44;
	v23 =	vadd.f32 v25, v45  }
0x7b: {  	[tilespmem:s22+$0xAF0] =	vst v21;
	v21 =	vadd.f32 v24, v46;
	v16 =	vadd.f32 v16, v47  }
0x7c: {  	[tilespmem:s22+$0xE80] =	vst v20  }
0x7d: {  	[tilespmem:s22+$0xE90] =	vst v22  }
.Ltmp0:
0x7e: {  	[tilespmem:s22+$0xEA0] =	vst v17;
	(pc) =	sbr.rel @p0 .LBB2_4-.Ltmp0, $4  }
0x7f: {  	[tilespmem:s22+$0xEB0] =	vst v18  }
0x80: {  	[tilespmem:s22+$0xEC0] =	vst v19  }
0x81: {  	[tilespmem:s22+$0xED0] =	vst v23  }
0x82: {  	s26 =	sshra.s32 s25, $0x2;
	s25 =	sadd.s32 $0x4, s25;
	[tilespmem:s22+$0xEE0] =	vst v21  }
0x83: {  	s25 =	sadd.s32 s26, s18;
	[tilespmem:s22+$0xEF0] =	vst v16  }
0x84: {  	v16 =	vld.msk [tilespmem:s25+$0x0 ss:$0x0], $0xffff;
	_ =	sdelay $0x4  }
0x85: {  	v17 =	vmul.f32 v16, v0  }
0x86: {  	s29 =	sadd.s32 $0x80, s23;
	s30 =	sadd.s32 $0x100, s24;
	v18 =	vmul.f32 v16, v1  }
0x87: {  	s23 =	sand.u32 $0x1F800, s30;
	s22 =	sand.u32 $0x380, s29;
	v19 =	vmul.f32 v16, v2;
	v17 =	vadd.f32 v17, v32  }
0x88: {  	s22 =	sor.u32 s22, s23;
	v20 =	vmul.f32 v16, v3;
	v18 =	vadd.f32 v18, v33  }
0x89: {  	v21 =	vmul.f32 v16, v4;
	v19 =	vadd.f32 v19, v34;
	[tilespmem:s22+$0xA80] =	vst v17  }
0x8a: {  	v17 =	vadd.f32 v20, v35;
	v20 =	vmul.f32 v16, v5;
	[tilespmem:s22+$0xA90] =	vst v18  }
0x8b: {  	v18 =	vadd.f32 v21, v36;
	v21 =	vmul.f32 v16, v6;
	[tilespmem:s22+$0xAA0] =	vst v19  }
0x8c: {  	v19 =	vmul.f32 v16, v7;
	v20 =	vadd.f32 v20, v37;
	[tilespmem:s22+$0xAB0] =	vst v17  }
0x8d: {  	v17 =	vmul.f32 v16, v8;
	v21 =	vadd.f32 v21, v38;
	[tilespmem:s22+$0xAC0] =	vst v18  }
0x8e: {  	v18 =	vmul.f32 v16, v9;
	v19 =	vadd.f32 v19, v39;
	[tilespmem:s22+$0xAD0] =	vst v20  }
0x8f: {  	v20 =	vmul.f32 v16, v10;
	v17 =	vadd.f32 v17, v40;
	[tilespmem:s22+$0xAE0] =	vst v21  }
0x90: {  	v18 =	vadd.f32 v18, v41;
	v21 =	vmul.f32 v16, v11;
	[tilespmem:s22+$0xAF0] =	vst v19  }
0x91: {  	v19 =	vadd.f32 v20, v42;
	v20 =	vmul.f32 v16, v12;
	[tilespmem:s22+$0xE80] =	vst v17  }
0x92: {  	v17 =	vmul.f32 v16, v13;
	v21 =	vadd.f32 v21, v43;
	[tilespmem:s22+$0xE90] =	vst v18  }
0x93: {  	v18 =	vmul.f32 v16, v14;
	v20 =	vadd.f32 v20, v44;
	[tilespmem:s22+$0xEA0] =	vst v19  }
0x94: {  	v16 =	vmul.f32 v16, v15;
	v17 =	vadd.f32 v17, v45;
	[tilespmem:s22+$0xEB0] =	vst v21  }
0x95: {  	v18 =	vadd.f32 v18, v46;
	[tilespmem:s22+$0xEC0] =	vst v20  }
0x96: {  	v16 =	vadd.f32 v16, v47;
	[tilespmem:s22+$0xED0] =	vst v17  }
0x97: {  	[tilespmem:s22+$0xEE0] =	vst v18  }
0x98: {  	[tilespmem:s22+$0xEF0] =	vst v16  }
0x99: {  	v16 =	vld [tilespmem:$0x480]  }
0x9a: {  	s21 =	sadd.s32 $0x14, s21  }
0x9b: {  	s31 =	sshll.u32 s21, $0x8;
	s21 =	sshll.u32 s21, $0x7  }
0x9c: {  	s21 =	sand.u32 $0x380, s21;
	s22 =	sand.u32 $0x1F800, s31  }
0x9d: {  	s21 =	sor.u32 s21, s22  }
0x9e: {  	[tilespmem:s21+$0xA80] =	vst v16  }
0x9f: {  	v16 =	vld [tilespmem:$0x490];
	_ =	sdelay $0x4  }
0xa0: {  	[tilespmem:s21+$0xA90] =	vst v16  }
0xa1: {  	v16 =	vld [tilespmem:$0x4A0];
	_ =	sdelay $0x4  }
0xa2: {  	[tilespmem:s21+$0xAA0] =	vst v16  }
0xa3: {  	v16 =	vld [tilespmem:$0x4B0];
	_ =	sdelay $0x4  }
0xa4: {  	[tilespmem:s21+$0xAB0] =	vst v16  }
0xa5: {  	v16 =	vld [tilespmem:$0x4C0];
	_ =	sdelay $0x4  }
0xa6: {  	[tilespmem:s21+$0xAC0] =	vst v16  }
0xa7: {  	v16 =	vld [tilespmem:$0x4D0];
	_ =	sdelay $0x4  }
0xa8: {  	[tilespmem:s21+$0xAD0] =	vst v16  }
0xa9: {  	v16 =	vld [tilespmem:$0x4E0];
	_ =	sdelay $0x4  }
0xaa: {  	[tilespmem:s21+$0xAE0] =	vst v16  }
0xab: {  	v16 =	vld [tilespmem:$0x4F0];
	_ =	sdelay $0x4  }
0xac: {  	[tilespmem:s21+$0xAF0] =	vst v16  }
0xad: {  	v16 =	vld [tilespmem:$0x880];
	_ =	sdelay $0x4  }
0xae: {  	[tilespmem:s21+$0xE80] =	vst v16  }
0xaf: {  	v16 =	vld [tilespmem:$0x890];
	_ =	sdelay $0x4  }
0xb0: {  	[tilespmem:s21+$0xE90] =	vst v16  }
0xb1: {  	v16 =	vld [tilespmem:$0x8A0];
	_ =	sdelay $0x4  }
0xb2: {  	[tilespmem:s21+$0xEA0] =	vst v16  }
0xb3: {  	v16 =	vld [tilespmem:$0x8B0];
	_ =	sdelay $0x4  }
0xb4: {  	[tilespmem:s21+$0xEB0] =	vst v16  }
0xb5: {  	v16 =	vld [tilespmem:$0x8C0];
	_ =	sdelay $0x4  }
0xb6: {  	[tilespmem:s21+$0xEC0] =	vst v16  }
0xb7: {  	v16 =	vld [tilespmem:$0x8D0];
	_ =	sdelay $0x4  }
0xb8: {  	[tilespmem:s21+$0xED0] =	vst v16  }
0xb9: {  	v16 =	vld [tilespmem:$0x8E0];
	_ =	sdelay $0x4  }
0xba: {  	s20 =	sadd.s32 $0x1, s20;
	[tilespmem:s21+$0xEE0] =	vst v16  }
0xbb: {  	p0 =	sne.s32 s20, $0x8;
	v16 =	vld [tilespmem:$0x8F0]  }
.Ltmp1:
0xbc: {  	_ = 	snop;
	(pc) =	sbr.rel @p0 .LBB2_3-.Ltmp1, $2  }
0xbd: {  	_ =	sdelay $0x2  }
0xbe: {  	s19 =	sadd.s32 $0xA80, s19;
	s17 =	sadd.s32 $0x1500, s17;
	s18 =	sadd.s32 $0x14, s18;
	[tilespmem:s21+$0xEF0] =	vst v16  }
0xbf: {  	s16 =	smul.u32 $0x28000, s16;
	_ =	sdelay $0x1  }
0xc0: {  	s16 =	sshrl.u32 s16, $0x3  }
0xc1: {  	s17 =	simm.s32 $0x0;
	s16 =	sadd.s32 s5, s16  }
0xc2: {  	[hbm4b:s16+s17] =	stream.linear.scatter [tilespmem:s13], [sflag:$0x1], $0xA800, $0x38;
	[tilespmem:$0xB280] =	vst v63  }
0xc3: {  	_ =	swait.ge [sflag:s10], $0xA800  }
0xc4: {  	s18 =	simm.s32 $0xA0;
	[sflag:s10] =	ssyncset.done $0x0  }
0xc5: {  	s19 =	simm.s32 $0x0;
	s20 =	simm.s32 $0x0;
	[sflag:s10] =	ssyncadd.s32 $0xFFFF5800  }
.LBB2_7:
0xc6: {  	s21 =	sadd.s32 $0x0, s18  }
0xc7: {  	v16 =	vld.msk [tilespmem:s21+$0x0 ss:$0x0], $0xffff;
	_ =	sdelay $0x4  }
0xc8: {  	v17 =	vmul.f32 v16, v0  }
0xc9: {  	v18 =	vmul.f32 v16, v1  }
0xca: {  	s31 =	sand.u32 $0x1F800, s17;
	s22 =	sand.u32 $0x380, s19;
	v19 =	vmul.f32 v16, v2;
	v17 =	vadd.f32 v17, v32  }
0xcb: {  	s22 =	sor.u32 s22, s31;
	v20 =	vmul.f32 v16, v3;
	v18 =	vadd.f32 v18, v33  }
0xcc: {  	v21 =	vmul.f32 v16, v4;
	v19 =	vadd.f32 v19, v34;
	[tilespmem:s22+$0xA80] =	vst v17  }
0xcd: {  	v17 =	vadd.f32 v20, v35;
	v20 =	vmul.f32 v16, v5;
	[tilespmem:s22+$0xA90] =	vst v18  }
0xce: {  	v18 =	vadd.f32 v21, v36;
	v21 =	vmul.f32 v16, v6;
	[tilespmem:s22+$0xAA0] =	vst v19  }
0xcf: {  	v19 =	vmul.f32 v16, v7;
	v20 =	vadd.f32 v20, v37;
	[tilespmem:s22+$0xAB0] =	vst v17  }
0xd0: {  	v17 =	vmul.f32 v16, v8;
	v21 =	vadd.f32 v21, v38;
	[tilespmem:s22+$0xAC0] =	vst v18  }
0xd1: {  	v18 =	vmul.f32 v16, v9;
	v19 =	vadd.f32 v19, v39;
	[tilespmem:s22+$0xAD0] =	vst v20  }
0xd2: {  	v20 =	vmul.f32 v16, v10;
	v17 =	vadd.f32 v17, v40;
	[tilespmem:s22+$0xAE0] =	vst v21  }
0xd3: {  	v18 =	vadd.f32 v18, v41;
	v21 =	vmul.f32 v16, v11;
	[tilespmem:s22+$0xAF0] =	vst v19  }
0xd4: {  	v19 =	vadd.f32 v20, v42;
	v20 =	vmul.f32 v16, v12;
	[tilespmem:s22+$0xE80] =	vst v17  }
0xd5: {  	v17 =	vmul.f32 v16, v13;
	v21 =	vadd.f32 v21, v43;
	[tilespmem:s22+$0xE90] =	vst v18  }
0xd6: {  	v18 =	vmul.f32 v16, v14;
	v20 =	vadd.f32 v20, v44;
	[tilespmem:s22+$0xEA0] =	vst v19  }
0xd7: {  	v16 =	vmul.f32 v16, v15;
	v17 =	vadd.f32 v17, v45;
	[tilespmem:s22+$0xEB0] =	vst v21  }
0xd8: {  	v18 =	vadd.f32 v18, v46;
	[tilespmem:s22+$0xEC0] =	vst v20  }
0xd9: {  	s26 =	simm.s32 $0x1;
	s25 =	simm.s32 $0x8;
	v16 =	vadd.f32 v16, v47;
	[tilespmem:s22+$0xED0] =	vst v17  }
0xda: {  	s23 =	smov.u32 s19;
	s24 =	smov.u32 s17;
	s21 =	smul.u32 $0x15, s20;
	[tilespmem:s22+$0xEE0] =	vst v18  }
.LBB2_8:
0xdb: {  	p0 =	sne.s32 s25, $0x4C;
	s26 =	sadd.s32 s26, s18;
	[tilespmem:s22+$0xEF0] =	vst v16  }
0xdc: {  	v16 =	vld.msk [tilespmem:s26+$0x0 ss:$0x0], $0xffff;
	_ =	sdelay $0x5  }
0xdd: {  	v17 =	vmul.f32 v16, v0;
	v18 =	vmul.f32 v16, v1  }
0xde: {  	s23 =	sadd.s32 $0x80, s23;
	s24 =	sadd.s32 $0x100, s24;
	v19 =	vmul.f32 v16, v2;
	v20 =	vmul.f32 v16, v3  }
0xdf: {  	s22 =	sand.u32 $0x1F800, s24;
	s26 =	sand.u32 $0x380, s23;
	v21 =	vmul.f32 v16, v4;
	v17 =	vadd.f32 v17, v32;
	v18 =	vadd.f32 v18, v33  }
0xe0: {  	s22 =	sor.u32 s26, s22;
	v22 =	vmul.f32 v16, v5;
	v19 =	vadd.f32 v19, v34;
	v20 =	vadd.f32 v20, v35  }
0xe1: {  	v23 =	vmul.f32 v16, v7;
	[tilespmem:s22+$0xA80] =	vst v17;
	v17 =	vadd.f32 v21, v36;
	v21 =	vmul.f32 v16, v6  }
0xe2: {  	v24 =	vmul.f32 v16, v9;
	[tilespmem:s22+$0xA90] =	vst v18;
	v18 =	vadd.f32 v22, v37;
	v22 =	vmul.f32 v16, v8  }
0xe3: {  	[tilespmem:s22+$0xAA0] =	vst v19;
	v19 =	vadd.f32 v21, v38;
	v21 =	vadd.f32 v23, v39;
	v23 =	vmul.f32 v16, v10  }
0xe4: {  	[tilespmem:s22+$0xAB0] =	vst v20;
	v20 =	vadd.f32 v22, v40;
	v22 =	vadd.f32 v24, v41;
	v24 =	vmul.f32 v16, v11  }
0xe5: {  	v25 =	vmul.f32 v16, v13;
	[tilespmem:s22+$0xAC0] =	vst v17;
	v17 =	vadd.f32 v23, v42;
	v23 =	vmul.f32 v16, v12  }
0xe6: {  	[tilespmem:s22+$0xAD0] =	vst v18;
	v18 =	vadd.f32 v24, v43;
	v24 =	vmul.f32 v16, v14;
	v16 =	vmul.f32 v16, v15  }
0xe7: {  	[tilespmem:s22+$0xAE0] =	vst v19;
	v19 =	vadd.f32 v23, v44;
	v23 =	vadd.f32 v25, v45  }
0xe8: {  	[tilespmem:s22+$0xAF0] =	vst v21;
	v21 =	vadd.f32 v24, v46;
	v16 =	vadd.f32 v16, v47  }
0xe9: {  	[tilespmem:s22+$0xE80] =	vst v20  }
0xea: {  	[tilespmem:s22+$0xE90] =	vst v22  }
.Ltmp2:
0xeb: {  	[tilespmem:s22+$0xEA0] =	vst v17;
	(pc) =	sbr.rel @p0 .LBB2_8-.Ltmp2, $4  }
0xec: {  	[tilespmem:s22+$0xEB0] =	vst v18  }
0xed: {  	[tilespmem:s22+$0xEC0] =	vst v19  }
0xee: {  	[tilespmem:s22+$0xED0] =	vst v23  }
0xef: {  	s26 =	sshra.s32 s25, $0x2;
	s25 =	sadd.s32 $0x4, s25;
	[tilespmem:s22+$0xEE0] =	vst v21  }
0xf0: {  	s25 =	sadd.s32 s26, s18;
	[tilespmem:s22+$0xEF0] =	vst v16  }
0xf1: {  	v16 =	vld.msk [tilespmem:s25+$0x0 ss:$0x0], $0xffff;
	_ =	sdelay $0x4  }
0xf2: {  	v17 =	vmul.f32 v16, v0  }
0xf3: {  	s29 =	sadd.s32 $0x80, s23;
	s30 =	sadd.s32 $0x100, s24;
	v18 =	vmul.f32 v16, v1  }
0xf4: {  	s23 =	sand.u32 $0x1F800, s30;
	s22 =	sand.u32 $0x380, s29;
	v19 =	vmul.f32 v16, v2;
	v17 =	vadd.f32 v17, v32  }
0xf5: {  	s22 =	sor.u32 s22, s23;
	v20 =	vmul.f32 v16, v3;
	v18 =	vadd.f32 v18, v33  }
0xf6: {  	v21 =	vmul.f32 v16, v4;
	v19 =	vadd.f32 v19, v34;
	[tilespmem:s22+$0xA80] =	vst v17  }
0xf7: {  	v17 =	vadd.f32 v20, v35;
	v20 =	vmul.f32 v16, v5;
	[tilespmem:s22+$0xA90] =	vst v18  }
0xf8: {  	v18 =	vadd.f32 v21, v36;
	v21 =	vmul.f32 v16, v6;
	[tilespmem:s22+$0xAA0] =	vst v19  }
0xf9: {  	v19 =	vmul.f32 v16, v7;
	v20 =	vadd.f32 v20, v37;
	[tilespmem:s22+$0xAB0] =	vst v17  }
0xfa: {  	v17 =	vmul.f32 v16, v8;
	v21 =	vadd.f32 v21, v38;
	[tilespmem:s22+$0xAC0] =	vst v18  }
0xfb: {  	v18 =	vmul.f32 v16, v9;
	v19 =	vadd.f32 v19, v39;
	[tilespmem:s22+$0xAD0] =	vst v20  }
0xfc: {  	v20 =	vmul.f32 v16, v10;
	v17 =	vadd.f32 v17, v40;
	[tilespmem:s22+$0xAE0] =	vst v21  }
0xfd: {  	v18 =	vadd.f32 v18, v41;
	v21 =	vmul.f32 v16, v11;
	[tilespmem:s22+$0xAF0] =	vst v19  }
0xfe: {  	v19 =	vadd.f32 v20, v42;
	v20 =	vmul.f32 v16, v12;
	[tilespmem:s22+$0xE80] =	vst v17  }
0xff: {  	v17 =	vmul.f32 v16, v13;
	v21 =	vadd.f32 v21, v43;
	[tilespmem:s22+$0xE90] =	vst v18  }
0x100: {  	v18 =	vmul.f32 v16, v14;
	v20 =	vadd.f32 v20, v44;
	[tilespmem:s22+$0xEA0] =	vst v19  }
0x101: {  	v16 =	vmul.f32 v16, v15;
	v17 =	vadd.f32 v17, v45;
	[tilespmem:s22+$0xEB0] =	vst v21  }
0x102: {  	v18 =	vadd.f32 v18, v46;
	[tilespmem:s22+$0xEC0] =	vst v20  }
0x103: {  	v16 =	vadd.f32 v16, v47;
	[tilespmem:s22+$0xED0] =	vst v17  }
0x104: {  	[tilespmem:s22+$0xEE0] =	vst v18  }
0x105: {  	[tilespmem:s22+$0xEF0] =	vst v16  }
0x106: {  	v16 =	vld [tilespmem:$0x480]  }
0x107: {  	s21 =	sadd.s32 $0x14, s21  }
0x108: {  	s31 =	sshll.u32 s21, $0x8;
	s21 =	sshll.u32 s21, $0x7  }
0x109: {  	s21 =	sand.u32 $0x380, s21;
	s22 =	sand.u32 $0x1F800, s31  }
0x10a: {  	s21 =	sor.u32 s21, s22  }
0x10b: {  	[tilespmem:s21+$0xA80] =	vst v16  }
0x10c: {  	v16 =	vld [tilespmem:$0x490];
	_ =	sdelay $0x4  }
0x10d: {  	[tilespmem:s21+$0xA90] =	vst v16  }
0x10e: {  	v16 =	vld [tilespmem:$0x4A0];
	_ =	sdelay $0x4  }
0x10f: {  	[tilespmem:s21+$0xAA0] =	vst v16  }
0x110: {  	v16 =	vld [tilespmem:$0x4B0];
	_ =	sdelay $0x4  }
0x111: {  	[tilespmem:s21+$0xAB0] =	vst v16  }
0x112: {  	v16 =	vld [tilespmem:$0x4C0];
	_ =	sdelay $0x4  }
0x113: {  	[tilespmem:s21+$0xAC0] =	vst v16  }
0x114: {  	v16 =	vld [tilespmem:$0x4D0];
	_ =	sdelay $0x4  }
0x115: {  	[tilespmem:s21+$0xAD0] =	vst v16  }
0x116: {  	v16 =	vld [tilespmem:$0x4E0];
	_ =	sdelay $0x4  }
0x117: {  	[tilespmem:s21+$0xAE0] =	vst v16  }
0x118: {  	v16 =	vld [tilespmem:$0x4F0];
	_ =	sdelay $0x4  }
0x119: {  	[tilespmem:s21+$0xAF0] =	vst v16  }
0x11a: {  	v16 =	vld [tilespmem:$0x880];
	_ =	sdelay $0x4  }
0x11b: {  	[tilespmem:s21+$0xE80] =	vst v16  }
0x11c: {  	v16 =	vld [tilespmem:$0x890];
	_ =	sdelay $0x4  }
0x11d: {  	[tilespmem:s21+$0xE90] =	vst v16  }
0x11e: {  	v16 =	vld [tilespmem:$0x8A0];
	_ =	sdelay $0x4  }
0x11f: {  	[tilespmem:s21+$0xEA0] =	vst v16  }
0x120: {  	v16 =	vld [tilespmem:$0x8B0];
	_ =	sdelay $0x4  }
0x121: {  	[tilespmem:s21+$0xEB0] =	vst v16  }
0x122: {  	v16 =	vld [tilespmem:$0x8C0];
	_ =	sdelay $0x4  }
0x123: {  	[tilespmem:s21+$0xEC0] =	vst v16  }
0x124: {  	v16 =	vld [tilespmem:$0x8D0];
	_ =	sdelay $0x4  }
0x125: {  	[tilespmem:s21+$0xED0] =	vst v16  }
0x126: {  	v16 =	vld [tilespmem:$0x8E0];
	_ =	sdelay $0x4  }
0x127: {  	s20 =	sadd.s32 $0x1, s20;
	[tilespmem:s21+$0xEE0] =	vst v16  }
0x128: {  	p0 =	sne.s32 s20, $0x8;
	v16 =	vld [tilespmem:$0x8F0]  }
.Ltmp3:
0x129: {  	_ = 	snop;
	(pc) =	sbr.rel @p0 .LBB2_7-.Ltmp3, $2  }
0x12a: {  	_ =	sdelay $0x2  }
0x12b: {  	s19 =	sadd.s32 $0xA80, s19;
	s17 =	sadd.s32 $0x1500, s17;
	s18 =	sadd.s32 $0x14, s18;
	[tilespmem:s21+$0xEF0] =	vst v16  }
0x12c: {  	s18 =	sadd.s32 $0x1500, s16;
	s17 =	simm.s32 $0x0  }
0x12d: {  	[hbm4b:s18+s17] =	stream.linear.scatter [tilespmem:s13], [sflag:$0x1], $0xA800, $0x38;
	[tilespmem:$0xB280] =	vst v63  }
0x12e: {  	_ =	swait.ge [sflag:s10], $0xA800  }
0x12f: {  	s19 =	simm.s32 $0x0;
	[sflag:s10] =	ssyncset.done $0x0  }
0x130: {  	s20 =	simm.s32 $0x0;
	s18 =	simm.s32 $0x140;
	[sflag:s10] =	ssyncadd.s32 $0xFFFF5800  }
.LBB2_11:
0x131: {  	s21 =	sadd.s32 $0x0, s18  }
0x132: {  	v16 =	vld.msk [tilespmem:s21+$0x0 ss:$0x0], $0xffff;
	_ =	sdelay $0x4  }
0x133: {  	v17 =	vmul.f32 v16, v0  }
0x134: {  	v18 =	vmul.f32 v16, v1  }
0x135: {  	s31 =	sand.u32 $0x1F800, s17;
	s22 =	sand.u32 $0x380, s19;
	v19 =	vmul.f32 v16, v2;
	v17 =	vadd.f32 v17, v32  }
0x136: {  	s22 =	sor.u32 s22, s31;
	v20 =	vmul.f32 v16, v3;
	v18 =	vadd.f32 v18, v33  }
0x137: {  	v21 =	vmul.f32 v16, v4;
	v19 =	vadd.f32 v19, v34;
	[tilespmem:s22+$0xA80] =	vst v17  }
0x138: {  	v17 =	vadd.f32 v20, v35;
	v20 =	vmul.f32 v16, v5;
	[tilespmem:s22+$0xA90] =	vst v18  }
0x139: {  	v18 =	vadd.f32 v21, v36;
	v21 =	vmul.f32 v16, v6;
	[tilespmem:s22+$0xAA0] =	vst v19  }
0x13a: {  	v19 =	vmul.f32 v16, v7;
	v20 =	vadd.f32 v20, v37;
	[tilespmem:s22+$0xAB0] =	vst v17  }
0x13b: {  	v17 =	vmul.f32 v16, v8;
	v21 =	vadd.f32 v21, v38;
	[tilespmem:s22+$0xAC0] =	vst v18  }
0x13c: {  	v18 =	vmul.f32 v16, v9;
	v19 =	vadd.f32 v19, v39;
	[tilespmem:s22+$0xAD0] =	vst v20  }
0x13d: {  	v20 =	vmul.f32 v16, v10;
	v17 =	vadd.f32 v17, v40;
	[tilespmem:s22+$0xAE0] =	vst v21  }
0x13e: {  	v18 =	vadd.f32 v18, v41;
	v21 =	vmul.f32 v16, v11;
	[tilespmem:s22+$0xAF0] =	vst v19  }
0x13f: {  	v19 =	vadd.f32 v20, v42;
	v20 =	vmul.f32 v16, v12;
	[tilespmem:s22+$0xE80] =	vst v17  }
0x140: {  	v17 =	vmul.f32 v16, v13;
	v21 =	vadd.f32 v21, v43;
	[tilespmem:s22+$0xE90] =	vst v18  }
0x141: {  	v18 =	vmul.f32 v16, v14;
	v20 =	vadd.f32 v20, v44;
	[tilespmem:s22+$0xEA0] =	vst v19  }
0x142: {  	v16 =	vmul.f32 v16, v15;
	v17 =	vadd.f32 v17, v45;
	[tilespmem:s22+$0xEB0] =	vst v21  }
0x143: {  	v18 =	vadd.f32 v18, v46;
	[tilespmem:s22+$0xEC0] =	vst v20  }
0x144: {  	s26 =	simm.s32 $0x1;
	s25 =	simm.s32 $0x8;
	v16 =	vadd.f32 v16, v47;
	[tilespmem:s22+$0xED0] =	vst v17  }
0x145: {  	s23 =	smov.u32 s19;
	s24 =	smov.u32 s17;
	s21 =	smul.u32 $0x15, s20;
	[tilespmem:s22+$0xEE0] =	vst v18  }
.LBB2_12:
0x146: {  	p0 =	sne.s32 s25, $0x4C;
	s26 =	sadd.s32 s26, s18;
	[tilespmem:s22+$0xEF0] =	vst v16  }
0x147: {  	v16 =	vld.msk [tilespmem:s26+$0x0 ss:$0x0], $0xffff;
	_ =	sdelay $0x5  }
0x148: {  	v17 =	vmul.f32 v16, v0;
	v18 =	vmul.f32 v16, v1  }
0x149: {  	s23 =	sadd.s32 $0x80, s23;
	s24 =	sadd.s32 $0x100, s24;
	v19 =	vmul.f32 v16, v2;
	v20 =	vmul.f32 v16, v3  }
0x14a: {  	s22 =	sand.u32 $0x1F800, s24;
	s26 =	sand.u32 $0x380, s23;
	v21 =	vmul.f32 v16, v4;
	v17 =	vadd.f32 v17, v32;
	v18 =	vadd.f32 v18, v33  }
0x14b: {  	s22 =	sor.u32 s26, s22;
	v22 =	vmul.f32 v16, v5;
	v19 =	vadd.f32 v19, v34;
	v20 =	vadd.f32 v20, v35  }
0x14c: {  	v23 =	vmul.f32 v16, v7;
	[tilespmem:s22+$0xA80] =	vst v17;
	v17 =	vadd.f32 v21, v36;
	v21 =	vmul.f32 v16, v6  }
0x14d: {  	v24 =	vmul.f32 v16, v9;
	[tilespmem:s22+$0xA90] =	vst v18;
	v18 =	vadd.f32 v22, v37;
	v22 =	vmul.f32 v16, v8  }
0x14e: {  	[tilespmem:s22+$0xAA0] =	vst v19;
	v19 =	vadd.f32 v21, v38;
	v21 =	vadd.f32 v23, v39;
	v23 =	vmul.f32 v16, v10  }
0x14f: {  	[tilespmem:s22+$0xAB0] =	vst v20;
	v20 =	vadd.f32 v22, v40;
	v22 =	vadd.f32 v24, v41;
	v24 =	vmul.f32 v16, v11  }
0x150: {  	v25 =	vmul.f32 v16, v13;
	[tilespmem:s22+$0xAC0] =	vst v17;
	v17 =	vadd.f32 v23, v42;
	v23 =	vmul.f32 v16, v12  }
0x151: {  	[tilespmem:s22+$0xAD0] =	vst v18;
	v18 =	vadd.f32 v24, v43;
	v24 =	vmul.f32 v16, v14;
	v16 =	vmul.f32 v16, v15  }
0x152: {  	[tilespmem:s22+$0xAE0] =	vst v19;
	v19 =	vadd.f32 v23, v44;
	v23 =	vadd.f32 v25, v45  }
0x153: {  	[tilespmem:s22+$0xAF0] =	vst v21;
	v21 =	vadd.f32 v24, v46;
	v16 =	vadd.f32 v16, v47  }
0x154: {  	[tilespmem:s22+$0xE80] =	vst v20  }
0x155: {  	[tilespmem:s22+$0xE90] =	vst v22  }
.Ltmp4:
0x156: {  	[tilespmem:s22+$0xEA0] =	vst v17;
	(pc) =	sbr.rel @p0 .LBB2_12-.Ltmp4, $4  }
0x157: {  	[tilespmem:s22+$0xEB0] =	vst v18  }
0x158: {  	[tilespmem:s22+$0xEC0] =	vst v19  }
0x159: {  	[tilespmem:s22+$0xED0] =	vst v23  }
0x15a: {  	s26 =	sshra.s32 s25, $0x2;
	s25 =	sadd.s32 $0x4, s25;
	[tilespmem:s22+$0xEE0] =	vst v21  }
0x15b: {  	s25 =	sadd.s32 s26, s18;
	[tilespmem:s22+$0xEF0] =	vst v16  }
0x15c: {  	v16 =	vld.msk [tilespmem:s25+$0x0 ss:$0x0], $0xffff;
	_ =	sdelay $0x4  }
0x15d: {  	v17 =	vmul.f32 v16, v0  }
0x15e: {  	s29 =	sadd.s32 $0x80, s23;
	s30 =	sadd.s32 $0x100, s24;
	v18 =	vmul.f32 v16, v1  }
0x15f: {  	s23 =	sand.u32 $0x1F800, s30;
	s22 =	sand.u32 $0x380, s29;
	v19 =	vmul.f32 v16, v2;
	v17 =	vadd.f32 v17, v32  }
0x160: {  	s22 =	sor.u32 s22, s23;
	v20 =	vmul.f32 v16, v3;
	v18 =	vadd.f32 v18, v33  }
0x161: {  	v21 =	vmul.f32 v16, v4;
	v19 =	vadd.f32 v19, v34;
	[tilespmem:s22+$0xA80] =	vst v17  }
0x162: {  	v17 =	vadd.f32 v20, v35;
	v20 =	vmul.f32 v16, v5;
	[tilespmem:s22+$0xA90] =	vst v18  }
0x163: {  	v18 =	vadd.f32 v21, v36;
	v21 =	vmul.f32 v16, v6;
	[tilespmem:s22+$0xAA0] =	vst v19  }
0x164: {  	v19 =	vmul.f32 v16, v7;
	v20 =	vadd.f32 v20, v37;
	[tilespmem:s22+$0xAB0] =	vst v17  }
0x165: {  	v17 =	vmul.f32 v16, v8;
	v21 =	vadd.f32 v21, v38;
	[tilespmem:s22+$0xAC0] =	vst v18  }
0x166: {  	v18 =	vmul.f32 v16, v9;
	v19 =	vadd.f32 v19, v39;
	[tilespmem:s22+$0xAD0] =	vst v20  }
0x167: {  	v20 =	vmul.f32 v16, v10;
	v17 =	vadd.f32 v17, v40;
	[tilespmem:s22+$0xAE0] =	vst v21  }
0x168: {  	v18 =	vadd.f32 v18, v41;
	v21 =	vmul.f32 v16, v11;
	[tilespmem:s22+$0xAF0] =	vst v19  }
0x169: {  	v19 =	vadd.f32 v20, v42;
	v20 =	vmul.f32 v16, v12;
	[tilespmem:s22+$0xE80] =	vst v17  }
0x16a: {  	v17 =	vmul.f32 v16, v13;
	v21 =	vadd.f32 v21, v43;
	[tilespmem:s22+$0xE90] =	vst v18  }
0x16b: {  	v18 =	vmul.f32 v16, v14;
	v20 =	vadd.f32 v20, v44;
	[tilespmem:s22+$0xEA0] =	vst v19  }
0x16c: {  	v16 =	vmul.f32 v16, v15;
	v17 =	vadd.f32 v17, v45;
	[tilespmem:s22+$0xEB0] =	vst v21  }
0x16d: {  	v18 =	vadd.f32 v18, v46;
	[tilespmem:s22+$0xEC0] =	vst v20  }
0x16e: {  	v16 =	vadd.f32 v16, v47;
	[tilespmem:s22+$0xED0] =	vst v17  }
0x16f: {  	[tilespmem:s22+$0xEE0] =	vst v18  }
0x170: {  	[tilespmem:s22+$0xEF0] =	vst v16  }
0x171: {  	v16 =	vld [tilespmem:$0x480]  }
0x172: {  	s21 =	sadd.s32 $0x14, s21  }
0x173: {  	s31 =	sshll.u32 s21, $0x8;
	s21 =	sshll.u32 s21, $0x7  }
0x174: {  	s21 =	sand.u32 $0x380, s21;
	s22 =	sand.u32 $0x1F800, s31  }
0x175: {  	s21 =	sor.u32 s21, s22  }
0x176: {  	[tilespmem:s21+$0xA80] =	vst v16  }
0x177: {  	v16 =	vld [tilespmem:$0x490];
	_ =	sdelay $0x4  }
0x178: {  	[tilespmem:s21+$0xA90] =	vst v16  }
0x179: {  	v16 =	vld [tilespmem:$0x4A0];
	_ =	sdelay $0x4  }
0x17a: {  	[tilespmem:s21+$0xAA0] =	vst v16  }
0x17b: {  	v16 =	vld [tilespmem:$0x4B0];
	_ =	sdelay $0x4  }
0x17c: {  	[tilespmem:s21+$0xAB0] =	vst v16  }
0x17d: {  	v16 =	vld [tilespmem:$0x4C0];
	_ =	sdelay $0x4  }
0x17e: {  	[tilespmem:s21+$0xAC0] =	vst v16  }
0x17f: {  	v16 =	vld [tilespmem:$0x4D0];
	_ =	sdelay $0x4  }
0x180: {  	[tilespmem:s21+$0xAD0] =	vst v16  }
0x181: {  	v16 =	vld [tilespmem:$0x4E0];
	_ =	sdelay $0x4  }
0x182: {  	[tilespmem:s21+$0xAE0] =	vst v16  }
0x183: {  	v16 =	vld [tilespmem:$0x4F0];
	_ =	sdelay $0x4  }
0x184: {  	[tilespmem:s21+$0xAF0] =	vst v16  }
0x185: {  	v16 =	vld [tilespmem:$0x880];
	_ =	sdelay $0x4  }
0x186: {  	[tilespmem:s21+$0xE80] =	vst v16  }
0x187: {  	v16 =	vld [tilespmem:$0x890];
	_ =	sdelay $0x4  }
0x188: {  	[tilespmem:s21+$0xE90] =	vst v16  }
0x189: {  	v16 =	vld [tilespmem:$0x8A0];
	_ =	sdelay $0x4  }
0x18a: {  	[tilespmem:s21+$0xEA0] =	vst v16  }
0x18b: {  	v16 =	vld [tilespmem:$0x8B0];
	_ =	sdelay $0x4  }
0x18c: {  	[tilespmem:s21+$0xEB0] =	vst v16  }
0x18d: {  	v16 =	vld [tilespmem:$0x8C0];
	_ =	sdelay $0x4  }
0x18e: {  	[tilespmem:s21+$0xEC0] =	vst v16  }
0x18f: {  	v16 =	vld [tilespmem:$0x8D0];
	_ =	sdelay $0x4  }
0x190: {  	[tilespmem:s21+$0xED0] =	vst v16  }
0x191: {  	v16 =	vld [tilespmem:$0x8E0];
	_ =	sdelay $0x4  }
0x192: {  	s20 =	sadd.s32 $0x1, s20;
	[tilespmem:s21+$0xEE0] =	vst v16  }
0x193: {  	p0 =	sne.s32 s20, $0x8;
	v16 =	vld [tilespmem:$0x8F0]  }
.Ltmp5:
0x194: {  	_ = 	snop;
	(pc) =	sbr.rel @p0 .LBB2_11-.Ltmp5, $2  }
0x195: {  	_ =	sdelay $0x2  }
0x196: {  	s19 =	sadd.s32 $0xA80, s19;
	s17 =	sadd.s32 $0x1500, s17;
	s18 =	sadd.s32 $0x14, s18;
	[tilespmem:s21+$0xEF0] =	vst v16  }
0x197: {  	v16 =	vld [tilespmem:$0x500]  }
0x198: {  	v17 =	vld [tilespmem:$0x510]  }
0x199: {  	v18 =	vld [tilespmem:$0x520]  }
0x19a: {  	v19 =	vld [tilespmem:$0x530]  }
0x19b: {  	v20 =	vld [tilespmem:$0x540]  }
0x19c: {  	[tilespmem:$0xAE00] =	vst v16;
	v16 =	vld [tilespmem:$0x550]  }
0x19d: {  	[tilespmem:$0xAE10] =	vst v17;
	v17 =	vld [tilespmem:$0x560]  }
0x19e: {  	[tilespmem:$0xAE20] =	vst v18;
	v18 =	vld [tilespmem:$0x570]  }
0x19f: {  	[tilespmem:$0xAE30] =	vst v19;
	v19 =	vld [tilespmem:$0x900]  }
0x1a0: {  	[tilespmem:$0xAE40] =	vst v20;
	v20 =	vld [tilespmem:$0x910]  }
0x1a1: {  	[tilespmem:$0xAE50] =	vst v16;
	v16 =	vld [tilespmem:$0x920]  }
0x1a2: {  	[tilespmem:$0xAE60] =	vst v17;
	v17 =	vld [tilespmem:$0x930]  }
0x1a3: {  	[tilespmem:$0xAE70] =	vst v18;
	v18 =	vld [tilespmem:$0x940]  }
0x1a4: {  	[tilespmem:$0xB200] =	vst v19;
	v19 =	vld [tilespmem:$0x950]  }
0x1a5: {  	[tilespmem:$0xB210] =	vst v20;
	v20 =	vld [tilespmem:$0x960]  }
0x1a6: {  	[tilespmem:$0xB220] =	vst v16;
	v16 =	vld [tilespmem:$0x970]  }
0x1a7: {  	[tilespmem:$0xB230] =	vst v17  }
0x1a8: {  	[tilespmem:$0xB240] =	vst v18  }
0x1a9: {  	[tilespmem:$0xB250] =	vst v19  }
0x1aa: {  	[tilespmem:$0xB260] =	vst v20  }
0x1ab: {  	s18 =	sadd.s32 $0x2A00, s16;
	s17 =	simm.s32 $0x0;
	[tilespmem:$0xB270] =	vst v16  }
0x1ac: {  	[hbm4b:s18+s17] =	stream.linear.scatter [tilespmem:s13], [sflag:$0x1], $0xA800, $0x38;
	[tilespmem:$0xB280] =	vst v63  }
0x1ad: {  	_ =	swait.ge [sflag:s10], $0xA800  }
0x1ae: {  	v22 =	vld [tilespmem:$0x1FF80]  }
0x1af: {  	v23 =	vld [tilespmem:$0x1FF60]  }
0x1b0: {  	v24 =	vld [tilespmem:$0x1FF90]  }
0x1b1: {  	s19 =	simm.s32 $0x1E0;
	s20 =	simm.s32 $0x0;
	[sflag:s10] =	ssyncset.done $0x0;
	v25 =	vld [tilespmem:$0x1FF70]  }
0x1b2: {  	s21 =	simm.s32 $0x0;
	s18 =	simm.s32 $0xF;
	v21 =	vld [tilespmem:$0x1FF50];
	[sflag:s10] =	ssyncadd.s32 $0xFFFF5800  }
.LBB2_15:
0x1b3: {  	s22 =	sadd.s32 $0xFFFFFFFF, s21  }
0x1b4: {  	s22 =	smul.u32 s21, s22;
	_ =	sdelay $0x1  }
0x1b5: {  	s23 =	sand.u32 $0x8000, s22  }
0x1b6: {  	s23 =	sshrl.u32 s23, $0xF  }
0x1b7: {  	s22 =	sadd.s32 s23, s22  }
0x1b8: {  	s22 =	sshll.u32 s22, $0x10  }
0x1b9: {  	p1 =	sne.s32 s18, $0x1;
	s30 =	sshra.s32 s22, $0x11  }
.Ltmp6:
0x1ba: {  	s22 =	sshll.u32 s30, $0x2;
	(pc) =	sbr.rel @!p1 .LBB2_16-.Ltmp6, $4  }
0x1bb: {  	s25 =	ssub.s32 $0x0, s22  }
0x1bc: {  	s24 =	sshll.u32 s30, $0x7;
	s31 =	sshra.s32 s25, $0x2  }
0x1bd: {  	s23 =	sshll.u32 s30, $0x8;
	s22 =	ssub.s32 s20, s24;
	s24 =	sadd.s32 s31, s19  }
0x1be: {  	s18 =	sadd.s32 $0xFFFFFFFF, s18;
	p0 =	por $0x0, $0x0;
	s23 =	ssub.s32 s17, s23;
	v16 =	vld.msk [tilespmem:s24+$0x0 ss:$0x0], $0xffff  }
0x1bf: {  	_ =	sdelay $0x2  }
0x1c0: {  	v0 =	vmov v28  }
0x1c1: {  	v28 =	vmovc v26;
	v26 =	vmovc v29;
	v29 =	vmov v27;
	v17 =	vmul.f32 v16, v22;
	v18 =	vmul.f32 v16, v23  }
0x1c2: {  	v27 =	vmovc v63;
	v63 =	vmovc v62;
	v62 =	vmov v61;
	v61 =	vmov v60;
	v19 =	vmul.f32 v16, v24  }
0x1c3: {  	v60 =	vmovc v58;
	v20 =	vmul.f32 v16, v25;
	v17 =	vadd.f32 v17, v57;
	v18 =	vadd.f32 v18, v58  }
0x1c4: {  	s25 =	sand.u32 $0xFFFFF800, s23;
	s26 =	sand.u32 $0x380, s22;
	v58 =	vmovc v57;
	v57 =	vmovc v56;
	v56 =	vmov v55;
	v55 =	vmov v54;
	v54 =	vmov v53  }
0x1c5: {  	s25 =	sor.u32 s26, s25;
	v53 =	vmovc v52;
	v52 =	vmovc v51;
	v51 =	vmov v50;
	v50 =	vmov v48;
	v48 =	vmov v31  }
0x1c6: {  	v31 =	vmovc v30;
	v30 =	vmov v21;
	v21 =	vmul.f32 v16, v21;
	v19 =	vadd.f32 v19, v59;
	[tilespmem:s25+$0xA80] =	vst v17  }
0x1c7: {  	v17 =	vadd.f32 v20, v61;
	v20 =	vmul.f32 v16, v31;
	[tilespmem:s25+$0xA90] =	vst v18  }
0x1c8: {  	v18 =	vadd.f32 v21, v62;
	v21 =	vmul.f32 v16, v48;
	[tilespmem:s25+$0xAA0] =	vst v19  }
0x1c9: {  	v19 =	vmul.f32 v16, v50;
	v20 =	vadd.f32 v20, v63;
	[tilespmem:s25+$0xAB0] =	vst v17  }
0x1ca: {  	v1 =	vld [tilespmem:$0x1FF00];
	v17 =	vmul.f32 v16, v49;
	v21 =	vadd.f32 v21, v27;
	[tilespmem:s25+$0xAC0] =	vst v18  }
0x1cb: {  	v2 =	vld [tilespmem:$0x1FF10];
	v18 =	vmul.f32 v16, v51;
	v19 =	vadd.f32 v19, v29;
	[tilespmem:s25+$0xAD0] =	vst v20  }
0x1cc: {  	v3 =	vld [tilespmem:$0x1FF20];
	v20 =	vmul.f32 v16, v52;
	v17 =	vadd.f32 v17, v26;
	[tilespmem:s25+$0xAE0] =	vst v21  }
0x1cd: {  	v4 =	vld [tilespmem:$0x1FF30];
	v18 =	vadd.f32 v18, v28;
	v21 =	vmul.f32 v16, v53;
	[tilespmem:s25+$0xAF0] =	vst v19  }
0x1ce: {  	v5 =	vld [tilespmem:$0x1FF40];
	v19 =	vadd.f32 v20, v0;
	v20 =	vmul.f32 v16, v54;
	[tilespmem:s25+$0xE80] =	vst v17  }
0x1cf: {  	v17 =	vmul.f32 v16, v55;
	v21 =	vadd.f32 v21, v1;
	[tilespmem:s25+$0xE90] =	vst v18  }
0x1d0: {  	v18 =	vmul.f32 v16, v56;
	v20 =	vadd.f32 v20, v2;
	[tilespmem:s25+$0xEA0] =	vst v19  }
0x1d1: {  	p1 =	sne.s32 s18, $0x1;
	v16 =	vmul.f32 v16, v57;
	v17 =	vadd.f32 v17, v3;
	[tilespmem:s25+$0xEB0] =	vst v21  }
.Ltmp7:
0x1d2: {  	v18 =	vadd.f32 v18, v4;
	[tilespmem:s25+$0xEC0] =	vst v20;
	(pc) =	sbr.rel @!p1 .LBB2_18-.Ltmp7, $4  }
0x1d3: {  	v16 =	vadd.f32 v16, v5;
	[tilespmem:s25+$0xED0] =	vst v17  }
0x1d4: {  	[tilespmem:s25+$0xEE0] =	vst v18  }
0x1d5: {  	s28 =	sadd.s32 $0xFFFFFFFF, s18;
	s26 =	sadd.s32 $0x1, s24;
	[tilespmem:s25+$0xEF0] =	vst v16  }
0x1d6: {  	p0 =	por $0x1, $0x1;
	s24 =	smov.u32 s22;
	s25 =	smov.u32 s23;
	v16 =	vld.msk [tilespmem:s26+$0x0 ss:$0x0], $0xffff  }
.LBB2_19:
0x1d7: {  	_ =	sdelay $0x3  }
0x1d8: {  	v17 =	vmul.f32 v16, v22  }
0x1d9: {  	s24 =	sadd.s32 $0x80, s24;
	s25 =	sadd.s32 $0x100, s25;
	v18 =	vmul.f32 v16, v23  }
0x1da: {  	s29 =	sand.u32 $0xFFFFF800, s25;
	s30 =	sand.u32 $0x380, s24;
	v19 =	vmul.f32 v16, v24;
	v17 =	vadd.f32 v17, v58  }
0x1db: {  	s29 =	sor.u32 s30, s29;
	v20 =	vmul.f32 v16, v25;
	v18 =	vadd.f32 v18, v60  }
0x1dc: {  	v21 =	vmul.f32 v16, v30;
	v19 =	vadd.f32 v19, v59;
	[tilespmem:s29+$0xA80] =	vst v17  }
0x1dd: {  	v22 =	vmul.f32 v16, v31;
	v20 =	vadd.f32 v20, v61;
	[tilespmem:s29+$0xA90] =	vst v18  }
0x1de: {  	v17 =	vadd.f32 v21, v62;
	v21 =	vmul.f32 v16, v48;
	[tilespmem:s29+$0xAA0] =	vst v19  }
0x1df: {  	v23 =	vmul.f32 v16, v50;
	v18 =	vadd.f32 v22, v63;
	[tilespmem:s29+$0xAB0] =	vst v20  }
0x1e0: {  	v22 =	vmul.f32 v16, v49;
	v19 =	vadd.f32 v21, v27;
	[tilespmem:s29+$0xAC0] =	vst v17  }
0x1e1: {  	v24 =	vmul.f32 v16, v51;
	v21 =	vadd.f32 v23, v29;
	[tilespmem:s29+$0xAD0] =	vst v18  }
0x1e2: {  	v23 =	vmul.f32 v16, v52;
	v20 =	vadd.f32 v22, v26;
	[tilespmem:s29+$0xAE0] =	vst v19  }
0x1e3: {  	v22 =	vadd.f32 v24, v28;
	v24 =	vmul.f32 v16, v53;
	[tilespmem:s29+$0xAF0] =	vst v21  }
0x1e4: {  	v17 =	vadd.f32 v23, v0;
	v23 =	vmul.f32 v16, v54;
	[tilespmem:s29+$0xE80] =	vst v20  }
0x1e5: {  	v25 =	vmul.f32 v16, v55;
	v18 =	vadd.f32 v24, v1;
	[tilespmem:s29+$0xE90] =	vst v22  }
0x1e6: {  	v24 =	vmul.f32 v16, v56;
	v19 =	vadd.f32 v23, v2;
	[tilespmem:s29+$0xEA0] =	vst v17  }
0x1e7: {  	p1 =	sne.s32 s28, $0x1;
	v16 =	vmul.f32 v16, v57;
	v23 =	vadd.f32 v25, v3;
	[tilespmem:s29+$0xEB0] =	vst v18  }
.Ltmp8:
0x1e8: {  	v22 =	vld [tilespmem:$0x1FF80];
	v21 =	vadd.f32 v24, v4;
	[tilespmem:s29+$0xEC0] =	vst v19;
	(pc) =	sbr.rel @p1 .LBB2_19-.Ltmp8, $4  }
0x1e9: {  	v25 =	vld [tilespmem:$0x1FF70];
	v16 =	vadd.f32 v16, v5;
	[tilespmem:s29+$0xED0] =	vst v23  }
0x1ea: {  	v24 =	vld [tilespmem:$0x1FF90];
	[tilespmem:s29+$0xEE0] =	vst v21  }
0x1eb: {  	s26 =	sadd.s32 $0x1, s26;
	v23 =	vld [tilespmem:$0x1FF60];
	[tilespmem:s29+$0xEF0] =	vst v16  }
0x1ec: {  	s28 =	sadd.s32 $0xFFFFFFFF, s28;
	v16 =	vld.msk [tilespmem:s26+$0x0 ss:$0x0], $0xffff  }
0x1ed: {  	v30 =	vmovc v31;
	v31 =	vmovc v48;
	v48 =	vmov v50;
	v50 =	vmov v51;
	v51 =	vmov v52  }
0x1ee: {  	v52 =	vmovc v53;
	v53 =	vmovc v54;
	v54 =	vmov v55;
	v55 =	vmov v56;
	v56 =	vmov v57  }
0x1ef: {  	v57 =	vmovc v58;
	v58 =	vmovc v60;
	v60 =	vmov v61;
	v61 =	vmov v62;
	v62 =	vmov v63  }
0x1f0: {  	v63 =	vmovc v27;
	v27 =	vmovc v29;
	v29 =	vmov v26;
	v26 =	vmov v28;
	v28 =	vmov v0;
	v0 =	vld [tilespmem:$0x1FFA0]  }
0x1f1: {  	v2 =	vld [tilespmem:$0x1FFC0]  }
0x1f2: {  	v3 =	vld [tilespmem:$0x1FFD0]  }
0x1f3: {  	v4 =	vld [tilespmem:$0x1FFE0]  }
0x1f4: {  	v5 =	vld [tilespmem:$0x1FFF0]  }
.LBB2_21:
0x1f5: {  	v21 =	vld [tilespmem:$0x1FF50];
	_ =	sdelay $0x2  }
0x1f6: {  	s24 =	sadd.s32 @p0 $0x80, s24;
	s25 =	sadd.s32 @p0 $0x100, s25;
	v18 =	vmul.f32 v16, v23  }
0x1f7: {  	s23 =	smov.u32 @p0 s25;
	s22 =	smov.u32 @p0 s24  }
0x1f8: {  	s23 =	sand.u32 $0xFFFFF800, s23;
	s22 =	sand.u32 $0x380, s22;
	v18 =	vadd.f32 v18, v58;
	v21 =	vmul.f32 v16, v21  }
0x1f9: {  	v17 =	vmul.f32 v16, v22;
	s22 =	sor.u32 s22, s23  }
0x1fa: {  	[tilespmem:s22+$0xA90] =	vst v18;
	v18 =	vadd.f32 v21, v61;
	v21 =	vmul.f32 v16, v31  }
0x1fb: {  	v19 =	vmul.f32 v16, v24;
	v20 =	vmul.f32 v16, v25;
	v1 =	vld [tilespmem:$0x1FF00];
	v17 =	vadd.f32 v17, v57  }
0x1fc: {  	v21 =	vadd.f32 v21, v63  }
0x1fd: {  	v19 =	vadd.f32 v19, v59;
	[tilespmem:s22+$0xA80] =	vst v17;
	v17 =	vadd.f32 v20, v60;
	v20 =	vmul.f32 v16, v30  }
0x1fe: {  	[tilespmem:s22+$0xAE0] =	vst v21;
	v21 =	vmul.f32 v16, v52  }
0x1ff: {  	[tilespmem:s22+$0xAA0] =	vst v19;
	v19 =	vmul.f32 v16, v48;
	v20 =	vadd.f32 v20, v62  }
0x200: {  	v21 =	vadd.f32 v21, v1;
	v1 =	vld [tilespmem:$0x1FF10]  }
0x201: {  	v19 =	vadd.f32 v19, v27;
	[tilespmem:s22+$0xAD0] =	vst v20;
	v20 =	vmul.f32 v16, v51;
	_ =	sdelay $0x1  }
0x202: {  	[tilespmem:s22+$0xAF0] =	vst v19;
	v19 =	vadd.f32 v20, v28;
	v20 =	vmul.f32 v16, v53  }
0x203: {  	[tilespmem:s22+$0xAB0] =	vst v17;
	v17 =	vmul.f32 v16, v49  }
0x204: {  	v20 =	vadd.f32 v20, v1;
	v1 =	vld [tilespmem:$0x1FF20]  }
0x205: {  	v17 =	vadd.f32 v17, v29;
	_ =	sdelay $0x1  }
0x206: {  	[tilespmem:s22+$0xE80] =	vst v17;
	v17 =	vmul.f32 v16, v54  }
0x207: {  	[tilespmem:s22+$0xAC0] =	vst v18;
	v18 =	vmul.f32 v16, v50  }
0x208: {  	v17 =	vadd.f32 v17, v1;
	v1 =	vld [tilespmem:$0x1FF30]  }
0x209: {  	v18 =	vadd.f32 v18, v26;
	_ =	sdelay $0x1  }
0x20a: {  	[tilespmem:s22+$0xE90] =	vst v18;
	v18 =	vmul.f32 v16, v55;
	_ =	sdelay $0x1  }
0x20b: {  	v18 =	vadd.f32 v18, v1;
	v1 =	vld [tilespmem:$0x1FF40]  }
0x20c: {  	s21 =	sadd.s32 $0x1, s21  }
0x20d: {  	p0 =	sne.s32 s21, $0xF;
	[tilespmem:s22+$0xEA0] =	vst v19  }
.Ltmp9:
0x20e: {  	v16 =	vmul.f32 v16, v56;
	[tilespmem:s22+$0xEB0] =	vst v21;
	(pc) =	sbr.rel @p0 .LBB2_15-.Ltmp9, $4  }
.Ltmp10:
0x20f: {  	[tilespmem:s22+$0xEC0] =	vst v20;
	(pc) =	sbr.rel @!p0 .LBB2_22-.Ltmp10, $4  }
0x210: {  	[tilespmem:s22+$0xED0] =	vst v17;
	v16 =	vadd.f32 v16, v1  }
0x211: {  	[tilespmem:s22+$0xEE0] =	vst v18  }
0x212: {  	s20 =	sadd.s32 $0x800, s20;
	s17 =	sadd.s32 $0x1000, s17;
	s19 =	sadd.s32 $0xF, s19;
	v21 =	vld [tilespmem:$0x1FF50];
	[tilespmem:s22+$0xEF0] =	vst v16  }
0x213: {  	_ = 	snop  }
.LBB2_16:
.Ltmp11:
0x214: {  	(pc) =	sbr.rel .LBB2_21-.Ltmp11, $2  }
0x215: {  	_ =	sdelay $0x2  }
0x216: {  	s24 =	smov.u32 s22;
	s25 =	smov.u32 s23  }
.LBB2_18:
0x217: {  	v30 =	vmovc v31;
	v31 =	vmovc v48;
	v48 =	vmov v50;
	v50 =	vmov v51;
	v51 =	vmov v52  }
0x218: {  	v52 =	vmovc v53;
	v53 =	vmovc v54;
	v54 =	vmov v55;
	v55 =	vmov v56;
	v56 =	vmov v57  }
0x219: {  	v57 =	vmovc v58;
	v58 =	vmovc v60;
	v60 =	vmov v61;
	v61 =	vmov v62;
	v62 =	vmov v63  }
.Ltmp12:
0x21a: {  	v63 =	vmovc v27;
	v27 =	vmovc v29;
	v29 =	vmov v26;
	v26 =	vmov v28;
	v28 =	vmov v0;
	v0 =	vld [tilespmem:$0x1FFA0];
	(pc) =	sbr.rel .LBB2_21-.Ltmp12, $4  }
0x21b: {  	v2 =	vld [tilespmem:$0x1FFC0]  }
0x21c: {  	v3 =	vld [tilespmem:$0x1FFD0]  }
0x21d: {  	v4 =	vld [tilespmem:$0x1FFE0]  }
0x21e: {  	s24 =	smov.u32 s22;
	s25 =	smov.u32 s23;
	v5 =	vld [tilespmem:$0x1FFF0]  }
.LBB2_22:
0x21f: {  	s17 =	simm.s32 $0x0;
	s18 =	simm.s32 $0x1  }
0x220: {  	s17 =	smul.u32 s17, s18  }
0x221: {  	s19 =	simm.s32 $0x0;
	v16 =	vld [tilespmem:$0x580]  }
0x222: {  	s19 =	sand.u32 $0xFFFFFF00, s19;
	s17 =	sxor.u32 $0xFFFFFFFF, s17  }
0x223: {  	s19 =	ssub.s32 $0xF00, s19;
	s17 =	sshll.u32 s17, $0x6  }
0x224: {  	s19 =	sand.u32 $0xFFFFF800, s19;
	s17 =	sand.u32 $0x380, s17  }
0x225: {  	s19 =	sor.u32 s17, s19  }
0x226: {  	[tilespmem:s19+$0xA80] =	vst v16  }
0x227: {  	v16 =	vld [tilespmem:$0x590];
	_ =	sdelay $0x4  }
0x228: {  	[tilespmem:s19+$0xA90] =	vst v16  }
0x229: {  	v16 =	vld [tilespmem:$0x5A0];
	_ =	sdelay $0x4  }
0x22a: {  	[tilespmem:s19+$0xAA0] =	vst v16  }
0x22b: {  	v16 =	vld [tilespmem:$0x5B0];
	_ =	sdelay $0x4  }
0x22c: {  	[tilespmem:s19+$0xAB0] =	vst v16  }
0x22d: {  	v16 =	vld [tilespmem:$0x5C0];
	_ =	sdelay $0x4  }
0x22e: {  	[tilespmem:s19+$0xAC0] =	vst v16  }
0x22f: {  	v16 =	vld [tilespmem:$0x5D0];
	_ =	sdelay $0x4  }
0x230: {  	[tilespmem:s19+$0xAD0] =	vst v16  }
0x231: {  	v16 =	vld [tilespmem:$0x5E0];
	_ =	sdelay $0x4  }
0x232: {  	[tilespmem:s19+$0xAE0] =	vst v16  }
0x233: {  	v16 =	vld [tilespmem:$0x5F0];
	_ =	sdelay $0x4  }
0x234: {  	[tilespmem:s19+$0xAF0] =	vst v16  }
0x235: {  	v16 =	vld [tilespmem:$0x980];
	_ =	sdelay $0x4  }
0x236: {  	[tilespmem:s19+$0xE80] =	vst v16  }
0x237: {  	v16 =	vld [tilespmem:$0x990];
	_ =	sdelay $0x4  }
0x238: {  	[tilespmem:s19+$0xE90] =	vst v16  }
0x239: {  	v16 =	vld [tilespmem:$0x9A0];
	_ =	sdelay $0x4  }
0x23a: {  	[tilespmem:s19+$0xEA0] =	vst v16  }
0x23b: {  	v16 =	vld [tilespmem:$0x9B0];
	_ =	sdelay $0x4  }
0x23c: {  	[tilespmem:s19+$0xEB0] =	vst v16  }
0x23d: {  	v16 =	vld [tilespmem:$0x9C0];
	_ =	sdelay $0x4  }
0x23e: {  	[tilespmem:s19+$0xEC0] =	vst v16  }
0x23f: {  	v16 =	vld [tilespmem:$0x9D0];
	_ =	sdelay $0x4  }
0x240: {  	[tilespmem:s19+$0xED0] =	vst v16  }
0x241: {  	v16 =	vld [tilespmem:$0x9E0];
	_ =	sdelay $0x4  }
0x242: {  	[tilespmem:s19+$0xEE0] =	vst v16  }
0x243: {  	v16 =	vld [tilespmem:$0x9F0];
	_ =	sdelay $0x3  }
0x244: {  	s17 =	simm.s32 $0x2  }
0x245: {  	s18 =	smul.u32 s18, s17;
	[tilespmem:s19+$0xEF0] =	vst v16  }
0x246: {  	s31 =	simm.s32 $0x100;
	v16 =	vld [tilespmem:$0x580]  }
0x247: {  	s18 =	sxor.u32 $0xFFFFFFFF, s18;
	s19 =	sand.u32 $0xFFFFFF00, s31  }
0x248: {  	s18 =	sshll.u32 s18, $0x6;
	s19 =	ssub.s32 $0x1F00, s19  }
0x249: {  	s18 =	sand.u32 $0x380, s18;
	s19 =	sand.u32 $0xFFFFF800, s19  }
0x24a: {  	s18 =	sor.u32 s18, s19  }
0x24b: {  	[tilespmem:s18+$0xA80] =	vst v16  }
0x24c: {  	v16 =	vld [tilespmem:$0x590];
	_ =	sdelay $0x4  }
0x24d: {  	[tilespmem:s18+$0xA90] =	vst v16  }
0x24e: {  	v16 =	vld [tilespmem:$0x5A0];
	_ =	sdelay $0x4  }
0x24f: {  	[tilespmem:s18+$0xAA0] =	vst v16  }
0x250: {  	v16 =	vld [tilespmem:$0x5B0];
	_ =	sdelay $0x4  }
0x251: {  	[tilespmem:s18+$0xAB0] =	vst v16  }
0x252: {  	v16 =	vld [tilespmem:$0x5C0];
	_ =	sdelay $0x4  }
0x253: {  	[tilespmem:s18+$0xAC0] =	vst v16  }
0x254: {  	v16 =	vld [tilespmem:$0x5D0];
	_ =	sdelay $0x4  }
0x255: {  	[tilespmem:s18+$0xAD0] =	vst v16  }
0x256: {  	v16 =	vld [tilespmem:$0x5E0];
	_ =	sdelay $0x4  }
0x257: {  	[tilespmem:s18+$0xAE0] =	vst v16  }
0x258: {  	v16 =	vld [tilespmem:$0x5F0];
	_ =	sdelay $0x4  }
0x259: {  	[tilespmem:s18+$0xAF0] =	vst v16  }
0x25a: {  	v16 =	vld [tilespmem:$0x980];
	_ =	sdelay $0x4  }
0x25b: {  	[tilespmem:s18+$0xE80] =	vst v16  }
0x25c: {  	v16 =	vld [tilespmem:$0x990];
	_ =	sdelay $0x4  }
0x25d: {  	[tilespmem:s18+$0xE90] =	vst v16  }
0x25e: {  	v16 =	vld [tilespmem:$0x9A0];
	_ =	sdelay $0x4  }
0x25f: {  	[tilespmem:s18+$0xEA0] =	vst v16  }
0x260: {  	v16 =	vld [tilespmem:$0x9B0];
	_ =	sdelay $0x4  }
0x261: {  	[tilespmem:s18+$0xEB0] =	vst v16  }
0x262: {  	v16 =	vld [tilespmem:$0x9C0];
	_ =	sdelay $0x4  }
0x263: {  	[tilespmem:s18+$0xEC0] =	vst v16  }
0x264: {  	v16 =	vld [tilespmem:$0x9D0];
	_ =	sdelay $0x4  }
0x265: {  	[tilespmem:s18+$0xED0] =	vst v16  }
0x266: {  	v16 =	vld [tilespmem:$0x9E0];
	_ =	sdelay $0x4  }
0x267: {  	[tilespmem:s18+$0xEE0] =	vst v16  }
0x268: {  	s20 =	simm.s32 $0x2;
	s21 =	simm.s32 $0x1F00;
	s19 =	simm.s32 $0x2;
	v16 =	vld [tilespmem:$0x9F0]  }
.LBB2_23:
0x269: {  	_ =	sdelay $0x1  }
0x26a: {  	p0 =	sne.s32 s17, $0xD  }
0x26b: {  	s19 =	sadd.s32 $0x2, s19;
	s22 =	smov.u32 s17;
	s17 =	sadd.s32 $0x1, s17  }
0x26c: {  	s22 =	smul.u32 s22, s17;
	s20 =	sadd.s32 s19, s20;
	[tilespmem:s18+$0xEF0] =	vst v16  }
0x26d: {  	s18 =	sshll.u32 s20, $0x7;
	v16 =	vld [tilespmem:$0x580]  }
0x26e: {  	s21 =	sadd.s32 $0x1000, s21;
	s22 =	sxor.u32 $0xFFFFFFFF, s22;
	s18 =	sand.u32 $0xFFFFFF00, s18  }
0x26f: {  	s22 =	sshll.u32 s22, $0x6;
	s18 =	ssub.s32 s21, s18  }
0x270: {  	s22 =	sand.u32 $0x380, s22;
	s18 =	sand.u32 $0xFFFFF800, s18  }
0x271: {  	s18 =	sor.u32 s22, s18  }
0x272: {  	[tilespmem:s18+$0xA80] =	vst v16  }
0x273: {  	v16 =	vld [tilespmem:$0x590];
	_ =	sdelay $0x4  }
0x274: {  	[tilespmem:s18+$0xA90] =	vst v16  }
0x275: {  	v16 =	vld [tilespmem:$0x5A0];
	_ =	sdelay $0x4  }
0x276: {  	[tilespmem:s18+$0xAA0] =	vst v16  }
0x277: {  	v16 =	vld [tilespmem:$0x5B0];
	_ =	sdelay $0x4  }
0x278: {  	[tilespmem:s18+$0xAB0] =	vst v16  }
0x279: {  	v16 =	vld [tilespmem:$0x5C0];
	_ =	sdelay $0x4  }
0x27a: {  	[tilespmem:s18+$0xAC0] =	vst v16  }
0x27b: {  	v16 =	vld [tilespmem:$0x5D0];
	_ =	sdelay $0x4  }
0x27c: {  	[tilespmem:s18+$0xAD0] =	vst v16  }
0x27d: {  	v16 =	vld [tilespmem:$0x5E0];
	_ =	sdelay $0x4  }
0x27e: {  	[tilespmem:s18+$0xAE0] =	vst v16  }
0x27f: {  	v16 =	vld [tilespmem:$0x5F0];
	_ =	sdelay $0x4  }
0x280: {  	[tilespmem:s18+$0xAF0] =	vst v16  }
0x281: {  	v16 =	vld [tilespmem:$0x980];
	_ =	sdelay $0x4  }
0x282: {  	[tilespmem:s18+$0xE80] =	vst v16  }
0x283: {  	v16 =	vld [tilespmem:$0x990];
	_ =	sdelay $0x4  }
0x284: {  	[tilespmem:s18+$0xE90] =	vst v16  }
0x285: {  	v16 =	vld [tilespmem:$0x9A0];
	_ =	sdelay $0x4  }
0x286: {  	[tilespmem:s18+$0xEA0] =	vst v16  }
0x287: {  	v16 =	vld [tilespmem:$0x9B0];
	_ =	sdelay $0x4  }
0x288: {  	[tilespmem:s18+$0xEB0] =	vst v16  }
0x289: {  	v16 =	vld [tilespmem:$0x9C0];
	_ =	sdelay $0x4  }
0x28a: {  	[tilespmem:s18+$0xEC0] =	vst v16  }
0x28b: {  	v16 =	vld [tilespmem:$0x9D0];
	_ =	sdelay $0x4  }
0x28c: {  	[tilespmem:s18+$0xED0] =	vst v16  }
0x28d: {  	v16 =	vld [tilespmem:$0x9E0];
	_ =	sdelay $0x1  }
.Ltmp13:
0x28e: {  	(pc) =	sbr.rel @p0 .LBB2_23-.Ltmp13, $3  }
0x28f: {  	_ =	sdelay $0x1  }
0x290: {  	[tilespmem:s18+$0xEE0] =	vst v16  }
0x291: {  	v16 =	vld [tilespmem:$0x9F0]  }
0x292: {  	_ =	sdelay $0x3  }
0x293: {  	[tilespmem:s18+$0xEF0] =	vst v16  }
0x294: {  	v16 =	vld [tilespmem:$0x600]  }
0x295: {  	v17 =	vld [tilespmem:$0x610]  }
0x296: {  	v18 =	vld [tilespmem:$0x620]  }
0x297: {  	v19 =	vld [tilespmem:$0x630]  }
0x298: {  	v20 =	vld [tilespmem:$0x640]  }
0x299: {  	[tilespmem:$0x8D80] =	vst v16;
	v16 =	vld [tilespmem:$0x650]  }
0x29a: {  	[tilespmem:$0x8D90] =	vst v17;
	v17 =	vld [tilespmem:$0x660]  }
0x29b: {  	[tilespmem:$0x8DA0] =	vst v18;
	v18 =	vld [tilespmem:$0x670]  }
0x29c: {  	[tilespmem:$0x8DB0] =	vst v19;
	v19 =	vld [tilespmem:$0xA00]  }
0x29d: {  	[tilespmem:$0x8DC0] =	vst v20;
	v20 =	vld [tilespmem:$0xA10]  }
0x29e: {  	[tilespmem:$0x8DD0] =	vst v16;
	v16 =	vld [tilespmem:$0xA20]  }
0x29f: {  	[tilespmem:$0x8DE0] =	vst v17;
	v17 =	vld [tilespmem:$0xA30]  }
0x2a0: {  	[tilespmem:$0x8DF0] =	vst v18;
	v18 =	vld [tilespmem:$0xA40]  }
0x2a1: {  	[tilespmem:$0x9180] =	vst v19;
	v19 =	vld [tilespmem:$0xA50]  }
0x2a2: {  	[tilespmem:$0x9190] =	vst v20;
	v20 =	vld [tilespmem:$0xA60]  }
0x2a3: {  	[tilespmem:$0x91A0] =	vst v16;
	v16 =	vld [tilespmem:$0xA70]  }
0x2a4: {  	[tilespmem:$0x91B0] =	vst v17;
	v17 =	vld [tilespmem:$0x600]  }
0x2a5: {  	[tilespmem:$0x91C0] =	vst v18;
	v18 =	vld [tilespmem:$0x610]  }
0x2a6: {  	[tilespmem:$0x91D0] =	vst v19;
	v19 =	vld [tilespmem:$0x620]  }
0x2a7: {  	[tilespmem:$0x91E0] =	vst v20;
	v20 =	vld [tilespmem:$0x630]  }
0x2a8: {  	[tilespmem:$0x91F0] =	vst v16;
	v16 =	vld [tilespmem:$0x640]  }
0x2a9: {  	[tilespmem:$0x8E00] =	vst v17;
	v17 =	vld [tilespmem:$0x650]  }
0x2aa: {  	[tilespmem:$0x8E10] =	vst v18;
	v18 =	vld [tilespmem:$0x660]  }
0x2ab: {  	[tilespmem:$0x8E20] =	vst v19;
	v19 =	vld [tilespmem:$0x670]  }
0x2ac: {  	[tilespmem:$0x8E30] =	vst v20;
	v20 =	vld [tilespmem:$0xA00]  }
0x2ad: {  	[tilespmem:$0x8E40] =	vst v16;
	v16 =	vld [tilespmem:$0xA10]  }
0x2ae: {  	[tilespmem:$0x8E50] =	vst v17;
	v17 =	vld [tilespmem:$0xA20]  }
0x2af: {  	[tilespmem:$0x8E60] =	vst v18;
	v18 =	vld [tilespmem:$0xA30]  }
0x2b0: {  	[tilespmem:$0x8E70] =	vst v19;
	v19 =	vld [tilespmem:$0xA40]  }
0x2b1: {  	[tilespmem:$0x9200] =	vst v20;
	v20 =	vld [tilespmem:$0xA50]  }
0x2b2: {  	[tilespmem:$0x9210] =	vst v16;
	v16 =	vld [tilespmem:$0xA60]  }
0x2b3: {  	[tilespmem:$0x9220] =	vst v17;
	v17 =	vld [tilespmem:$0xA70]  }
0x2b4: {  	[tilespmem:$0x9230] =	vst v18  }
0x2b5: {  	[tilespmem:$0x9240] =	vst v19  }
0x2b6: {  	s15 =	sadd.s32 $0x1, s15;
	[tilespmem:$0x9250] =	vst v20  }
0x2b7: {  	p0 =	sne.s32 s15, $0x4;
	[tilespmem:$0x9260] =	vst v16  }
.Ltmp14:
0x2b8: {  	s16 =	sadd.s32 $0x3F00, s16;
	[tilespmem:$0x9270] =	vst v17;
	(pc) =	sbr.rel @p0 .LBB2_2-.Ltmp14, $4  }
0x2b9: {  	[hbm4b:s16+s2] =	stream.linear.scatter [tilespmem:s13], [sflag:$0x1], $0x8800, $0x38;
	[tilespmem:$0xB280] =	vst v63  }
0x2ba: {  	_ =	swait.ge [sflag:s10], $0x8800  }
0x2bb: {  	[sflag:s10] =	ssyncset.done $0x0  }
0x2bc: {  	v1 =	vld [tilespmem:$0x1FFB0];
	[sflag:s10] =	ssyncadd.s32 $0xFFFF7800  }
0x2bd: {  	s14 =	sadd.s32 $0x1, s14  }
0x2be: {  	p0 =	sne.s32 s14, s8  }
.Ltmp15:
0x2bf: {  	_ = 	snop;
	(pc) =	sbr.rel @p0 .LBB2_1-.Ltmp15, $1  }
0x2c0: {  	_ =	sdelay $0x3  }
0x2c1: {  	_ =	sfence.sel $0x180000  }
0x2c2: {  	[bflag:$0x0] =	sbarrier.arrive $0xFFFF  }
0x2c3: {  	p0 =	sne.s32 s3, $0x0;
	_ =	strace $0x90000047  }
0x2c4: {  	s0 =	sadd.s32 @!p0 $0x100000, s0;
	[bflag:$0x2] =	sbarrier.arrive $0xFFFF  }
0x2c5: {  	[sflag:s0] =	ssyncadd.tile.s32 @!p0 $0x1;
	_ =	shalt  }
.Lfunc_end2:
_tile_overlayer_lowered:
.L_overlay_start_2:
0x2c6: {  	(tag) =	ssettag $0x2  }
0x2c7: {  	s0 =	rddreg [dreg:$0x0];
	s2 =	stileid.u32  }
0x2c8: {  	s1 =	rddreg [dreg:$0x1];
	p0 =	sne.s32 s2, $0x0  }
0x2c9: {  	s3 =	rddreg [dreg:$0x2];
	[bflag:$0x3] =	sbarrier.arrive $0xFFFF;
	s2 =	simm.s32 @!p0 $0x1C01  }
0x2ca: {  	[timem:s3], [sflag:s2] =	dma.local @!p0 [hbm:s0], s1  }
0x2cb: {  	s0 =	simm.s32 @!p0 $0x1  }
0x2cc: {  	_ =	swait.ge @!p0 [sflag:s0], s1  }
0x2cd: {  	s1 =	ssub.s32 @!p0 $0x0, s1;
	[sflag:s0] =	ssyncset.done @!p0 $0x0  }
0x2ce: {  	[sflag:s0] =	ssyncadd.s32 @!p0 s1  }
0x2cf: {  	[bflag:$0x3] =	sbarrier.arrive $0xFFFF  }
0x2d0: {  	_ =	shalt  }

// kernel: sparse-core-data-format-call.cloned.1.call-start
scs
called_computation_lowered:
.L_overlay_start_0:
0x0: {  	s2 =	sld [smem:$0x3FD9]  }
0x1: {  	s3 =	sld [smem:$0x3FFE];
	_ =	sdelay $0x1  }
0x2: {  	s1 =	srdreg.scid  }
0x3: {  	s0 =	sand.u32 $0x1, s1  }
0x4: {  	s18 =	sshll.u32 s0, $0xA;
	s2 =	sadd.s32 s3, s2  }
0x5: {  	s2 =	sadd.s32 s2, s18  }
0x6: {  	[smem:$0x3FC1] =	sst s2  }
0x7: {  	_ = 	snop  }
0x8: {  	s2 =	sld [smem:$0x3FD0];
	(tm) =	ssettm $0x1  }
0x9: {  	s19 =	sld [smem:$0x3FFB];
	_ =	sdelay $0x3  }
0xa: {  	_ =	strace s19  }
0xb: {  	s3 =	sld [smem:$0x3FFC];
	_ =	sdelay $0x3  }
0xc: {  	_ =	strace s3  }
0xd: {  	s3 =	sld [smem:$0x3FFD];
	_ =	sdelay $0x3  }
0xe: {  	_ =	strace s3  }
0xf: {  	_ =	strace $0x8FFFFFFF  }
0x10: {  	s20 =	sld [smem:$0x3FDB];
	_ =	sdelay $0x1  }
0x11: {  	s4 =	simm.s32 $_scs_section_size  }
0x12: {  	s5 =	simm.s32 $_size__tile_overlayer_lowered;
	s6 =	simm.s32 $_tile_overlayer_lowered  }
0x13: {  	s23 =	simm.s32 $0x1BFF;
	s22 =	sshll.u32 s6, $0x1;
	s3 =	sadd.s32 s4, s20  }
0x14: {  	s7 =	simm.s32 $0x0;
	s21 =	sshll.u32 s5, $0x1;
	s5 =	sadd.s32 s22, s3  }
0x15: {  	[timem:s7], [sflag:s23] =	dma.local [hbm:s5], s21  }
0x16: {  	_ =	swait.ge [sflag:s23], s21  }
0x17: {  	s4 =	ssub.s32 $0x0, s21;
	[sflag:s23] =	ssyncset.done $0x0  }
0x18: {  	[sflag:s23] =	ssyncadd.s32 s4;
	_ =	sdelay $0x1  }
0x19: {  	s24 =	simm.s32 $0x1B8B  }
0x1a: {  	_ =	swait.ge [sflag:s24], $0x1  }
0x1b: {  	[sflag:s24] =	ssyncset.done $0x0  }
0x1c: {  	s26 =	simm.s32 $0x1B8E;
	s25 =	sld [smem:$0x3FFE];
	[sflag:s24] =	ssyncadd.s32 $0xFFFFFFFF  }
0x1d: {  	s27 =	simm.s32 $execute0_lowered;
	[smem:$0x3FD2] =	sst s26  }
0x1e: {  	s5 =	sshll.u32 s27, $0x1;
	_ =	strace $0x80000049;
	[dreg:$0x1] =	wrdreg $0xFFFFFFFF  }
0x1f: {  	s28 =	simm.s32 $_size_execute0_lowered;
	s3 =	sadd.s32 s3, s5;
	[dreg:$0x0] =	wrdreg $0x0  }
0x20: {  	s5 =	sshll.u32 s28, $0x1;
	[dreg:$0x2] =	wrdreg s3  }
0x21: {  	[dreg:$0x3] =	wrdreg s5  }
0x22: {  	[dreg:$0x4] =	wrdreg $0xC0  }
0x23: {  	_ =	task [dreg:s7], $0x5FFFF  }
0x24: {  	[dreg:$0x1] =	wrdreg $0xFFFFFFFF  }
0x25: {  	[dreg:$0x0] =	wrdreg $0x60  }
0x26: {  	[dreg:$0x2] =	wrdreg s25  }
0x27: {  	[dreg:$0x3] =	wrdreg s2  }
0x28: {  	[dreg:$0x4] =	wrdreg $0x9  }
0x29: {  	_ =	task.clear_ibuf [dreg:s7], $0x5FFFF;
	_ =	strace $0x90000049  }
0x2a: {  	s29 =	simm.s32 $0x9;
	_ =	strace $0x8000004B  }
0x2b: {  	_ =	swait.ge [sflag:s29], $0x1  }
0x2c: {  	[sflag:s29] =	ssyncadd.s32 $0xFFFFFFFF  }
0x2d: {  	_ =	strace $0x9000004B  }
0x2e: {  	_ =	sfence  }
0x2f: {  	s30 =	sld [smem:$0x0];
	_ =	sdelay $0x2  }
0x30: {  	s31 =	sshll.u32 s1, $0xD;
	s1 =	sshrl.u32 s1, $0x2  }
0x31: {  	s3 =	sand.u32 $0x4000, s31;
	s1 =	sadd.s32 s1, s30  }
0x32: {  	s0 =	sor.u32 s3, s0;
	s1 =	sshll.u32 s1, $0x11  }
0x33: {  	s0 =	sor.u32 s1, s0  }
0x34: {  	s0 =	sadd.s32 $0x8F2B, s0  }
0x35: {  	[sflag:s0] =	ssyncadd.remote.s32 $0x1  }
0x36: {  	_ =	sfence.sel $0xFFFF  }
0x37: {  	[dreg:$0x0] =	wrdreg $0xFFFFFFFF;
	(pc) =	sbr.abs _section_cstart, $3  }
0x38: {  	[dreg:$0x1] =	wrdreg $0xFFFFFFFF  }
0x39: {  	_ =	task.clear_ibuf [dreg:s7], $0x2FFFF;
	_ =	strace $0x9FFFFFFF  }
0x3a: {  	(tm) =	ssettm $0x7FFFFFFF  }
0x3b: {  	_ =	shalt  }
tec
execute0_lowered:
.L_overlay_start_1:
0x0: {  	(tag) =	ssettag $0x1  }
0x1: {  	s6 =	rddreg [dreg:$0x0]  }
0x2: {  	s0 =	srdreg.scid;
	s3 =	rddreg [dreg:$0x1];
	s5 =	simm.s32 $0x27  }
0x3: {  	s31 =	simm.s32 $0x2;
	s17 =	simm.s32 $0x0;
	s9 =	simm.s32 $0x400  }
0x4: {  	s10 =	simm.s32 $0x800;
	s11 =	simm.s32 $0x0;
	s0 =	sshll.u32 s0, $0x7  }
0x5: {  	s15 =	simm.s32 $0x0;
	s16 =	simm.s32 $0x0;
	s2 =	sand.u32 $0x80, s0  }
0x6: {  	s12 =	stileid.u32;
	s0 =	stileid.u32;
	s1 =	ssub.s32 $0x100, s2  }
0x7: {  	s13 =	simm.s32 $0x0;
	p0 =	seq.s32 s0, $0xF;
	s4 =	sshrl.u32 s1, $0x7  }
.Ltmp0:
0x8: {  	s7 =	sshrl.u32 s1, $0x8;
	s4 =	sand.u32 $0x1, s4;
	(pc) =	sbr.rel .LBB1_1-.Ltmp0, $4  }
0x9: {  	s1 =	rddreg [dreg:$0x2];
	s5 =	simm.s32 @!p0 $0x28;
	s7 =	sadd.s32 s7, s4  }
0xa: {  	_ =	strace $0x8000004A;
	s4 =	simm.s32 $0x1;
	s5 =	smul.u32 s5, s7  }
0xb: {  	s14 =	simm.s32 $0x0;
	s6 =	sadd.s32 $0xA00, s6;
	[sflag:s4] =	ssyncpa.u1 $0x0  }
0xc: {  	s7 =	sshll.u32 s2, $0x3;
	[sflag:s31] =	ssyncpa.u1 $0x0;
	s8 =	sadd.s32 $0x1, s5  }
.LBB1_4:
0xd: {  	_ =	sdelay $0x3  }
0xe: {  	[tilespmem:v0+s20+$0xFFFFFFD0 ss:$0x1] =	vst.idx.msk $0xffff, v6  }
0xf: {  	v56 =	vld.idx.msk [tilespmem:v1+s19+$0x0 ss:$0x1], $0xffff;
	[tilespmem:v0+s20+$0xFFFFFFE0 ss:$0x1] =	vst.idx.msk $0xffff, v4  }
0x10: {  	v57 =	vld.idx.msk [tilespmem:v1+s19+$0xFFFFFF90 ss:$0x1], $0xffff;
	[tilespmem:v0+s20+$0xFFFFFFF0 ss:$0x1] =	vst.idx.msk $0xffff, v2  }
0x11: {  	v58 =	vld.idx.msk [tilespmem:v1+s19+$0xFFFFFFA0 ss:$0x1], $0xffff;
	[tilespmem:v0+s20+$0x0 ss:$0x1] =	vst.idx.msk $0xffff, v3  }
0x12: {  	v59 =	vld.idx.msk [tilespmem:v1+s19+$0xFFFFFFB0 ss:$0x1], $0xffff;
	[tilespmem:v0+s20+$0x10 ss:$0x1] =	vst.idx.msk $0xffff, v5  }
0x13: {  	v60 =	vld.idx.msk [tilespmem:v1+s19+$0xFFFFFFC0 ss:$0x1], $0xffff;
	[tilespmem:v0+s20+$0x20 ss:$0x1] =	vst.idx.msk $0xffff, v7  }
0x14: {  	v61 =	vld.idx.msk [tilespmem:v1+s19+$0xFFFFFFD0 ss:$0x1], $0xffff;
	[tilespmem:v0+s19+$0x30 ss:$0x1] =	vst.idx.msk $0xffff, v56  }
0x15: {  	v62 =	vld.idx.msk [tilespmem:v1+s19+$0xFFFFFFE0 ss:$0x1], $0xffff;
	s29 =	sshll.u32 s16, $0x8;
	[tilespmem:v0+s19+$0xFFFFFFC0 ss:$0x1] =	vst.idx.msk $0xffff, v57  }
0x16: {  	v63 =	vld.idx.msk [tilespmem:v1+s19+$0xFFFFFFF0 ss:$0x1], $0xffff;
	s17 =	sshll.u32 s17, $0x3;
	s21 =	sshll.u32 s16, $0x7;
	s20 =	sand.u32 $0x7800, s29;
	[tilespmem:v0+s19+$0xFFFFFFD0 ss:$0x1] =	vst.idx.msk $0xffff, v58  }
0x17: {  	s30 =	sand.u32 $0x300, s21;
	s17 =	sor.u32 s20, s17;
	[tilespmem:v0+s19+$0xFFFFFFE0 ss:$0x1] =	vst.idx.msk $0xffff, v59  }
0x18: {  	s15 =	sshll.u32 s15, $0xC;
	s31 =	sshll.u32 s16, $0x4;
	s17 =	sor.u32 s30, s17;
	[tilespmem:v0+s19+$0xFFFFFFF0 ss:$0x1] =	vst.idx.msk $0xffff, v60  }
0x19: {  	s16 =	sand.u32 $0x10, s31;
	s15 =	sadd.s32 s3, s15;
	s17 =	sshrl.u32 s17, $0x3;
	[tilespmem:v0+s19+$0x0 ss:$0x1] =	vst.idx.msk $0xffff, v61  }
0x1a: {  	s15 =	sadd.s32 s16, s15;
	[tilespmem:v0+s19+$0x10 ss:$0x1] =	vst.idx.msk $0xffff, v62;
	s17 =	sand.u32 $0xFE0, s17  }
0x1b: {  	[tilespmem:v0+s19+$0x20 ss:$0x1] =	vst.idx.msk $0xffff, v63;
	s15 =	sadd.s32 s17, s15  }
0x1c: {  	[hbm4b:s15+s9] =	stream.strided.scatter [tilespmem:s18], [sflag:$0x2], $0x4000, s10, s9, $0x38;
	[tilespmem:$0x10000] =	vst v63  }
.LBB1_5:
0x1d: {  	s18 =	sadd.s32 $0x10, s12  }
0x1e: {  	s15 =	sadd.s32 $0x80, s13;
	s19 =	smov.u32 s13;
	p1 =	sgt.s32 s18, $0x27E  }
0x1f: {  	s19 =	smov.u32 @p1 s15  }
0x20: {  	s18 =	smov.u32 @p1 s0;
	p1 =	sgt.s32 s19, $0x7F  }
0x21: {  	s19 =	simm.s32 @p1 $0x0;
	p1 =	sne.s32 s14, s8  }
.Ltmp1:
0x22: {  	p0 =	slt.u32 s14, $0x2;
	(pc) =	sbr.rel @!p1 .LBB1_6-.Ltmp1, $4  }
0x23: {  	s16 =	smov.u32 s13;
	s17 =	simm.s32 @!p0 $0x2  }
0x24: {  	s11 =	sadd.s32 $0x4000, s11;
	_ =	swait.ge @!p0 [sflag:s17], $0x4000;
	s15 =	smov.u32 s12  }
0x25: {  	[sflag:s17] =	ssyncset.done @!p0 $0x0;
	s12 =	smov.u32 s18;
	s14 =	sadd.s32 $0x1, s14  }
0x26: {  	[sflag:s17] =	ssyncadd.s32 @!p0 $0xFFFFC000;
	s17 =	smov.u32 s2;
	s13 =	smov.u32 s19  }
.LBB1_1:
0x27: {  	p0 =	sge.u32 s14, s5  }
0x28: {  	s18 =	sshll.u32 @!p0 s12, $0x8  }
0x29: {  	s19 =	sshll.u32 @!p0 s12, $0x7;
	s18 =	sand.u32 @!p0 $0xFFFFF800, s18  }
0x2a: {  	s19 =	sand.u32 @!p0 $0x300, s19;
	s18 =	sor.u32 @!p0 s7, s18  }
0x2b: {  	s18 =	sor.u32 @!p0 s19, s18  }
0x2c: {  	s18 =	sshrl.u32 @!p0 s18, $0x8  }
0x2d: {  	s19 =	smulhi.u32 @!p0 $0xCCCCCD, s18;
	_ =	sdelay $0x1  }
0x2e: {  	s19 =	sshrl.u32 @!p0 s19, $0x1  }
0x2f: {  	s19 =	smul.u32 @!p0 $0x280, s19  }
0x30: {  	s31 =	sadd.s32 $0xFFFFFFFF, s14;
	s20 =	smul.u32 @!p0 $0x5000, s13  }
0x31: {  	s21 =	sxor.u32 @!p0 $0xFFFFFFFF, s14;
	s18 =	ssub.s32 @!p0 s18, s19;
	s19 =	sshll.u32 @!p0 s12, $0x4  }
0x32: {  	s21 =	sshll.u32 @!p0 s21, $0xE;
	s20 =	sadd.s32 @!p0 s6, s20;
	s19 =	sand.u32 @!p0 $0x10, s19  }
0x33: {  	s21 =	sand.u32 @!p0 $0x4000, s21;
	s18 =	sshll.u32 @!p0 s18, $0x5;
	s19 =	sadd.s32 @!p0 s19, s20  }
0x34: {  	s20 =	simm.s32 @!p0 $0x28000;
	s18 =	sadd.s32 @!p0 s18, s19;
	s19 =	simm.s32 @!p0 $0x80  }
0x35: {  	[tilespmem:s21], [sflag:$0x1] =	stream.strided.gather @!p0 [hbm4b:s18+s19], $0x4000, s20, s19, $0x38;
	[tilespmem:$0x10000] =	vst v63  }
0x36: {  	p0 =	sge.u32 s31, s5  }
.Ltmp2:
0x37: {  	_ = 	snop;
	(pc) =	sbr.rel @p0 .LBB1_5-.Ltmp2, $1  }
0x38: {  	_ =	sdelay $0x3  }
0x39: {  	s18 =	sand.u32 $0x4000, s11  }
0x3a: {  	s19 =	sor.u32 $0x70, s18  }
0x3b: {  	v1 =	vmov s19;
	_ =	sdelay $0x1  }
0x3c: {  	_ =	swait.ge [sflag:s4], $0x4000  }
0x3d: {  	[sflag:s4] =	ssyncset.done $0x0  }
0x3e: {  	s20 =	simm.s32 $0x0;
	[sflag:s4] =	ssyncadd.s32 $0xFFFFC000  }
0x3f: {  	s18 =	sor.u32 $0x8040, s18;
	v7 =	vld.idx.msk [tilespmem:v1+s20+$0x0 ss:$0x1], $0xffff  }
0x40: {  	v0 =	vmov s18;
	v8 =	vld.idx.msk [tilespmem:v1+s20+$0xFFFFFF90 ss:$0x1], $0xffff  }
0x41: {  	v6 =	vld.idx.msk [tilespmem:v1+s20+$0xFFFFFFA0 ss:$0x1], $0xffff  }
0x42: {  	v4 =	vld.idx.msk [tilespmem:v1+s20+$0xFFFFFFB0 ss:$0x1], $0xffff  }
0x43: {  	v2 =	vld.idx.msk [tilespmem:v1+s20+$0xFFFFFFC0 ss:$0x1], $0xffff  }
0x44: {  	s31 =	sshll.u32 s14, $0xE;
	v3 =	vld.idx.msk [tilespmem:v1+s20+$0xFFFFFFD0 ss:$0x1], $0xffff  }
0x45: {  	s18 =	sand.u32 $0x4000, s31;
	v5 =	vld.idx.msk [tilespmem:v1+s20+$0xFFFFFFE0 ss:$0x1], $0xffff;
	[tilespmem:v0+s20+$0x30 ss:$0x1] =	vst.idx.msk $0xffff, v7  }
0x46: {  	s21 =	simm.s32 $0x400;
	s19 =	simm.s32 $0x80;
	s18 =	sor.u32 $0x8000, s18;
	[tilespmem:v0+s20+$0xFFFFFFC0 ss:$0x1] =	vst.idx.msk $0xffff, v8;
	v7 =	vld.idx.msk [tilespmem:v1+s20+$0xFFFFFFF0 ss:$0x1], $0xffff  }
.LBB1_3:
0x47: {  	p0 =	sne.s32 s21, $0xFE00;
	v8 =	vld.idx.msk [tilespmem:v1+s19+$0x0 ss:$0x1], $0xffff;
	[tilespmem:v0+s20+$0xFFFFFFD0 ss:$0x1] =	vst.idx.msk $0xffff, v6  }
0x48: {  	v9 =	vld.idx.msk [tilespmem:v1+s19+$0xFFFFFF90 ss:$0x1], $0xffff;
	[tilespmem:v0+s20+$0xFFFFFFE0 ss:$0x1] =	vst.idx.msk $0xffff, v4  }
0x49: {  	v6 =	vld.idx.msk [tilespmem:v1+s19+$0xFFFFFFA0 ss:$0x1], $0xffff;
	[tilespmem:v0+s20+$0xFFFFFFF0 ss:$0x1] =	vst.idx.msk $0xffff, v2  }
.Ltmp3:
0x4a: {  	v4 =	vld.idx.msk [tilespmem:v1+s19+$0xFFFFFFB0 ss:$0x1], $0xffff;
	[tilespmem:v0+s20+$0x0 ss:$0x1] =	vst.idx.msk $0xffff, v3;
	(pc) =	sbr.rel @p0 .LBB1_3-.Ltmp3, $4  }
0x4b: {  	v2 =	vld.idx.msk [tilespmem:v1+s19+$0xFFFFFFC0 ss:$0x1], $0xffff;
	[tilespmem:v0+s20+$0x10 ss:$0x1] =	vst.idx.msk $0xffff, v5  }
0x4c: {  	v3 =	vld.idx.msk [tilespmem:v1+s19+$0xFFFFFFD0 ss:$0x1], $0xffff;
	[tilespmem:v0+s20+$0x20 ss:$0x1] =	vst.idx.msk $0xffff, v7;
	s20 =	smov.u32 s19  }
0x4d: {  	v5 =	vld.idx.msk [tilespmem:v1+s20+$0xFFFFFFE0 ss:$0x1], $0xffff;
	[tilespmem:v0+s20+$0x30 ss:$0x1] =	vst.idx.msk $0xffff, v8  }
0x4e: {  	s19 =	sshra.s32 s21, $0x2;
	s21 =	sadd.s32 $0x200, s21;
	[tilespmem:v0+s20+$0xFFFFFFC0 ss:$0x1] =	vst.idx.msk $0xffff, v9;
	v7 =	vld.idx.msk [tilespmem:v1+s20+$0xFFFFFFF0 ss:$0x1], $0xffff  }
.Ltmp4:
0x4f: {  	_ = 	snop;
	(pc) =	sbr.rel .LBB1_4-.Ltmp4, $1  }
0x50: {  	_ =	sdelay $0x3  }
.LBB1_6:
0x51: {  	_ =	sfence.sel $0x180000  }
0x52: {  	s2 =	simm.s32 $0x1;
	[bflag:$0x0] =	sbarrier.arrive $0xFFFF  }
0x53: {  	s31 =	simm.s32 $0x2;
	[sflag:s2] =	ssyncpa.u1 $0x1  }
0x54: {  	[sflag:s31] =	ssyncpa.u1 $0x1  }
0x55: {  	p0 =	sne.s32 s0, $0x0;
	_ =	strace $0x9000004A  }
0x56: {  	s0 =	sadd.s32 @!p0 $0x100000, s1;
	[bflag:$0x2] =	sbarrier.arrive $0xFFFF  }
0x57: {  	[sflag:s0] =	ssyncadd.tile.s32 @!p0 $0x1;
	_ =	shalt  }
.Lfunc_end1:
_tile_overlayer_lowered:
.L_overlay_start_2:
0x58: {  	(tag) =	ssettag $0x2  }
0x59: {  	s0 =	rddreg [dreg:$0x0];
	s2 =	stileid.u32  }
0x5a: {  	s1 =	rddreg [dreg:$0x1];
	p0 =	sne.s32 s2, $0x0  }
0x5b: {  	s3 =	rddreg [dreg:$0x2];
	[bflag:$0x3] =	sbarrier.arrive $0xFFFF;
	s2 =	simm.s32 @!p0 $0x1C01  }
0x5c: {  	[timem:s3], [sflag:s2] =	dma.local @!p0 [hbm:s0], s1  }
0x5d: {  	s0 =	simm.s32 @!p0 $0x1  }
0x5e: {  	_ =	swait.ge @!p0 [sflag:s0], s1  }
0x5f: {  	s1 =	ssub.s32 @!p0 $0x0, s1;
	[sflag:s0] =	ssyncset.done @!p0 $0x0  }
0x60: {  	[sflag:s0] =	ssyncadd.s32 @!p0 s1  }
0x61: {  	[bflag:$0x3] =	sbarrier.arrive $0xFFFF  }
0x62: {  	_ =	shalt  }

</sc_bundles>
